<compile_context>
chip_gen: v7x
topology: tpu7x:2x2x1
jax: 0.10.2.dev20260603
libtpu: 0.0.44.dev20260713+nightly
codegen_flags: <defaults>
</compile_context>

<pallas_src>
import functools

import jax
import jax.numpy as jnp
from jax import lax
from jax.experimental import pallas as pl
from jax.experimental.pallas import tpu as pltpu
from jax.experimental.pallas import tpu_sc as plsc

DIM = 128
LANES = 16
CHUNK = 64
NBUF = 4
AHEAD = 3


def kernel(u, i, U_emb, V_emb):
    B = u.shape[0]
    info = plsc.get_sparse_core_info()
    n_cores = info.num_cores
    nw = n_cores * info.num_subcores
    b_per_w = B // nw
    n_chunks = b_per_w // CHUNK

    mesh = plsc.VectorSubcoreMesh(core_axis_name="c", subcore_axis_name="s",
                                  num_cores=n_cores)

    @functools.partial(
        pl.kernel,
        out_type=jax.ShapeDtypeStruct((B,), jnp.float32),
        mesh=mesh,
        compiler_params=pltpu.CompilerParams(
            needs_layout_passes=False,
            skip_device_barrier=True,
            disable_bounds_checks=True,
            disable_semaphore_checks=True,
        ),
        scratch_types=[
            pltpu.VMEM((b_per_w,), jnp.int32),
            pltpu.VMEM((b_per_w,), jnp.int32),
            pltpu.VMEM((NBUF, CHUNK, DIM), jnp.float32),
            pltpu.VMEM((NBUF, CHUNK, DIM), jnp.float32),
            pltpu.VMEM((b_per_w,), jnp.float32),
            pltpu.SemaphoreType.DMA((NBUF,)),
            pltpu.SemaphoreType.DMA((NBUF,)),
            pltpu.SemaphoreType.DMA,
            pltpu.SemaphoreType.DMA,
        ],
    )
    def mf(u_hbm, i_hbm, U_hbm, V_hbm, out_hbm,
           uidx_v, iidx_v, urows_v, vrows_v, out_v, sem_u, sem_v,
           sem_idx, sem_o):
        wid = lax.axis_index("s") * n_cores + lax.axis_index("c")
        wbase = wid * b_per_w
        lane_iota = jax.lax.iota(jnp.int32, LANES)

        def start(c):
            slot = c % NBUF
            return (
                pltpu.async_copy(U_hbm.at[uidx_v.at[pl.ds(c * CHUNK, CHUNK)]],
                                 urows_v.at[slot], sem_u.at[slot]),
                pltpu.async_copy(V_hbm.at[iidx_v.at[pl.ds(c * CHUNK, CHUNK)]],
                                 vrows_v.at[slot], sem_v.at[slot]),
            )

        rest = b_per_w - CHUNK
        ia = pltpu.async_copy(u_hbm.at[pl.ds(wbase, CHUNK)],
                              uidx_v.at[pl.ds(0, CHUNK)], sem_idx)
        ib = pltpu.async_copy(i_hbm.at[pl.ds(wbase, CHUNK)],
                              iidx_v.at[pl.ds(0, CHUNK)], sem_idx)
        ic = pltpu.async_copy(u_hbm.at[pl.ds(wbase + CHUNK, rest)],
                              uidx_v.at[pl.ds(CHUNK, rest)], sem_idx)
        id_ = pltpu.async_copy(i_hbm.at[pl.ds(wbase + CHUNK, rest)],
                               iidx_v.at[pl.ds(CHUNK, rest)], sem_idx)
        ia.wait()
        ib.wait()
        copies = {0: start(0)}
        ic.wait()
        id_.wait()
        for c in range(1, min(AHEAD + 1, n_chunks)):
            copies[c] = start(c)

        def compute(c):
            slot = c % NBUF
            ur = urows_v.at[slot]
            vr = vrows_v.at[slot]

            def group_body(g, carry2):
                def row_body(k, tot):
                    r = g * LANES + k
                    acc = ur[r, pl.ds(0, LANES)] * vr[r, pl.ds(0, LANES)]
                    for cc in range(1, DIM // LANES):
                        acc = acc + (ur[r, pl.ds(cc * LANES, LANES)]
                                     * vr[r, pl.ds(cc * LANES, LANES)])
                    return jnp.where(lane_iota == k, jnp.sum(acc), tot)

                tot = lax.fori_loop(0, LANES, row_body,
                                    jnp.zeros((LANES,), jnp.float32))
                out_v[pl.ds(c * CHUNK + g * LANES, LANES)] = tot
                return carry2

            lax.fori_loop(0, CHUNK // LANES, group_body, 0)

        for c in range(n_chunks):
            cu, cv = copies.pop(c)
            cu.wait()
            cv.wait()
            compute(c)
            nxt = c + AHEAD + 1
            if nxt < n_chunks:
                copies[nxt] = start(nxt)
            pltpu.async_copy(out_v.at[pl.ds(c * CHUNK, CHUNK)],
                             out_hbm.at[pl.ds(wbase + c * CHUNK, CHUNK)],
                             sem_o)

        for c in range(n_chunks):
            pltpu.make_async_copy(
                out_v.at[pl.ds(c * CHUNK, CHUNK)],
                out_hbm.at[pl.ds(wbase + c * CHUNK, CHUNK)],
                sem_o,
            ).wait()

    return mf(u.astype(jnp.int32), i.astype(jnp.int32), U_emb, V_emb)

# --- scband reference (transcript-rebuilt; emitter-appended) ---
"""Pipeline reference for scband-mf-11261404250205 (READ-ONLY COPY).

The authoritative reference and input builder live on the scoring server;
editing this copy changes nothing except your own understanding.
"""

import jax, jax.numpy as jnp
import numpy as np

N_USER = 1000000
N_ITEM = 1000000
DIM = 128
BATCH = 16384

def setup_inputs(seed: int = 0) -> dict:
    key = jax.random.key(seed)
    k1, k2, k3, k4 = jax.random.split(key, 4)
    u = jax.random.randint(k1, (BATCH,), 0, N_USER, dtype=jnp.int64 if jax.config.jax_enable_x64 else jnp.int32)
    i = jax.random.randint(k2, (BATCH,), 0, N_ITEM, dtype=jnp.int64 if jax.config.jax_enable_x64 else jnp.int32)
    U_emb = jax.random.normal(k3, (N_USER, DIM), dtype=jnp.float32)
    V_emb = jax.random.normal(k4, (N_ITEM, DIM), dtype=jnp.float32)
    return {"u": u, "i": i, "U_emb": U_emb, "V_emb": V_emb}

def reference(u, i, U_emb, V_emb):
    # MF.forward: user = U_emb(u); item = V_emb(i); score = sum(user * item, dim=1)
    user = jnp.take(U_emb, u, axis=0)
    item = jnp.take(V_emb, i, axis=0)
    score = jnp.sum(user * item, axis=1)
    return score

if __name__ == "__main__":
    import jax
    _d = setup_inputs()
    print(jax.jit(kernel)(*tuple(_d.values())))

</pallas_src>

<mosaic_0001>
#map = affine_map<(d0, d1) -> (0)>
#map1 = affine_map<(d0, d1) -> (0, 0)>
module attributes {stable_mosaic.version = 14 : i64} {
  func.func @mf(%arg0: i32, %arg1: i32, %arg2: memref<16384xi32, #tpu.memory_space<hbm>>, %arg3: memref<16384xi32, #tpu.memory_space<hbm>>, %arg4: memref<1000000x128xf32, #tpu.memory_space<hbm>>, %arg5: memref<1000000x128xf32, #tpu.memory_space<hbm>>, %arg6: memref<16384xf32, #tpu.memory_space<hbm>>, %arg7: memref<512xi32, #tpu.memory_space<vmem>>, %arg8: memref<512xi32, #tpu.memory_space<vmem>>, %arg9: memref<4x64x128xf32, #tpu.memory_space<vmem>>, %arg10: memref<4x64x128xf32, #tpu.memory_space<vmem>>, %arg11: memref<512xf32, #tpu.memory_space<vmem>>, %arg12: memref<4x!tpu.dma_semaphore, #tpu.memory_space<semaphore_mem>>, %arg13: memref<4x!tpu.dma_semaphore, #tpu.memory_space<semaphore_mem>>, %arg14: memref<!tpu.dma_semaphore, #tpu.memory_space<semaphore_mem>>, %arg15: memref<!tpu.dma_semaphore, #tpu.memory_space<semaphore_mem>>) attributes {dimension_semantics = [#tpu.dimension_semantics<core_parallel>, #tpu.dimension_semantics<subcore_parallel>], iteration_bounds = array<i64: 2, 16>, scalar_prefetch = 0 : i64, scratch_operands = 9 : i64, tpu.core_type = #tpu.core_type<sc_vector_subcore>, window_params = [{transform_indices = #map}, {transform_indices = #map}, {transform_indices = #map1}, {transform_indices = #map1}, {transform_indices = #map}]} {
    %mul3A = arith.constant 2 : i32
    %mul3A_0 = arith.muli %arg1, %mul3A : i32
    %add3A = arith.addi %mul3A_0, %arg0 : i32
    %mul3A_1 = arith.constant 512 : i32
    %mul3A_2 = arith.muli %add3A, %mul3A_1 : i32
    %iota3A = tpu.iota {dimensions = array<i32: 0>} : vector<16xi32>
    %dma_start3A = arith.constant 0 : i32
    %dma_start3A_3 = tpu.memref_slice %arg7[%dma_start3A] : memref<512xi32, #tpu.memory_space<vmem>> -> memref<64xi32, #tpu.memory_space<vmem>>
    %dma_start3A_4 = tpu.memref_slice %arg2[%mul3A_2] : memref<16384xi32, #tpu.memory_space<hbm>> -> memref<64xi32, #tpu.memory_space<hbm>>
    %dma_start3A_5 = arith.constant 0 : i32
    %dma_start3A_6 = tpu.memref_slice %arg7[%dma_start3A_5] : memref<512xi32, #tpu.memory_space<vmem>> -> memref<64xi32, #tpu.memory_space<vmem>>
    %dma_start3A_7 = tpu.memref_slice %arg2[%mul3A_2] : memref<16384xi32, #tpu.memory_space<hbm>> -> memref<64xi32, #tpu.memory_space<hbm>>
    tpu.enqueue_dma source(%dma_start3A_7 : memref<64xi32, #tpu.memory_space<hbm>>) target(%dma_start3A_6 : memref<64xi32, #tpu.memory_space<vmem>>) target_semaphore(%arg14 : memref<!tpu.dma_semaphore, #tpu.memory_space<semaphore_mem>>)
    %dma_start3A_8 = arith.constant 0 : i32
    %dma_start3A_9 = tpu.memref_slice %arg8[%dma_start3A_8] : memref<512xi32, #tpu.memory_space<vmem>> -> memref<64xi32, #tpu.memory_space<vmem>>
    %dma_start3A_10 = tpu.memref_slice %arg3[%mul3A_2] : memref<16384xi32, #tpu.memory_space<hbm>> -> memref<64xi32, #tpu.memory_space<hbm>>
    %dma_start3A_11 = arith.constant 0 : i32
    %dma_start3A_12 = tpu.memref_slice %arg8[%dma_start3A_11] : memref<512xi32, #tpu.memory_space<vmem>> -> memref<64xi32, #tpu.memory_space<vmem>>
    %dma_start3A_13 = tpu.memref_slice %arg3[%mul3A_2] : memref<16384xi32, #tpu.memory_space<hbm>> -> memref<64xi32, #tpu.memory_space<hbm>>
    tpu.enqueue_dma source(%dma_start3A_13 : memref<64xi32, #tpu.memory_space<hbm>>) target(%dma_start3A_12 : memref<64xi32, #tpu.memory_space<vmem>>) target_semaphore(%arg14 : memref<!tpu.dma_semaphore, #tpu.memory_space<semaphore_mem>>)
    %add3A_14 = arith.constant 64 : i32
    %add3A_15 = arith.addi %mul3A_2, %add3A_14 : i32
    %dma_start3A_16 = arith.constant 64 : i32
    %dma_start3A_17 = tpu.memref_slice %arg7[%dma_start3A_16] : memref<512xi32, #tpu.memory_space<vmem>> -> memref<448xi32, #tpu.memory_space<vmem>>
    %dma_start3A_18 = tpu.memref_slice %arg2[%add3A_15] : memref<16384xi32, #tpu.memory_space<hbm>> -> memref<448xi32, #tpu.memory_space<hbm>>
    %dma_start3A_19 = arith.constant 64 : i32
    %dma_start3A_20 = tpu.memref_slice %arg7[%dma_start3A_19] : memref<512xi32, #tpu.memory_space<vmem>> -> memref<448xi32, #tpu.memory_space<vmem>>
    %dma_start3A_21 = tpu.memref_slice %arg2[%add3A_15] : memref<16384xi32, #tpu.memory_space<hbm>> -> memref<448xi32, #tpu.memory_space<hbm>>
    tpu.enqueue_dma source(%dma_start3A_21 : memref<448xi32, #tpu.memory_space<hbm>>) target(%dma_start3A_20 : memref<448xi32, #tpu.memory_space<vmem>>) target_semaphore(%arg14 : memref<!tpu.dma_semaphore, #tpu.memory_space<semaphore_mem>>)
    %add3A_22 = arith.constant 64 : i32
    %add3A_23 = arith.addi %mul3A_2, %add3A_22 : i32
    %dma_start3A_24 = arith.constant 64 : i32
    %dma_start3A_25 = tpu.memref_slice %arg8[%dma_start3A_24] : memref<512xi32, #tpu.memory_space<vmem>> -> memref<448xi32, #tpu.memory_space<vmem>>
    %dma_start3A_26 = tpu.memref_slice %arg3[%add3A_23] : memref<16384xi32, #tpu.memory_space<hbm>> -> memref<448xi32, #tpu.memory_space<hbm>>
    %dma_start3A_27 = arith.constant 64 : i32
    %dma_start3A_28 = tpu.memref_slice %arg8[%dma_start3A_27] : memref<512xi32, #tpu.memory_space<vmem>> -> memref<448xi32, #tpu.memory_space<vmem>>
    %dma_start3A_29 = tpu.memref_slice %arg3[%add3A_23] : memref<16384xi32, #tpu.memory_space<hbm>> -> memref<448xi32, #tpu.memory_space<hbm>>
    tpu.enqueue_dma source(%dma_start3A_29 : memref<448xi32, #tpu.memory_space<hbm>>) target(%dma_start3A_28 : memref<448xi32, #tpu.memory_space<vmem>>) target_semaphore(%arg14 : memref<!tpu.dma_semaphore, #tpu.memory_space<semaphore_mem>>)
    %dma_wait3A = arith.constant 0 : i32
    %dma_wait3A_30 = tpu.memref_slice %arg7[%dma_wait3A] : memref<512xi32, #tpu.memory_space<vmem>> -> memref<64xi32, #tpu.memory_space<vmem>>
    %dma_wait3A_31 = tpu.memref_slice %arg2[%mul3A_2] : memref<16384xi32, #tpu.memory_space<hbm>> -> memref<64xi32, #tpu.memory_space<hbm>>
    %dma_wait3A_32 = arith.constant 0 : i32
    %dma_wait3A_33 = tpu.memref_slice %arg7[%dma_wait3A_32] : memref<512xi32, #tpu.memory_space<vmem>> -> memref<64xi32, #tpu.memory_space<vmem>>
    %dma_wait3A_34 = tpu.memref_slice %arg2[%mul3A_2] : memref<16384xi32, #tpu.memory_space<hbm>> -> memref<64xi32, #tpu.memory_space<hbm>>
    tpu.wait_dma2 semaphore(%arg14 : memref<!tpu.dma_semaphore, #tpu.memory_space<semaphore_mem>>) src(%dma_wait3A_34 : memref<64xi32, #tpu.memory_space<hbm>>) dst(%dma_wait3A_33 : memref<64xi32, #tpu.memory_space<vmem>>)
    %dma_wait3A_35 = arith.constant 0 : i32
    %dma_wait3A_36 = tpu.memref_slice %arg8[%dma_wait3A_35] : memref<512xi32, #tpu.memory_space<vmem>> -> memref<64xi32, #tpu.memory_space<vmem>>
    %dma_wait3A_37 = tpu.memref_slice %arg3[%mul3A_2] : memref<16384xi32, #tpu.memory_space<hbm>> -> memref<64xi32, #tpu.memory_space<hbm>>
    %dma_wait3A_38 = arith.constant 0 : i32
    %dma_wait3A_39 = tpu.memref_slice %arg8[%dma_wait3A_38] : memref<512xi32, #tpu.memory_space<vmem>> -> memref<64xi32, #tpu.memory_space<vmem>>
    %dma_wait3A_40 = tpu.memref_slice %arg3[%mul3A_2] : memref<16384xi32, #tpu.memory_space<hbm>> -> memref<64xi32, #tpu.memory_space<hbm>>
    tpu.wait_dma2 semaphore(%arg14 : memref<!tpu.dma_semaphore, #tpu.memory_space<semaphore_mem>>) src(%dma_wait3A_40 : memref<64xi32, #tpu.memory_space<hbm>>) dst(%dma_wait3A_39 : memref<64xi32, #tpu.memory_space<vmem>>)
    %dma_start3A_41 = arith.constant 0 : i32
    %dma_start3A_42 = arith.constant 0 : i32
    %dma_start3A_43 = arith.constant 0 : i32
    %dma_start3A_44 = arith.constant 0 : i32
    %dma_start3A_45 = tpu.memref_slice %arg9[%dma_start3A_41, %dma_start3A_43, %dma_start3A_44] : memref<4x64x128xf32, #tpu.memory_space<vmem>> -> memref<1x64x128xf32, #tpu.memory_space<vmem>>
    %dma_start3A_46 = tpu.memref_squeeze %dma_start3A_45 : memref<1x64x128xf32, #tpu.memory_space<vmem>> -> memref<64x128xf32, #tpu.memory_space<vmem>>
    %dma_start3A_47 = arith.constant 0 : i32
    %dma_start3A_48 = tpu.memref_slice %arg7[%dma_start3A_47] : memref<512xi32, #tpu.memory_space<vmem>> -> memref<64xi32, #tpu.memory_space<vmem>>
    %dma_start3A_49 = arith.constant 0 : i32
    %dma_start3A_50 = arith.constant 0 : i32
    %dma_start3A_51 = tpu.memref_slice %arg4[%dma_start3A_49, %dma_start3A_50] : memref<1000000x128xf32, #tpu.memory_space<hbm>> -> memref<1000000x128xf32, #tpu.memory_space<hbm>>
    %dma_start3A_52 = tpu.memref_slice %arg12[%dma_start3A_42] : memref<4x!tpu.dma_semaphore, #tpu.memory_space<semaphore_mem>> -> memref<1x!tpu.dma_semaphore, #tpu.memory_space<semaphore_mem>>
    %dma_start3A_53 = tpu.memref_squeeze %dma_start3A_52 : memref<1x!tpu.dma_semaphore, #tpu.memory_space<semaphore_mem>> -> memref<!tpu.dma_semaphore, #tpu.memory_space<semaphore_mem>>
    tpu.enqueue_indirect_dma source(%dma_start3A_51 : memref<1000000x128xf32, #tpu.memory_space<hbm>>) target(%dma_start3A_46 : memref<64x128xf32, #tpu.memory_space<vmem>>) offsets(%dma_start3A_48 : memref<64xi32, #tpu.memory_space<vmem>>) semaphore(%dma_start3A_53 : memref<!tpu.dma_semaphore, #tpu.memory_space<semaphore_mem>>)
    %dma_start3A_54 = arith.constant 0 : i32
    %dma_start3A_55 = arith.constant 0 : i32
    %dma_start3A_56 = arith.constant 0 : i32
    %dma_start3A_57 = arith.constant 0 : i32
    %dma_start3A_58 = tpu.memref_slice %arg10[%dma_start3A_54, %dma_start3A_56, %dma_start3A_57] : memref<4x64x128xf32, #tpu.memory_space<vmem>> -> memref<1x64x128xf32, #tpu.memory_space<vmem>>
    %dma_start3A_59 = tpu.memref_squeeze %dma_start3A_58 : memref<1x64x128xf32, #tpu.memory_space<vmem>> -> memref<64x128xf32, #tpu.memory_space<vmem>>
    %dma_start3A_60 = arith.constant 0 : i32
    %dma_start3A_61 = tpu.memref_slice %arg8[%dma_start3A_60] : memref<512xi32, #tpu.memory_space<vmem>> -> memref<64xi32, #tpu.memory_space<vmem>>
    %dma_start3A_62 = arith.constant 0 : i32
    %dma_start3A_63 = arith.constant 0 : i32
    %dma_start3A_64 = tpu.memref_slice %arg5[%dma_start3A_62, %dma_start3A_63] : memref<1000000x128xf32, #tpu.memory_space<hbm>> -> memref<1000000x128xf32, #tpu.memory_space<hbm>>
    %dma_start3A_65 = tpu.memref_slice %arg13[%dma_start3A_55] : memref<4x!tpu.dma_semaphore, #tpu.memory_space<semaphore_mem>> -> memref<1x!tpu.dma_semaphore, #tpu.memory_space<semaphore_mem>>
    %dma_start3A_66 = tpu.memref_squeeze %dma_start3A_65 : memref<1x!tpu.dma_semaphore, #tpu.memory_space<semaphore_mem>> -> memref<!tpu.dma_semaphore, #tpu.memory_space<semaphore_mem>>
    tpu.enqueue_indirect_dma source(%dma_start3A_64 : memref<1000000x128xf32, #tpu.memory_space<hbm>>) target(%dma_start3A_59 : memref<64x128xf32, #tpu.memory_space<vmem>>) offsets(%dma_start3A_61 : memref<64xi32, #tpu.memory_space<vmem>>) semaphore(%dma_start3A_66 : memref<!tpu.dma_semaphore, #tpu.memory_space<semaphore_mem>>)
    %dma_wait3A_67 = arith.constant 64 : i32
    %dma_wait3A_68 = tpu.memref_slice %arg7[%dma_wait3A_67] : memref<512xi32, #tpu.memory_space<vmem>> -> memref<448xi32, #tpu.memory_space<vmem>>
    %dma_wait3A_69 = tpu.memref_slice %arg2[%add3A_15] : memref<16384xi32, #tpu.memory_space<hbm>> -> memref<448xi32, #tpu.memory_space<hbm>>
    %dma_wait3A_70 = arith.constant 64 : i32
    %dma_wait3A_71 = tpu.memref_slice %arg7[%dma_wait3A_70] : memref<512xi32, #tpu.memory_space<vmem>> -> memref<448xi32, #tpu.memory_space<vmem>>
    %dma_wait3A_72 = tpu.memref_slice %arg2[%add3A_15] : memref<16384xi32, #tpu.memory_space<hbm>> -> memref<448xi32, #tpu.memory_space<hbm>>
    tpu.wait_dma2 semaphore(%arg14 : memref<!tpu.dma_semaphore, #tpu.memory_space<semaphore_mem>>) src(%dma_wait3A_72 : memref<448xi32, #tpu.memory_space<hbm>>) dst(%dma_wait3A_71 : memref<448xi32, #tpu.memory_space<vmem>>)
    %dma_wait3A_73 = arith.constant 64 : i32
    %dma_wait3A_74 = tpu.memref_slice %arg8[%dma_wait3A_73] : memref<512xi32, #tpu.memory_space<vmem>> -> memref<448xi32, #tpu.memory_space<vmem>>
    %dma_wait3A_75 = tpu.memref_slice %arg3[%add3A_23] : memref<16384xi32, #tpu.memory_space<hbm>> -> memref<448xi32, #tpu.memory_space<hbm>>
    %dma_wait3A_76 = arith.constant 64 : i32
    %dma_wait3A_77 = tpu.memref_slice %arg8[%dma_wait3A_76] : memref<512xi32, #tpu.memory_space<vmem>> -> memref<448xi32, #tpu.memory_space<vmem>>
    %dma_wait3A_78 = tpu.memref_slice %arg3[%add3A_23] : memref<16384xi32, #tpu.memory_space<hbm>> -> memref<448xi32, #tpu.memory_space<hbm>>
    tpu.wait_dma2 semaphore(%arg14 : memref<!tpu.dma_semaphore, #tpu.memory_space<semaphore_mem>>) src(%dma_wait3A_78 : memref<448xi32, #tpu.memory_space<hbm>>) dst(%dma_wait3A_77 : memref<448xi32, #tpu.memory_space<vmem>>)
    %dma_start3A_79 = arith.constant 1 : i32
    %dma_start3A_80 = arith.constant 1 : i32
    %dma_start3A_81 = arith.constant 0 : i32
    %dma_start3A_82 = arith.constant 0 : i32
    %dma_start3A_83 = tpu.memref_slice %arg9[%dma_start3A_79, %dma_start3A_81, %dma_start3A_82] : memref<4x64x128xf32, #tpu.memory_space<vmem>> -> memref<1x64x128xf32, #tpu.memory_space<vmem>>
    %dma_start3A_84 = tpu.memref_squeeze %dma_start3A_83 : memref<1x64x128xf32, #tpu.memory_space<vmem>> -> memref<64x128xf32, #tpu.memory_space<vmem>>
    %dma_start3A_85 = arith.constant 64 : i32
    %dma_start3A_86 = tpu.memref_slice %arg7[%dma_start3A_85] : memref<512xi32, #tpu.memory_space<vmem>> -> memref<64xi32, #tpu.memory_space<vmem>>
    %dma_start3A_87 = arith.constant 0 : i32
    %dma_start3A_88 = arith.constant 0 : i32
    %dma_start3A_89 = tpu.memref_slice %arg4[%dma_start3A_87, %dma_start3A_88] : memref<1000000x128xf32, #tpu.memory_space<hbm>> -> memref<1000000x128xf32, #tpu.memory_space<hbm>>
    %dma_start3A_90 = tpu.memref_slice %arg12[%dma_start3A_80] : memref<4x!tpu.dma_semaphore, #tpu.memory_space<semaphore_mem>> -> memref<1x!tpu.dma_semaphore, #tpu.memory_space<semaphore_mem>>
    %dma_start3A_91 = tpu.memref_squeeze %dma_start3A_90 : memref<1x!tpu.dma_semaphore, #tpu.memory_space<semaphore_mem>> -> memref<!tpu.dma_semaphore, #tpu.memory_space<semaphore_mem>>
    tpu.enqueue_indirect_dma source(%dma_start3A_89 : memref<1000000x128xf32, #tpu.memory_space<hbm>>) target(%dma_start3A_84 : memref<64x128xf32, #tpu.memory_space<vmem>>) offsets(%dma_start3A_86 : memref<64xi32, #tpu.memory_space<vmem>>) semaphore(%dma_start3A_91 : memref<!tpu.dma_semaphore, #tpu.memory_space<semaphore_mem>>)
    %dma_start3A_92 = arith.constant 1 : i32
    %dma_start3A_93 = arith.constant 1 : i32
    %dma_start3A_94 = arith.constant 0 : i32
    %dma_start3A_95 = arith.constant 0 : i32
    %dma_start3A_96 = tpu.memref_slice %arg10[%dma_start3A_92, %dma_start3A_94, %dma_start3A_95] : memref<4x64x128xf32, #tpu.memory_space<vmem>> -> memref<1x64x128xf32, #tpu.memory_space<vmem>>
    %dma_start3A_97 = tpu.memref_squeeze %dma_start3A_96 : memref<1x64x128xf32, #tpu.memory_space<vmem>> -> memref<64x128xf32, #tpu.memory_space<vmem>>
    %dma_start3A_98 = arith.constant 64 : i32
    %dma_start3A_99 = tpu.memref_slice %arg8[%dma_start3A_98] : memref<512xi32, #tpu.memory_space<vmem>> -> memref<64xi32, #tpu.memory_space<vmem>>
    %dma_start3A_100 = arith.constant 0 : i32
    %dma_start3A_101 = arith.constant 0 : i32
    %dma_start3A_102 = tpu.memref_slice %arg5[%dma_start3A_100, %dma_start3A_101] : memref<1000000x128xf32, #tpu.memory_space<hbm>> -> memref<1000000x128xf32, #tpu.memory_space<hbm>>
    %dma_start3A_103 = tpu.memref_slice %arg13[%dma_start3A_93] : memref<4x!tpu.dma_semaphore, #tpu.memory_space<semaphore_mem>> -> memref<1x!tpu.dma_semaphore, #tpu.memory_space<semaphore_mem>>
    %dma_start3A_104 = tpu.memref_squeeze %dma_start3A_103 : memref<1x!tpu.dma_semaphore, #tpu.memory_space<semaphore_mem>> -> memref<!tpu.dma_semaphore, #tpu.memory_space<semaphore_mem>>
    tpu.enqueue_indirect_dma source(%dma_start3A_102 : memref<1000000x128xf32, #tpu.memory_space<hbm>>) target(%dma_start3A_97 : memref<64x128xf32, #tpu.memory_space<vmem>>) offsets(%dma_start3A_99 : memref<64xi32, #tpu.memory_space<vmem>>) semaphore(%dma_start3A_104 : memref<!tpu.dma_semaphore, #tpu.memory_space<semaphore_mem>>)
    %dma_start3A_105 = arith.constant 2 : i32
    %dma_start3A_106 = arith.constant 2 : i32
    %dma_start3A_107 = arith.constant 0 : i32
    %dma_start3A_108 = arith.constant 0 : i32
    %dma_start3A_109 = tpu.memref_slice %arg9[%dma_start3A_105, %dma_start3A_107, %dma_start3A_108] : memref<4x64x128xf32, #tpu.memory_space<vmem>> -> memref<1x64x128xf32, #tpu.memory_space<vmem>>
    %dma_start3A_110 = tpu.memref_squeeze %dma_start3A_109 : memref<1x64x128xf32, #tpu.memory_space<vmem>> -> memref<64x128xf32, #tpu.memory_space<vmem>>
    %dma_start3A_111 = arith.constant 128 : i32
    %dma_start3A_112 = tpu.memref_slice %arg7[%dma_start3A_111] : memref<512xi32, #tpu.memory_space<vmem>> -> memref<64xi32, #tpu.memory_space<vmem>>
    %dma_start3A_113 = arith.constant 0 : i32
    %dma_start3A_114 = arith.constant 0 : i32
    %dma_start3A_115 = tpu.memref_slice %arg4[%dma_start3A_113, %dma_start3A_114] : memref<1000000x128xf32, #tpu.memory_space<hbm>> -> memref<1000000x128xf32, #tpu.memory_space<hbm>>
    %dma_start3A_116 = tpu.memref_slice %arg12[%dma_start3A_106] : memref<4x!tpu.dma_semaphore, #tpu.memory_space<semaphore_mem>> -> memref<1x!tpu.dma_semaphore, #tpu.memory_space<semaphore_mem>>
    %dma_start3A_117 = tpu.memref_squeeze %dma_start3A_116 : memref<1x!tpu.dma_semaphore, #tpu.memory_space<semaphore_mem>> -> memref<!tpu.dma_semaphore, #tpu.memory_space<semaphore_mem>>
    tpu.enqueue_indirect_dma source(%dma_start3A_115 : memref<1000000x128xf32, #tpu.memory_space<hbm>>) target(%dma_start3A_110 : memref<64x128xf32, #tpu.memory_space<vmem>>) offsets(%dma_start3A_112 : memref<64xi32, #tpu.memory_space<vmem>>) semaphore(%dma_start3A_117 : memref<!tpu.dma_semaphore, #tpu.memory_space<semaphore_mem>>)
    %dma_start3A_118 = arith.constant 2 : i32
    %dma_start3A_119 = arith.constant 2 : i32
    %dma_start3A_120 = arith.constant 0 : i32
    %dma_start3A_121 = arith.constant 0 : i32
    %dma_start3A_122 = tpu.memref_slice %arg10[%dma_start3A_118, %dma_start3A_120, %dma_start3A_121] : memref<4x64x128xf32, #tpu.memory_space<vmem>> -> memref<1x64x128xf32, #tpu.memory_space<vmem>>
    %dma_start3A_123 = tpu.memref_squeeze %dma_start3A_122 : memref<1x64x128xf32, #tpu.memory_space<vmem>> -> memref<64x128xf32, #tpu.memory_space<vmem>>
    %dma_start3A_124 = arith.constant 128 : i32
    %dma_start3A_125 = tpu.memref_slice %arg8[%dma_start3A_124] : memref<512xi32, #tpu.memory_space<vmem>> -> memref<64xi32, #tpu.memory_space<vmem>>
    %dma_start3A_126 = arith.constant 0 : i32
    %dma_start3A_127 = arith.constant 0 : i32
    %dma_start3A_128 = tpu.memref_slice %arg5[%dma_start3A_126, %dma_start3A_127] : memref<1000000x128xf32, #tpu.memory_space<hbm>> -> memref<1000000x128xf32, #tpu.memory_space<hbm>>
    %dma_start3A_129 = tpu.memref_slice %arg13[%dma_start3A_119] : memref<4x!tpu.dma_semaphore, #tpu.memory_space<semaphore_mem>> -> memref<1x!tpu.dma_semaphore, #tpu.memory_space<semaphore_mem>>
    %dma_start3A_130 = tpu.memref_squeeze %dma_start3A_129 : memref<1x!tpu.dma_semaphore, #tpu.memory_space<semaphore_mem>> -> memref<!tpu.dma_semaphore, #tpu.memory_space<semaphore_mem>>
    tpu.enqueue_indirect_dma source(%dma_start3A_128 : memref<1000000x128xf32, #tpu.memory_space<hbm>>) target(%dma_start3A_123 : memref<64x128xf32, #tpu.memory_space<vmem>>) offsets(%dma_start3A_125 : memref<64xi32, #tpu.memory_space<vmem>>) semaphore(%dma_start3A_130 : memref<!tpu.dma_semaphore, #tpu.memory_space<semaphore_mem>>)
    %dma_start3A_131 = arith.constant 3 : i32
    %dma_start3A_132 = arith.constant 3 : i32
    %dma_start3A_133 = arith.constant 0 : i32
    %dma_start3A_134 = arith.constant 0 : i32
    %dma_start3A_135 = tpu.memref_slice %arg9[%dma_start3A_131, %dma_start3A_133, %dma_start3A_134] : memref<4x64x128xf32, #tpu.memory_space<vmem>> -> memref<1x64x128xf32, #tpu.memory_space<vmem>>
    %dma_start3A_136 = tpu.memref_squeeze %dma_start3A_135 : memref<1x64x128xf32, #tpu.memory_space<vmem>> -> memref<64x128xf32, #tpu.memory_space<vmem>>
    %dma_start3A_137 = arith.constant 192 : i32
    %dma_start3A_138 = tpu.memref_slice %arg7[%dma_start3A_137] : memref<512xi32, #tpu.memory_space<vmem>> -> memref<64xi32, #tpu.memory_space<vmem>>
    %dma_start3A_139 = arith.constant 0 : i32
    %dma_start3A_140 = arith.constant 0 : i32
    %dma_start3A_141 = tpu.memref_slice %arg4[%dma_start3A_139, %dma_start3A_140] : memref<1000000x128xf32, #tpu.memory_space<hbm>> -> memref<1000000x128xf32, #tpu.memory_space<hbm>>
    %dma_start3A_142 = tpu.memref_slice %arg12[%dma_start3A_132] : memref<4x!tpu.dma_semaphore, #tpu.memory_space<semaphore_mem>> -> memref<1x!tpu.dma_semaphore, #tpu.memory_space<semaphore_mem>>
    %dma_start3A_143 = tpu.memref_squeeze %dma_start3A_142 : memref<1x!tpu.dma_semaphore, #tpu.memory_space<semaphore_mem>> -> memref<!tpu.dma_semaphore, #tpu.memory_space<semaphore_mem>>
    tpu.enqueue_indirect_dma source(%dma_start3A_141 : memref<1000000x128xf32, #tpu.memory_space<hbm>>) target(%dma_start3A_136 : memref<64x128xf32, #tpu.memory_space<vmem>>) offsets(%dma_start3A_138 : memref<64xi32, #tpu.memory_space<vmem>>) semaphore(%dma_start3A_143 : memref<!tpu.dma_semaphore, #tpu.memory_space<semaphore_mem>>)
    %dma_start3A_144 = arith.constant 3 : i32
    %dma_start3A_145 = arith.constant 3 : i32
    %dma_start3A_146 = arith.constant 0 : i32
    %dma_start3A_147 = arith.constant 0 : i32
    %dma_start3A_148 = tpu.memref_slice %arg10[%dma_start3A_144, %dma_start3A_146, %dma_start3A_147] : memref<4x64x128xf32, #tpu.memory_space<vmem>> -> memref<1x64x128xf32, #tpu.memory_space<vmem>>
    %dma_start3A_149 = tpu.memref_squeeze %dma_start3A_148 : memref<1x64x128xf32, #tpu.memory_space<vmem>> -> memref<64x128xf32, #tpu.memory_space<vmem>>
    %dma_start3A_150 = arith.constant 192 : i32
    %dma_start3A_151 = tpu.memref_slice %arg8[%dma_start3A_150] : memref<512xi32, #tpu.memory_space<vmem>> -> memref<64xi32, #tpu.memory_space<vmem>>
    %dma_start3A_152 = arith.constant 0 : i32
    %dma_start3A_153 = arith.constant 0 : i32
    %dma_start3A_154 = tpu.memref_slice %arg5[%dma_start3A_152, %dma_start3A_153] : memref<1000000x128xf32, #tpu.memory_space<hbm>> -> memref<1000000x128xf32, #tpu.memory_space<hbm>>
    %dma_start3A_155 = tpu.memref_slice %arg13[%dma_start3A_145] : memref<4x!tpu.dma_semaphore, #tpu.memory_space<semaphore_mem>> -> memref<1x!tpu.dma_semaphore, #tpu.memory_space<semaphore_mem>>
    %dma_start3A_156 = tpu.memref_squeeze %dma_start3A_155 : memref<1x!tpu.dma_semaphore, #tpu.memory_space<semaphore_mem>> -> memref<!tpu.dma_semaphore, #tpu.memory_space<semaphore_mem>>
    tpu.enqueue_indirect_dma source(%dma_start3A_154 : memref<1000000x128xf32, #tpu.memory_space<hbm>>) target(%dma_start3A_149 : memref<64x128xf32, #tpu.memory_space<vmem>>) offsets(%dma_start3A_151 : memref<64xi32, #tpu.memory_space<vmem>>) semaphore(%dma_start3A_156 : memref<!tpu.dma_semaphore, #tpu.memory_space<semaphore_mem>>)
    %dma_wait3A_157 = arith.constant 0 : i32
    %dma_wait3A_158 = arith.constant 0 : i32
    %dma_wait3A_159 = arith.constant 0 : i32
    %dma_wait3A_160 = arith.constant 0 : i32
    %dma_wait3A_161 = tpu.memref_slice %arg9[%dma_wait3A_157, %dma_wait3A_159, %dma_wait3A_160] : memref<4x64x128xf32, #tpu.memory_space<vmem>> -> memref<1x64x128xf32, #tpu.memory_space<vmem>>
    %dma_wait3A_162 = tpu.memref_squeeze %dma_wait3A_161 : memref<1x64x128xf32, #tpu.memory_space<vmem>> -> memref<64x128xf32, #tpu.memory_space<vmem>>
    %dma_wait3A_163 = arith.constant 0 : i32
    %dma_wait3A_164 = tpu.memref_slice %arg7[%dma_wait3A_163] : memref<512xi32, #tpu.memory_space<vmem>> -> memref<64xi32, #tpu.memory_space<vmem>>
    %dma_wait3A_165 = arith.constant 0 : i32
    %dma_wait3A_166 = arith.constant 0 : i32
    %dma_wait3A_167 = tpu.memref_slice %arg4[%dma_wait3A_165, %dma_wait3A_166] : memref<1000000x128xf32, #tpu.memory_space<hbm>> -> memref<1000000x128xf32, #tpu.memory_space<hbm>>
    %dma_wait3A_168 = tpu.memref_slice %arg12[%dma_wait3A_158] : memref<4x!tpu.dma_semaphore, #tpu.memory_space<semaphore_mem>> -> memref<1x!tpu.dma_semaphore, #tpu.memory_space<semaphore_mem>>
    %dma_wait3A_169 = tpu.memref_squeeze %dma_wait3A_168 : memref<1x!tpu.dma_semaphore, #tpu.memory_space<semaphore_mem>> -> memref<!tpu.dma_semaphore, #tpu.memory_space<semaphore_mem>>
    tpu.wait_indirect_dma semaphore(%dma_wait3A_169 : memref<!tpu.dma_semaphore, #tpu.memory_space<semaphore_mem>>) src(%dma_wait3A_167 : memref<1000000x128xf32, #tpu.memory_space<hbm>>) dst(%dma_wait3A_162 : memref<64x128xf32, #tpu.memory_space<vmem>>)
    %dma_wait3A_170 = arith.constant 0 : i32
    %dma_wait3A_171 = arith.constant 0 : i32
    %dma_wait3A_172 = arith.constant 0 : i32
    %dma_wait3A_173 = arith.constant 0 : i32
    %dma_wait3A_174 = tpu.memref_slice %arg10[%dma_wait3A_170, %dma_wait3A_172, %dma_wait3A_173] : memref<4x64x128xf32, #tpu.memory_space<vmem>> -> memref<1x64x128xf32, #tpu.memory_space<vmem>>
    %dma_wait3A_175 = tpu.memref_squeeze %dma_wait3A_174 : memref<1x64x128xf32, #tpu.memory_space<vmem>> -> memref<64x128xf32, #tpu.memory_space<vmem>>
    %dma_wait3A_176 = arith.constant 0 : i32
    %dma_wait3A_177 = tpu.memref_slice %arg8[%dma_wait3A_176] : memref<512xi32, #tpu.memory_space<vmem>> -> memref<64xi32, #tpu.memory_space<vmem>>
    %dma_wait3A_178 = arith.constant 0 : i32
    %dma_wait3A_179 = arith.constant 0 : i32
    %dma_wait3A_180 = tpu.memref_slice %arg5[%dma_wait3A_178, %dma_wait3A_179] : memref<1000000x128xf32, #tpu.memory_space<hbm>> -> memref<1000000x128xf32, #tpu.memory_space<hbm>>
    %dma_wait3A_181 = tpu.memref_slice %arg13[%dma_wait3A_171] : memref<4x!tpu.dma_semaphore, #tpu.memory_space<semaphore_mem>> -> memref<1x!tpu.dma_semaphore, #tpu.memory_space<semaphore_mem>>
    %dma_wait3A_182 = tpu.memref_squeeze %dma_wait3A_181 : memref<1x!tpu.dma_semaphore, #tpu.memory_space<semaphore_mem>> -> memref<!tpu.dma_semaphore, #tpu.memory_space<semaphore_mem>>
    tpu.wait_indirect_dma semaphore(%dma_wait3A_182 : memref<!tpu.dma_semaphore, #tpu.memory_space<semaphore_mem>>) src(%dma_wait3A_180 : memref<1000000x128xf32, #tpu.memory_space<hbm>>) dst(%dma_wait3A_175 : memref<64x128xf32, #tpu.memory_space<vmem>>)
    %scan3A = arith.constant 0 : i32
    %scan3A_183 = arith.constant 0 : i32
    %scan3A_184 = arith.constant 0 : i32
    %scan3A_185 = arith.constant 0 : i32
    %scan3A_186 = arith.constant 4 : i32
    %scan3A_187 = arith.addi %scan3A_185, %scan3A_186 : i32
    %scan3A_188 = arith.constant 1 : i32
    scf.for %scan3A_660 = %scan3A_185 to %scan3A_187 step %scan3A_188  : i32 {
      %broadcast_in_dim3A = arith.constant 0.000000e+00 : f32
      %broadcast_in_dim3A_661 = vector.broadcast %broadcast_in_dim3A : f32 to vector<16xf32>
      %scan3A_662 = arith.constant 0 : i32
      %scan3A_663 = arith.constant 16 : i32
      %scan3A_664 = arith.addi %scan3A_662, %scan3A_663 : i32
      %scan3A_665 = arith.constant 1 : i32
      %scan3A_666 = scf.for %scan3A_673 = %scan3A_662 to %scan3A_664 step %scan3A_665 iter_args(%scan3A_674 = %broadcast_in_dim3A_661) -> (vector<16xf32>)  : i32 {
        %mul3A_675 = arith.constant 16 : i32
        %mul3A_676 = arith.muli %scan3A_660, %mul3A_675 : i32
        %add3A_677 = arith.addi %mul3A_676, %scan3A_673 : i32
        %get3A = arith.constant 0 : i32
        %get3A_678 = arith.constant 0 : i32
        %get3A_679 = tpu.memref_slice %arg9[%scan3A_183, %get3A, %get3A_678] : memref<4x64x128xf32, #tpu.memory_space<vmem>> -> memref<1x64x128xf32, #tpu.memory_space<vmem>>
        %get3A_680 = tpu.memref_squeeze %get3A_679 : memref<1x64x128xf32, #tpu.memory_space<vmem>> -> memref<64x128xf32, #tpu.memory_space<vmem>>
        %get3A_681 = arith.index_cast %add3A_677 : i32 to index
        %get3A_682 = arith.constant 0 : index
        %get3A_683 = tpu.vector_load %get3A_680[%get3A_681, %get3A_682] {strides = array<i32>} : memref<64x128xf32, #tpu.memory_space<vmem>>, vector<16xf32>,
        %get3A_684 = arith.constant 0 : i32
        %get3A_685 = arith.constant 0 : i32
        %get3A_686 = tpu.memref_slice %arg10[%scan3A_184, %get3A_684, %get3A_685] : memref<4x64x128xf32, #tpu.memory_space<vmem>> -> memref<1x64x128xf32, #tpu.memory_space<vmem>>
        %get3A_687 = tpu.memref_squeeze %get3A_686 : memref<1x64x128xf32, #tpu.memory_space<vmem>> -> memref<64x128xf32, #tpu.memory_space<vmem>>
        %get3A_688 = arith.index_cast %add3A_677 : i32 to index
        %get3A_689 = arith.constant 0 : index
        %get3A_690 = tpu.vector_load %get3A_687[%get3A_688, %get3A_689] {strides = array<i32>} : memref<64x128xf32, #tpu.memory_space<vmem>>, vector<16xf32>,
        %mul3A_691 = arith.mulf %get3A_683, %get3A_690 : vector<16xf32>
        %get3A_692 = arith.constant 0 : i32
        %get3A_693 = arith.constant 0 : i32
        %get3A_694 = tpu.memref_slice %arg9[%scan3A_183, %get3A_692, %get3A_693] : memref<4x64x128xf32, #tpu.memory_space<vmem>> -> memref<1x64x128xf32, #tpu.memory_space<vmem>>
        %get3A_695 = tpu.memref_squeeze %get3A_694 : memref<1x64x128xf32, #tpu.memory_space<vmem>> -> memref<64x128xf32, #tpu.memory_space<vmem>>
        %get3A_696 = arith.index_cast %add3A_677 : i32 to index
        %get3A_697 = arith.constant 16 : index
        %get3A_698 = tpu.vector_load %get3A_695[%get3A_696, %get3A_697] {strides = array<i32>} : memref<64x128xf32, #tpu.memory_space<vmem>>, vector<16xf32>,
        %get3A_699 = arith.constant 0 : i32
        %get3A_700 = arith.constant 0 : i32
        %get3A_701 = tpu.memref_slice %arg10[%scan3A_184, %get3A_699, %get3A_700] : memref<4x64x128xf32, #tpu.memory_space<vmem>> -> memref<1x64x128xf32, #tpu.memory_space<vmem>>
        %get3A_702 = tpu.memref_squeeze %get3A_701 : memref<1x64x128xf32, #tpu.memory_space<vmem>> -> memref<64x128xf32, #tpu.memory_space<vmem>>
        %get3A_703 = arith.index_cast %add3A_677 : i32 to index
        %get3A_704 = arith.constant 16 : index
        %get3A_705 = tpu.vector_load %get3A_702[%get3A_703, %get3A_704] {strides = array<i32>} : memref<64x128xf32, #tpu.memory_space<vmem>>, vector<16xf32>,
        %mul3A_706 = arith.mulf %get3A_698, %get3A_705 : vector<16xf32>
        %add3A_707 = arith.addf %mul3A_691, %mul3A_706 : vector<16xf32>
        %get3A_708 = arith.constant 0 : i32
        %get3A_709 = arith.constant 0 : i32
        %get3A_710 = tpu.memref_slice %arg9[%scan3A_183, %get3A_708, %get3A_709] : memref<4x64x128xf32, #tpu.memory_space<vmem>> -> memref<1x64x128xf32, #tpu.memory_space<vmem>>
        %get3A_711 = tpu.memref_squeeze %get3A_710 : memref<1x64x128xf32, #tpu.memory_space<vmem>> -> memref<64x128xf32, #tpu.memory_space<vmem>>
        %get3A_712 = arith.index_cast %add3A_677 : i32 to index
        %get3A_713 = arith.constant 32 : index
        %get3A_714 = tpu.vector_load %get3A_711[%get3A_712, %get3A_713] {strides = array<i32>} : memref<64x128xf32, #tpu.memory_space<vmem>>, vector<16xf32>,
        %get3A_715 = arith.constant 0 : i32
        %get3A_716 = arith.constant 0 : i32
        %get3A_717 = tpu.memref_slice %arg10[%scan3A_184, %get3A_715, %get3A_716] : memref<4x64x128xf32, #tpu.memory_space<vmem>> -> memref<1x64x128xf32, #tpu.memory_space<vmem>>
        %get3A_718 = tpu.memref_squeeze %get3A_717 : memref<1x64x128xf32, #tpu.memory_space<vmem>> -> memref<64x128xf32, #tpu.memory_space<vmem>>
        %get3A_719 = arith.index_cast %add3A_677 : i32 to index
        %get3A_720 = arith.constant 32 : index
        %get3A_721 = tpu.vector_load %get3A_718[%get3A_719, %get3A_720] {strides = array<i32>} : memref<64x128xf32, #tpu.memory_space<vmem>>, vector<16xf32>,
        %mul3A_722 = arith.mulf %get3A_714, %get3A_721 : vector<16xf32>
        %add3A_723 = arith.addf %add3A_707, %mul3A_722 : vector<16xf32>
        %get3A_724 = arith.constant 0 : i32
        %get3A_725 = arith.constant 0 : i32
        %get3A_726 = tpu.memref_slice %arg9[%scan3A_183, %get3A_724, %get3A_725] : memref<4x64x128xf32, #tpu.memory_space<vmem>> -> memref<1x64x128xf32, #tpu.memory_space<vmem>>
        %get3A_727 = tpu.memref_squeeze %get3A_726 : memref<1x64x128xf32, #tpu.memory_space<vmem>> -> memref<64x128xf32, #tpu.memory_space<vmem>>
        %get3A_728 = arith.index_cast %add3A_677 : i32 to index
        %get3A_729 = arith.constant 48 : index
        %get3A_730 = tpu.vector_load %get3A_727[%get3A_728, %get3A_729] {strides = array<i32>} : memref<64x128xf32, #tpu.memory_space<vmem>>, vector<16xf32>,
        %get3A_731 = arith.constant 0 : i32
        %get3A_732 = arith.constant 0 : i32
        %get3A_733 = tpu.memref_slice %arg10[%scan3A_184, %get3A_731, %get3A_732] : memref<4x64x128xf32, #tpu.memory_space<vmem>> -> memref<1x64x128xf32, #tpu.memory_space<vmem>>
        %get3A_734 = tpu.memref_squeeze %get3A_733 : memref<1x64x128xf32, #tpu.memory_space<vmem>> -> memref<64x128xf32, #tpu.memory_space<vmem>>
        %get3A_735 = arith.index_cast %add3A_677 : i32 to index
        %get3A_736 = arith.constant 48 : index
        %get3A_737 = tpu.vector_load %get3A_734[%get3A_735, %get3A_736] {strides = array<i32>} : memref<64x128xf32, #tpu.memory_space<vmem>>, vector<16xf32>,
        %mul3A_738 = arith.mulf %get3A_730, %get3A_737 : vector<16xf32>
        %add3A_739 = arith.addf %add3A_723, %mul3A_738 : vector<16xf32>
        %get3A_740 = arith.constant 0 : i32
        %get3A_741 = arith.constant 0 : i32
        %get3A_742 = tpu.memref_slice %arg9[%scan3A_183, %get3A_740, %get3A_741] : memref<4x64x128xf32, #tpu.memory_space<vmem>> -> memref<1x64x128xf32, #tpu.memory_space<vmem>>
        %get3A_743 = tpu.memref_squeeze %get3A_742 : memref<1x64x128xf32, #tpu.memory_space<vmem>> -> memref<64x128xf32, #tpu.memory_space<vmem>>
        %get3A_744 = arith.index_cast %add3A_677 : i32 to index
        %get3A_745 = arith.constant 64 : index
        %get3A_746 = tpu.vector_load %get3A_743[%get3A_744, %get3A_745] {strides = array<i32>} : memref<64x128xf32, #tpu.memory_space<vmem>>, vector<16xf32>,
        %get3A_747 = arith.constant 0 : i32
        %get3A_748 = arith.constant 0 : i32
        %get3A_749 = tpu.memref_slice %arg10[%scan3A_184, %get3A_747, %get3A_748] : memref<4x64x128xf32, #tpu.memory_space<vmem>> -> memref<1x64x128xf32, #tpu.memory_space<vmem>>
        %get3A_750 = tpu.memref_squeeze %get3A_749 : memref<1x64x128xf32, #tpu.memory_space<vmem>> -> memref<64x128xf32, #tpu.memory_space<vmem>>
        %get3A_751 = arith.index_cast %add3A_677 : i32 to index
        %get3A_752 = arith.constant 64 : index
        %get3A_753 = tpu.vector_load %get3A_750[%get3A_751, %get3A_752] {strides = array<i32>} : memref<64x128xf32, #tpu.memory_space<vmem>>, vector<16xf32>,
        %mul3A_754 = arith.mulf %get3A_746, %get3A_753 : vector<16xf32>
        %add3A_755 = arith.addf %add3A_739, %mul3A_754 : vector<16xf32>
        %get3A_756 = arith.constant 0 : i32
        %get3A_757 = arith.constant 0 : i32
        %get3A_758 = tpu.memref_slice %arg9[%scan3A_183, %get3A_756, %get3A_757] : memref<4x64x128xf32, #tpu.memory_space<vmem>> -> memref<1x64x128xf32, #tpu.memory_space<vmem>>
        %get3A_759 = tpu.memref_squeeze %get3A_758 : memref<1x64x128xf32, #tpu.memory_space<vmem>> -> memref<64x128xf32, #tpu.memory_space<vmem>>
        %get3A_760 = arith.index_cast %add3A_677 : i32 to index
        %get3A_761 = arith.constant 80 : index
        %get3A_762 = tpu.vector_load %get3A_759[%get3A_760, %get3A_761] {strides = array<i32>} : memref<64x128xf32, #tpu.memory_space<vmem>>, vector<16xf32>,
        %get3A_763 = arith.constant 0 : i32
        %get3A_764 = arith.constant 0 : i32
        %get3A_765 = tpu.memref_slice %arg10[%scan3A_184, %get3A_763, %get3A_764] : memref<4x64x128xf32, #tpu.memory_space<vmem>> -> memref<1x64x128xf32, #tpu.memory_space<vmem>>
        %get3A_766 = tpu.memref_squeeze %get3A_765 : memref<1x64x128xf32, #tpu.memory_space<vmem>> -> memref<64x128xf32, #tpu.memory_space<vmem>>
        %get3A_767 = arith.index_cast %add3A_677 : i32 to index
        %get3A_768 = arith.constant 80 : index
        %get3A_769 = tpu.vector_load %get3A_766[%get3A_767, %get3A_768] {strides = array<i32>} : memref<64x128xf32, #tpu.memory_space<vmem>>, vector<16xf32>,
        %mul3A_770 = arith.mulf %get3A_762, %get3A_769 : vector<16xf32>
        %add3A_771 = arith.addf %add3A_755, %mul3A_770 : vector<16xf32>
        %get3A_772 = arith.constant 0 : i32
        %get3A_773 = arith.constant 0 : i32
        %get3A_774 = tpu.memref_slice %arg9[%scan3A_183, %get3A_772, %get3A_773] : memref<4x64x128xf32, #tpu.memory_space<vmem>> -> memref<1x64x128xf32, #tpu.memory_space<vmem>>
        %get3A_775 = tpu.memref_squeeze %get3A_774 : memref<1x64x128xf32, #tpu.memory_space<vmem>> -> memref<64x128xf32, #tpu.memory_space<vmem>>
        %get3A_776 = arith.index_cast %add3A_677 : i32 to index
        %get3A_777 = arith.constant 96 : index
        %get3A_778 = tpu.vector_load %get3A_775[%get3A_776, %get3A_777] {strides = array<i32>} : memref<64x128xf32, #tpu.memory_space<vmem>>, vector<16xf32>,
        %get3A_779 = arith.constant 0 : i32
        %get3A_780 = arith.constant 0 : i32
        %get3A_781 = tpu.memref_slice %arg10[%scan3A_184, %get3A_779, %get3A_780] : memref<4x64x128xf32, #tpu.memory_space<vmem>> -> memref<1x64x128xf32, #tpu.memory_space<vmem>>
        %get3A_782 = tpu.memref_squeeze %get3A_781 : memref<1x64x128xf32, #tpu.memory_space<vmem>> -> memref<64x128xf32, #tpu.memory_space<vmem>>
        %get3A_783 = arith.index_cast %add3A_677 : i32 to index
        %get3A_784 = arith.constant 96 : index
        %get3A_785 = tpu.vector_load %get3A_782[%get3A_783, %get3A_784] {strides = array<i32>} : memref<64x128xf32, #tpu.memory_space<vmem>>, vector<16xf32>,
        %mul3A_786 = arith.mulf %get3A_778, %get3A_785 : vector<16xf32>
        %add3A_787 = arith.addf %add3A_771, %mul3A_786 : vector<16xf32>
        %get3A_788 = arith.constant 0 : i32
        %get3A_789 = arith.constant 0 : i32
        %get3A_790 = tpu.memref_slice %arg9[%scan3A_183, %get3A_788, %get3A_789] : memref<4x64x128xf32, #tpu.memory_space<vmem>> -> memref<1x64x128xf32, #tpu.memory_space<vmem>>
        %get3A_791 = tpu.memref_squeeze %get3A_790 : memref<1x64x128xf32, #tpu.memory_space<vmem>> -> memref<64x128xf32, #tpu.memory_space<vmem>>
        %get3A_792 = arith.index_cast %add3A_677 : i32 to index
        %get3A_793 = arith.constant 112 : index
        %get3A_794 = tpu.vector_load %get3A_791[%get3A_792, %get3A_793] {strides = array<i32>} : memref<64x128xf32, #tpu.memory_space<vmem>>, vector<16xf32>,
        %get3A_795 = arith.constant 0 : i32
        %get3A_796 = arith.constant 0 : i32
        %get3A_797 = tpu.memref_slice %arg10[%scan3A_184, %get3A_795, %get3A_796] : memref<4x64x128xf32, #tpu.memory_space<vmem>> -> memref<1x64x128xf32, #tpu.memory_space<vmem>>
        %get3A_798 = tpu.memref_squeeze %get3A_797 : memref<1x64x128xf32, #tpu.memory_space<vmem>> -> memref<64x128xf32, #tpu.memory_space<vmem>>
        %get3A_799 = arith.index_cast %add3A_677 : i32 to index
        %get3A_800 = arith.constant 112 : index
        %get3A_801 = tpu.vector_load %get3A_798[%get3A_799, %get3A_800] {strides = array<i32>} : memref<64x128xf32, #tpu.memory_space<vmem>>, vector<16xf32>,
        %mul3A_802 = arith.mulf %get3A_794, %get3A_801 : vector<16xf32>
        %add3A_803 = arith.addf %add3A_787, %mul3A_802 : vector<16xf32>
        %eq3A = vector.broadcast %scan3A_673 : i32 to vector<16xi32>
        %eq3A_804 = arith.cmpi eq, %iota3A, %eq3A : vector<16xi32>
        %reduce_sum3A = arith.constant true
        %reduce_sum3A_805 = vector.broadcast %reduce_sum3A : i1 to vector<16xi1>
        %reduce_sum3A_806 = tpu.scan <sum>, %add3A_803 masked %reduce_sum3A_805 : vector<16xf32>, vector<16xi1> -> vector<16xf32>
        %reduce_sum3A_807 = vector.extract %reduce_sum3A_806[15] : f32 from vector<16xf32>
        %broadcast_in_dim3A_808 = vector.broadcast %reduce_sum3A_807 : f32 to vector<16xf32>
        %select_n3A = arith.select %eq3A_804, %broadcast_in_dim3A_808, %scan3A_674 : vector<16xi1>, vector<16xf32>
        scf.yield %select_n3A : vector<16xf32>
      }
      %scan3A_667 = arith.constant 16 : i32
      %mul3A_668 = arith.constant 16 : i32
      %mul3A_669 = arith.muli %scan3A_660, %mul3A_668 : i32
      %add3A_670 = arith.constant 0 : i32
      %add3A_671 = arith.addi %add3A_670, %mul3A_669 : i32
      %swap3A = arith.index_cast %add3A_671 : i32 to index
      %swap3A_672 = tpu.vector_load %arg11[%swap3A] {strides = array<i32>} : memref<512xf32, #tpu.memory_space<vmem>>, vector<16xf32>,
      tpu.vector_store %arg11[%swap3A], %scan3A_666 {strides = array<i32>} : memref<512xf32, #tpu.memory_space<vmem>>, vector<16xf32>,
    }
    %scan3A_189 = arith.constant 4 : i32
    %dma_start3A_190 = arith.constant 0 : i32
    %dma_start3A_191 = arith.constant 0 : i32
    %dma_start3A_192 = arith.constant 0 : i32
    %dma_start3A_193 = arith.constant 0 : i32
    %dma_start3A_194 = tpu.memref_slice %arg9[%dma_start3A_190, %dma_start3A_192, %dma_start3A_193] : memref<4x64x128xf32, #tpu.memory_space<vmem>> -> memref<1x64x128xf32, #tpu.memory_space<vmem>>
    %dma_start3A_195 = tpu.memref_squeeze %dma_start3A_194 : memref<1x64x128xf32, #tpu.memory_space<vmem>> -> memref<64x128xf32, #tpu.memory_space<vmem>>
    %dma_start3A_196 = arith.constant 256 : i32
    %dma_start3A_197 = tpu.memref_slice %arg7[%dma_start3A_196] : memref<512xi32, #tpu.memory_space<vmem>> -> memref<64xi32, #tpu.memory_space<vmem>>
    %dma_start3A_198 = arith.constant 0 : i32
    %dma_start3A_199 = arith.constant 0 : i32
    %dma_start3A_200 = tpu.memref_slice %arg4[%dma_start3A_198, %dma_start3A_199] : memref<1000000x128xf32, #tpu.memory_space<hbm>> -> memref<1000000x128xf32, #tpu.memory_space<hbm>>
    %dma_start3A_201 = tpu.memref_slice %arg12[%dma_start3A_191] : memref<4x!tpu.dma_semaphore, #tpu.memory_space<semaphore_mem>> -> memref<1x!tpu.dma_semaphore, #tpu.memory_space<semaphore_mem>>
    %dma_start3A_202 = tpu.memref_squeeze %dma_start3A_201 : memref<1x!tpu.dma_semaphore, #tpu.memory_space<semaphore_mem>> -> memref<!tpu.dma_semaphore, #tpu.memory_space<semaphore_mem>>
    tpu.enqueue_indirect_dma source(%dma_start3A_200 : memref<1000000x128xf32, #tpu.memory_space<hbm>>) target(%dma_start3A_195 : memref<64x128xf32, #tpu.memory_space<vmem>>) offsets(%dma_start3A_197 : memref<64xi32, #tpu.memory_space<vmem>>) semaphore(%dma_start3A_202 : memref<!tpu.dma_semaphore, #tpu.memory_space<semaphore_mem>>)
    %dma_start3A_203 = arith.constant 0 : i32
    %dma_start3A_204 = arith.constant 0 : i32
    %dma_start3A_205 = arith.constant 0 : i32
    %dma_start3A_206 = arith.constant 0 : i32
    %dma_start3A_207 = tpu.memref_slice %arg10[%dma_start3A_203, %dma_start3A_205, %dma_start3A_206] : memref<4x64x128xf32, #tpu.memory_space<vmem>> -> memref<1x64x128xf32, #tpu.memory_space<vmem>>
    %dma_start3A_208 = tpu.memref_squeeze %dma_start3A_207 : memref<1x64x128xf32, #tpu.memory_space<vmem>> -> memref<64x128xf32, #tpu.memory_space<vmem>>
    %dma_start3A_209 = arith.constant 256 : i32
    %dma_start3A_210 = tpu.memref_slice %arg8[%dma_start3A_209] : memref<512xi32, #tpu.memory_space<vmem>> -> memref<64xi32, #tpu.memory_space<vmem>>
    %dma_start3A_211 = arith.constant 0 : i32
    %dma_start3A_212 = arith.constant 0 : i32
    %dma_start3A_213 = tpu.memref_slice %arg5[%dma_start3A_211, %dma_start3A_212] : memref<1000000x128xf32, #tpu.memory_space<hbm>> -> memref<1000000x128xf32, #tpu.memory_space<hbm>>
    %dma_start3A_214 = tpu.memref_slice %arg13[%dma_start3A_204] : memref<4x!tpu.dma_semaphore, #tpu.memory_space<semaphore_mem>> -> memref<1x!tpu.dma_semaphore, #tpu.memory_space<semaphore_mem>>
    %dma_start3A_215 = tpu.memref_squeeze %dma_start3A_214 : memref<1x!tpu.dma_semaphore, #tpu.memory_space<semaphore_mem>> -> memref<!tpu.dma_semaphore, #tpu.memory_space<semaphore_mem>>
    tpu.enqueue_indirect_dma source(%dma_start3A_213 : memref<1000000x128xf32, #tpu.memory_space<hbm>>) target(%dma_start3A_208 : memref<64x128xf32, #tpu.memory_space<vmem>>) offsets(%dma_start3A_210 : memref<64xi32, #tpu.memory_space<vmem>>) semaphore(%dma_start3A_215 : memref<!tpu.dma_semaphore, #tpu.memory_space<semaphore_mem>>)
    %add3A_216 = arith.constant 0 : i32
    %add3A_217 = arith.addi %mul3A_2, %add3A_216 : i32
    %dma_start3A_218 = arith.constant 0 : i32
    %dma_start3A_219 = tpu.memref_slice %arg11[%dma_start3A_218] : memref<512xf32, #tpu.memory_space<vmem>> -> memref<64xf32, #tpu.memory_space<vmem>>
    %dma_start3A_220 = tpu.memref_slice %arg6[%add3A_217] : memref<16384xf32, #tpu.memory_space<hbm>> -> memref<64xf32, #tpu.memory_space<hbm>>
    %dma_start3A_221 = tpu.memref_slice %arg6[%add3A_217] : memref<16384xf32, #tpu.memory_space<hbm>> -> memref<64xf32, #tpu.memory_space<hbm>>
    %dma_start3A_222 = arith.constant 0 : i32
    %dma_start3A_223 = tpu.memref_slice %arg11[%dma_start3A_222] : memref<512xf32, #tpu.memory_space<vmem>> -> memref<64xf32, #tpu.memory_space<vmem>>
    tpu.enqueue_dma source(%dma_start3A_223 : memref<64xf32, #tpu.memory_space<vmem>>) target(%dma_start3A_221 : memref<64xf32, #tpu.memory_space<hbm>>) target_semaphore(%arg15 : memref<!tpu.dma_semaphore, #tpu.memory_space<semaphore_mem>>)
    %dma_wait3A_224 = arith.constant 1 : i32
    %dma_wait3A_225 = arith.constant 1 : i32
    %dma_wait3A_226 = arith.constant 0 : i32
    %dma_wait3A_227 = arith.constant 0 : i32
    %dma_wait3A_228 = tpu.memref_slice %arg9[%dma_wait3A_224, %dma_wait3A_226, %dma_wait3A_227] : memref<4x64x128xf32, #tpu.memory_space<vmem>> -> memref<1x64x128xf32, #tpu.memory_space<vmem>>
    %dma_wait3A_229 = tpu.memref_squeeze %dma_wait3A_228 : memref<1x64x128xf32, #tpu.memory_space<vmem>> -> memref<64x128xf32, #tpu.memory_space<vmem>>
    %dma_wait3A_230 = arith.constant 64 : i32
    %dma_wait3A_231 = tpu.memref_slice %arg7[%dma_wait3A_230] : memref<512xi32, #tpu.memory_space<vmem>> -> memref<64xi32, #tpu.memory_space<vmem>>
    %dma_wait3A_232 = arith.constant 0 : i32
    %dma_wait3A_233 = arith.constant 0 : i32
    %dma_wait3A_234 = tpu.memref_slice %arg4[%dma_wait3A_232, %dma_wait3A_233] : memref<1000000x128xf32, #tpu.memory_space<hbm>> -> memref<1000000x128xf32, #tpu.memory_space<hbm>>
    %dma_wait3A_235 = tpu.memref_slice %arg12[%dma_wait3A_225] : memref<4x!tpu.dma_semaphore, #tpu.memory_space<semaphore_mem>> -> memref<1x!tpu.dma_semaphore, #tpu.memory_space<semaphore_mem>>
    %dma_wait3A_236 = tpu.memref_squeeze %dma_wait3A_235 : memref<1x!tpu.dma_semaphore, #tpu.memory_space<semaphore_mem>> -> memref<!tpu.dma_semaphore, #tpu.memory_space<semaphore_mem>>
    tpu.wait_indirect_dma semaphore(%dma_wait3A_236 : memref<!tpu.dma_semaphore, #tpu.memory_space<semaphore_mem>>) src(%dma_wait3A_234 : memref<1000000x128xf32, #tpu.memory_space<hbm>>) dst(%dma_wait3A_229 : memref<64x128xf32, #tpu.memory_space<vmem>>)
    %dma_wait3A_237 = arith.constant 1 : i32
    %dma_wait3A_238 = arith.constant 1 : i32
    %dma_wait3A_239 = arith.constant 0 : i32
    %dma_wait3A_240 = arith.constant 0 : i32
    %dma_wait3A_241 = tpu.memref_slice %arg10[%dma_wait3A_237, %dma_wait3A_239, %dma_wait3A_240] : memref<4x64x128xf32, #tpu.memory_space<vmem>> -> memref<1x64x128xf32, #tpu.memory_space<vmem>>
    %dma_wait3A_242 = tpu.memref_squeeze %dma_wait3A_241 : memref<1x64x128xf32, #tpu.memory_space<vmem>> -> memref<64x128xf32, #tpu.memory_space<vmem>>
    %dma_wait3A_243 = arith.constant 64 : i32
    %dma_wait3A_244 = tpu.memref_slice %arg8[%dma_wait3A_243] : memref<512xi32, #tpu.memory_space<vmem>> -> memref<64xi32, #tpu.memory_space<vmem>>
    %dma_wait3A_245 = arith.constant 0 : i32
    %dma_wait3A_246 = arith.constant 0 : i32
    %dma_wait3A_247 = tpu.memref_slice %arg5[%dma_wait3A_245, %dma_wait3A_246] : memref<1000000x128xf32, #tpu.memory_space<hbm>> -> memref<1000000x128xf32, #tpu.memory_space<hbm>>
    %dma_wait3A_248 = tpu.memref_slice %arg13[%dma_wait3A_238] : memref<4x!tpu.dma_semaphore, #tpu.memory_space<semaphore_mem>> -> memref<1x!tpu.dma_semaphore, #tpu.memory_space<semaphore_mem>>
    %dma_wait3A_249 = tpu.memref_squeeze %dma_wait3A_248 : memref<1x!tpu.dma_semaphore, #tpu.memory_space<semaphore_mem>> -> memref<!tpu.dma_semaphore, #tpu.memory_space<semaphore_mem>>
    tpu.wait_indirect_dma semaphore(%dma_wait3A_249 : memref<!tpu.dma_semaphore, #tpu.memory_space<semaphore_mem>>) src(%dma_wait3A_247 : memref<1000000x128xf32, #tpu.memory_space<hbm>>) dst(%dma_wait3A_242 : memref<64x128xf32, #tpu.memory_space<vmem>>)
    %scan3A_250 = arith.constant 0 : i32
    %scan3A_251 = arith.constant 1 : i32
    %scan3A_252 = arith.constant 1 : i32
    %scan3A_253 = arith.constant 0 : i32
    %scan3A_254 = arith.constant 4 : i32
    %scan3A_255 = arith.addi %scan3A_253, %scan3A_254 : i32
    %scan3A_256 = arith.constant 1 : i32
    scf.for %scan3A_660 = %scan3A_253 to %scan3A_255 step %scan3A_256  : i32 {
      %broadcast_in_dim3A = arith.constant 0.000000e+00 : f32
      %broadcast_in_dim3A_661 = vector.broadcast %broadcast_in_dim3A : f32 to vector<16xf32>
      %scan3A_662 = arith.constant 0 : i32
      %scan3A_663 = arith.constant 16 : i32
      %scan3A_664 = arith.addi %scan3A_662, %scan3A_663 : i32
      %scan3A_665 = arith.constant 1 : i32
      %scan3A_666 = scf.for %scan3A_673 = %scan3A_662 to %scan3A_664 step %scan3A_665 iter_args(%scan3A_674 = %broadcast_in_dim3A_661) -> (vector<16xf32>)  : i32 {
        %mul3A_675 = arith.constant 16 : i32
        %mul3A_676 = arith.muli %scan3A_660, %mul3A_675 : i32
        %add3A_677 = arith.addi %mul3A_676, %scan3A_673 : i32
        %get3A = arith.constant 0 : i32
        %get3A_678 = arith.constant 0 : i32
        %get3A_679 = tpu.memref_slice %arg9[%scan3A_251, %get3A, %get3A_678] : memref<4x64x128xf32, #tpu.memory_space<vmem>> -> memref<1x64x128xf32, #tpu.memory_space<vmem>>
        %get3A_680 = tpu.memref_squeeze %get3A_679 : memref<1x64x128xf32, #tpu.memory_space<vmem>> -> memref<64x128xf32, #tpu.memory_space<vmem>>
        %get3A_681 = arith.index_cast %add3A_677 : i32 to index
        %get3A_682 = arith.constant 0 : index
        %get3A_683 = tpu.vector_load %get3A_680[%get3A_681, %get3A_682] {strides = array<i32>} : memref<64x128xf32, #tpu.memory_space<vmem>>, vector<16xf32>,
        %get3A_684 = arith.constant 0 : i32
        %get3A_685 = arith.constant 0 : i32
        %get3A_686 = tpu.memref_slice %arg10[%scan3A_252, %get3A_684, %get3A_685] : memref<4x64x128xf32, #tpu.memory_space<vmem>> -> memref<1x64x128xf32, #tpu.memory_space<vmem>>
        %get3A_687 = tpu.memref_squeeze %get3A_686 : memref<1x64x128xf32, #tpu.memory_space<vmem>> -> memref<64x128xf32, #tpu.memory_space<vmem>>
        %get3A_688 = arith.index_cast %add3A_677 : i32 to index
        %get3A_689 = arith.constant 0 : index
        %get3A_690 = tpu.vector_load %get3A_687[%get3A_688, %get3A_689] {strides = array<i32>} : memref<64x128xf32, #tpu.memory_space<vmem>>, vector<16xf32>,
        %mul3A_691 = arith.mulf %get3A_683, %get3A_690 : vector<16xf32>
        %get3A_692 = arith.constant 0 : i32
        %get3A_693 = arith.constant 0 : i32
        %get3A_694 = tpu.memref_slice %arg9[%scan3A_251, %get3A_692, %get3A_693] : memref<4x64x128xf32, #tpu.memory_space<vmem>> -> memref<1x64x128xf32, #tpu.memory_space<vmem>>
        %get3A_695 = tpu.memref_squeeze %get3A_694 : memref<1x64x128xf32, #tpu.memory_space<vmem>> -> memref<64x128xf32, #tpu.memory_space<vmem>>
        %get3A_696 = arith.index_cast %add3A_677 : i32 to index
        %get3A_697 = arith.constant 16 : index
        %get3A_698 = tpu.vector_load %get3A_695[%get3A_696, %get3A_697] {strides = array<i32>} : memref<64x128xf32, #tpu.memory_space<vmem>>, vector<16xf32>,
        %get3A_699 = arith.constant 0 : i32
        %get3A_700 = arith.constant 0 : i32
        %get3A_701 = tpu.memref_slice %arg10[%scan3A_252, %get3A_699, %get3A_700] : memref<4x64x128xf32, #tpu.memory_space<vmem>> -> memref<1x64x128xf32, #tpu.memory_space<vmem>>
        %get3A_702 = tpu.memref_squeeze %get3A_701 : memref<1x64x128xf32, #tpu.memory_space<vmem>> -> memref<64x128xf32, #tpu.memory_space<vmem>>
        %get3A_703 = arith.index_cast %add3A_677 : i32 to index
        %get3A_704 = arith.constant 16 : index
        %get3A_705 = tpu.vector_load %get3A_702[%get3A_703, %get3A_704] {strides = array<i32>} : memref<64x128xf32, #tpu.memory_space<vmem>>, vector<16xf32>,
        %mul3A_706 = arith.mulf %get3A_698, %get3A_705 : vector<16xf32>
        %add3A_707 = arith.addf %mul3A_691, %mul3A_706 : vector<16xf32>
        %get3A_708 = arith.constant 0 : i32
        %get3A_709 = arith.constant 0 : i32
        %get3A_710 = tpu.memref_slice %arg9[%scan3A_251, %get3A_708, %get3A_709] : memref<4x64x128xf32, #tpu.memory_space<vmem>> -> memref<1x64x128xf32, #tpu.memory_space<vmem>>
        %get3A_711 = tpu.memref_squeeze %get3A_710 : memref<1x64x128xf32, #tpu.memory_space<vmem>> -> memref<64x128xf32, #tpu.memory_space<vmem>>
        %get3A_712 = arith.index_cast %add3A_677 : i32 to index
        %get3A_713 = arith.constant 32 : index
        %get3A_714 = tpu.vector_load %get3A_711[%get3A_712, %get3A_713] {strides = array<i32>} : memref<64x128xf32, #tpu.memory_space<vmem>>, vector<16xf32>,
        %get3A_715 = arith.constant 0 : i32
        %get3A_716 = arith.constant 0 : i32
        %get3A_717 = tpu.memref_slice %arg10[%scan3A_252, %get3A_715, %get3A_716] : memref<4x64x128xf32, #tpu.memory_space<vmem>> -> memref<1x64x128xf32, #tpu.memory_space<vmem>>
        %get3A_718 = tpu.memref_squeeze %get3A_717 : memref<1x64x128xf32, #tpu.memory_space<vmem>> -> memref<64x128xf32, #tpu.memory_space<vmem>>
        %get3A_719 = arith.index_cast %add3A_677 : i32 to index
        %get3A_720 = arith.constant 32 : index
        %get3A_721 = tpu.vector_load %get3A_718[%get3A_719, %get3A_720] {strides = array<i32>} : memref<64x128xf32, #tpu.memory_space<vmem>>, vector<16xf32>,
        %mul3A_722 = arith.mulf %get3A_714, %get3A_721 : vector<16xf32>
        %add3A_723 = arith.addf %add3A_707, %mul3A_722 : vector<16xf32>
        %get3A_724 = arith.constant 0 : i32
        %get3A_725 = arith.constant 0 : i32
        %get3A_726 = tpu.memref_slice %arg9[%scan3A_251, %get3A_724, %get3A_725] : memref<4x64x128xf32, #tpu.memory_space<vmem>> -> memref<1x64x128xf32, #tpu.memory_space<vmem>>
        %get3A_727 = tpu.memref_squeeze %get3A_726 : memref<1x64x128xf32, #tpu.memory_space<vmem>> -> memref<64x128xf32, #tpu.memory_space<vmem>>
        %get3A_728 = arith.index_cast %add3A_677 : i32 to index
        %get3A_729 = arith.constant 48 : index
        %get3A_730 = tpu.vector_load %get3A_727[%get3A_728, %get3A_729] {strides = array<i32>} : memref<64x128xf32, #tpu.memory_space<vmem>>, vector<16xf32>,
        %get3A_731 = arith.constant 0 : i32
        %get3A_732 = arith.constant 0 : i32
        %get3A_733 = tpu.memref_slice %arg10[%scan3A_252, %get3A_731, %get3A_732] : memref<4x64x128xf32, #tpu.memory_space<vmem>> -> memref<1x64x128xf32, #tpu.memory_space<vmem>>
        %get3A_734 = tpu.memref_squeeze %get3A_733 : memref<1x64x128xf32, #tpu.memory_space<vmem>> -> memref<64x128xf32, #tpu.memory_space<vmem>>
        %get3A_735 = arith.index_cast %add3A_677 : i32 to index
        %get3A_736 = arith.constant 48 : index
        %get3A_737 = tpu.vector_load %get3A_734[%get3A_735, %get3A_736] {strides = array<i32>} : memref<64x128xf32, #tpu.memory_space<vmem>>, vector<16xf32>,
        %mul3A_738 = arith.mulf %get3A_730, %get3A_737 : vector<16xf32>
        %add3A_739 = arith.addf %add3A_723, %mul3A_738 : vector<16xf32>
        %get3A_740 = arith.constant 0 : i32
        %get3A_741 = arith.constant 0 : i32
        %get3A_742 = tpu.memref_slice %arg9[%scan3A_251, %get3A_740, %get3A_741] : memref<4x64x128xf32, #tpu.memory_space<vmem>> -> memref<1x64x128xf32, #tpu.memory_space<vmem>>
        %get3A_743 = tpu.memref_squeeze %get3A_742 : memref<1x64x128xf32, #tpu.memory_space<vmem>> -> memref<64x128xf32, #tpu.memory_space<vmem>>
        %get3A_744 = arith.index_cast %add3A_677 : i32 to index
        %get3A_745 = arith.constant 64 : index
        %get3A_746 = tpu.vector_load %get3A_743[%get3A_744, %get3A_745] {strides = array<i32>} : memref<64x128xf32, #tpu.memory_space<vmem>>, vector<16xf32>,
        %get3A_747 = arith.constant 0 : i32
        %get3A_748 = arith.constant 0 : i32
        %get3A_749 = tpu.memref_slice %arg10[%scan3A_252, %get3A_747, %get3A_748] : memref<4x64x128xf32, #tpu.memory_space<vmem>> -> memref<1x64x128xf32, #tpu.memory_space<vmem>>
        %get3A_750 = tpu.memref_squeeze %get3A_749 : memref<1x64x128xf32, #tpu.memory_space<vmem>> -> memref<64x128xf32, #tpu.memory_space<vmem>>
        %get3A_751 = arith.index_cast %add3A_677 : i32 to index
        %get3A_752 = arith.constant 64 : index
        %get3A_753 = tpu.vector_load %get3A_750[%get3A_751, %get3A_752] {strides = array<i32>} : memref<64x128xf32, #tpu.memory_space<vmem>>, vector<16xf32>,
        %mul3A_754 = arith.mulf %get3A_746, %get3A_753 : vector<16xf32>
        %add3A_755 = arith.addf %add3A_739, %mul3A_754 : vector<16xf32>
        %get3A_756 = arith.constant 0 : i32
        %get3A_757 = arith.constant 0 : i32
        %get3A_758 = tpu.memref_slice %arg9[%scan3A_251, %get3A_756, %get3A_757] : memref<4x64x128xf32, #tpu.memory_space<vmem>> -> memref<1x64x128xf32, #tpu.memory_space<vmem>>
        %get3A_759 = tpu.memref_squeeze %get3A_758 : memref<1x64x128xf32, #tpu.memory_space<vmem>> -> memref<64x128xf32, #tpu.memory_space<vmem>>
        %get3A_760 = arith.index_cast %add3A_677 : i32 to index
        %get3A_761 = arith.constant 80 : index
        %get3A_762 = tpu.vector_load %get3A_759[%get3A_760, %get3A_761] {strides = array<i32>} : memref<64x128xf32, #tpu.memory_space<vmem>>, vector<16xf32>,
        %get3A_763 = arith.constant 0 : i32
        %get3A_764 = arith.constant 0 : i32
        %get3A_765 = tpu.memref_slice %arg10[%scan3A_252, %get3A_763, %get3A_764] : memref<4x64x128xf32, #tpu.memory_space<vmem>> -> memref<1x64x128xf32, #tpu.memory_space<vmem>>
        %get3A_766 = tpu.memref_squeeze %get3A_765 : memref<1x64x128xf32, #tpu.memory_space<vmem>> -> memref<64x128xf32, #tpu.memory_space<vmem>>
        %get3A_767 = arith.index_cast %add3A_677 : i32 to index
        %get3A_768 = arith.constant 80 : index
        %get3A_769 = tpu.vector_load %get3A_766[%get3A_767, %get3A_768] {strides = array<i32>} : memref<64x128xf32, #tpu.memory_space<vmem>>, vector<16xf32>,
        %mul3A_770 = arith.mulf %get3A_762, %get3A_769 : vector<16xf32>
        %add3A_771 = arith.addf %add3A_755, %mul3A_770 : vector<16xf32>
        %get3A_772 = arith.constant 0 : i32
        %get3A_773 = arith.constant 0 : i32
        %get3A_774 = tpu.memref_slice %arg9[%scan3A_251, %get3A_772, %get3A_773] : memref<4x64x128xf32, #tpu.memory_space<vmem>> -> memref<1x64x128xf32, #tpu.memory_space<vmem>>
        %get3A_775 = tpu.memref_squeeze %get3A_774 : memref<1x64x128xf32, #tpu.memory_space<vmem>> -> memref<64x128xf32, #tpu.memory_space<vmem>>
        %get3A_776 = arith.index_cast %add3A_677 : i32 to index
        %get3A_777 = arith.constant 96 : index
        %get3A_778 = tpu.vector_load %get3A_775[%get3A_776, %get3A_777] {strides = array<i32>} : memref<64x128xf32, #tpu.memory_space<vmem>>, vector<16xf32>,
        %get3A_779 = arith.constant 0 : i32
        %get3A_780 = arith.constant 0 : i32
        %get3A_781 = tpu.memref_slice %arg10[%scan3A_252, %get3A_779, %get3A_780] : memref<4x64x128xf32, #tpu.memory_space<vmem>> -> memref<1x64x128xf32, #tpu.memory_space<vmem>>
        %get3A_782 = tpu.memref_squeeze %get3A_781 : memref<1x64x128xf32, #tpu.memory_space<vmem>> -> memref<64x128xf32, #tpu.memory_space<vmem>>
        %get3A_783 = arith.index_cast %add3A_677 : i32 to index
        %get3A_784 = arith.constant 96 : index
        %get3A_785 = tpu.vector_load %get3A_782[%get3A_783, %get3A_784] {strides = array<i32>} : memref<64x128xf32, #tpu.memory_space<vmem>>, vector<16xf32>,
        %mul3A_786 = arith.mulf %get3A_778, %get3A_785 : vector<16xf32>
        %add3A_787 = arith.addf %add3A_771, %mul3A_786 : vector<16xf32>
        %get3A_788 = arith.constant 0 : i32
        %get3A_789 = arith.constant 0 : i32
        %get3A_790 = tpu.memref_slice %arg9[%scan3A_251, %get3A_788, %get3A_789] : memref<4x64x128xf32, #tpu.memory_space<vmem>> -> memref<1x64x128xf32, #tpu.memory_space<vmem>>
        %get3A_791 = tpu.memref_squeeze %get3A_790 : memref<1x64x128xf32, #tpu.memory_space<vmem>> -> memref<64x128xf32, #tpu.memory_space<vmem>>
        %get3A_792 = arith.index_cast %add3A_677 : i32 to index
        %get3A_793 = arith.constant 112 : index
        %get3A_794 = tpu.vector_load %get3A_791[%get3A_792, %get3A_793] {strides = array<i32>} : memref<64x128xf32, #tpu.memory_space<vmem>>, vector<16xf32>,
        %get3A_795 = arith.constant 0 : i32
        %get3A_796 = arith.constant 0 : i32
        %get3A_797 = tpu.memref_slice %arg10[%scan3A_252, %get3A_795, %get3A_796] : memref<4x64x128xf32, #tpu.memory_space<vmem>> -> memref<1x64x128xf32, #tpu.memory_space<vmem>>
        %get3A_798 = tpu.memref_squeeze %get3A_797 : memref<1x64x128xf32, #tpu.memory_space<vmem>> -> memref<64x128xf32, #tpu.memory_space<vmem>>
        %get3A_799 = arith.index_cast %add3A_677 : i32 to index
        %get3A_800 = arith.constant 112 : index
        %get3A_801 = tpu.vector_load %get3A_798[%get3A_799, %get3A_800] {strides = array<i32>} : memref<64x128xf32, #tpu.memory_space<vmem>>, vector<16xf32>,
        %mul3A_802 = arith.mulf %get3A_794, %get3A_801 : vector<16xf32>
        %add3A_803 = arith.addf %add3A_787, %mul3A_802 : vector<16xf32>
        %eq3A = vector.broadcast %scan3A_673 : i32 to vector<16xi32>
        %eq3A_804 = arith.cmpi eq, %iota3A, %eq3A : vector<16xi32>
        %reduce_sum3A = arith.constant true
        %reduce_sum3A_805 = vector.broadcast %reduce_sum3A : i1 to vector<16xi1>
        %reduce_sum3A_806 = tpu.scan <sum>, %add3A_803 masked %reduce_sum3A_805 : vector<16xf32>, vector<16xi1> -> vector<16xf32>
        %reduce_sum3A_807 = vector.extract %reduce_sum3A_806[15] : f32 from vector<16xf32>
        %broadcast_in_dim3A_808 = vector.broadcast %reduce_sum3A_807 : f32 to vector<16xf32>
        %select_n3A = arith.select %eq3A_804, %broadcast_in_dim3A_808, %scan3A_674 : vector<16xi1>, vector<16xf32>
        scf.yield %select_n3A : vector<16xf32>
      }
      %scan3A_667 = arith.constant 16 : i32
      %mul3A_668 = arith.constant 16 : i32
      %mul3A_669 = arith.muli %scan3A_660, %mul3A_668 : i32
      %add3A_670 = arith.constant 64 : i32
      %add3A_671 = arith.addi %add3A_670, %mul3A_669 : i32
      %swap3A = arith.index_cast %add3A_671 : i32 to index
      %swap3A_672 = tpu.vector_load %arg11[%swap3A] {strides = array<i32>} : memref<512xf32, #tpu.memory_space<vmem>>, vector<16xf32>,
      tpu.vector_store %arg11[%swap3A], %scan3A_666 {strides = array<i32>} : memref<512xf32, #tpu.memory_space<vmem>>, vector<16xf32>,
    }
    %scan3A_257 = arith.constant 4 : i32
    %dma_start3A_258 = arith.constant 1 : i32
    %dma_start3A_259 = arith.constant 1 : i32
    %dma_start3A_260 = arith.constant 0 : i32
    %dma_start3A_261 = arith.constant 0 : i32
    %dma_start3A_262 = tpu.memref_slice %arg9[%dma_start3A_258, %dma_start3A_260, %dma_start3A_261] : memref<4x64x128xf32, #tpu.memory_space<vmem>> -> memref<1x64x128xf32, #tpu.memory_space<vmem>>
    %dma_start3A_263 = tpu.memref_squeeze %dma_start3A_262 : memref<1x64x128xf32, #tpu.memory_space<vmem>> -> memref<64x128xf32, #tpu.memory_space<vmem>>
    %dma_start3A_264 = arith.constant 320 : i32
    %dma_start3A_265 = tpu.memref_slice %arg7[%dma_start3A_264] : memref<512xi32, #tpu.memory_space<vmem>> -> memref<64xi32, #tpu.memory_space<vmem>>
    %dma_start3A_266 = arith.constant 0 : i32
    %dma_start3A_267 = arith.constant 0 : i32
    %dma_start3A_268 = tpu.memref_slice %arg4[%dma_start3A_266, %dma_start3A_267] : memref<1000000x128xf32, #tpu.memory_space<hbm>> -> memref<1000000x128xf32, #tpu.memory_space<hbm>>
    %dma_start3A_269 = tpu.memref_slice %arg12[%dma_start3A_259] : memref<4x!tpu.dma_semaphore, #tpu.memory_space<semaphore_mem>> -> memref<1x!tpu.dma_semaphore, #tpu.memory_space<semaphore_mem>>
    %dma_start3A_270 = tpu.memref_squeeze %dma_start3A_269 : memref<1x!tpu.dma_semaphore, #tpu.memory_space<semaphore_mem>> -> memref<!tpu.dma_semaphore, #tpu.memory_space<semaphore_mem>>
    tpu.enqueue_indirect_dma source(%dma_start3A_268 : memref<1000000x128xf32, #tpu.memory_space<hbm>>) target(%dma_start3A_263 : memref<64x128xf32, #tpu.memory_space<vmem>>) offsets(%dma_start3A_265 : memref<64xi32, #tpu.memory_space<vmem>>) semaphore(%dma_start3A_270 : memref<!tpu.dma_semaphore, #tpu.memory_space<semaphore_mem>>)
    %dma_start3A_271 = arith.constant 1 : i32
    %dma_start3A_272 = arith.constant 1 : i32
    %dma_start3A_273 = arith.constant 0 : i32
    %dma_start3A_274 = arith.constant 0 : i32
    %dma_start3A_275 = tpu.memref_slice %arg10[%dma_start3A_271, %dma_start3A_273, %dma_start3A_274] : memref<4x64x128xf32, #tpu.memory_space<vmem>> -> memref<1x64x128xf32, #tpu.memory_space<vmem>>
    %dma_start3A_276 = tpu.memref_squeeze %dma_start3A_275 : memref<1x64x128xf32, #tpu.memory_space<vmem>> -> memref<64x128xf32, #tpu.memory_space<vmem>>
    %dma_start3A_277 = arith.constant 320 : i32
    %dma_start3A_278 = tpu.memref_slice %arg8[%dma_start3A_277] : memref<512xi32, #tpu.memory_space<vmem>> -> memref<64xi32, #tpu.memory_space<vmem>>
    %dma_start3A_279 = arith.constant 0 : i32
    %dma_start3A_280 = arith.constant 0 : i32
    %dma_start3A_281 = tpu.memref_slice %arg5[%dma_start3A_279, %dma_start3A_280] : memref<1000000x128xf32, #tpu.memory_space<hbm>> -> memref<1000000x128xf32, #tpu.memory_space<hbm>>
    %dma_start3A_282 = tpu.memref_slice %arg13[%dma_start3A_272] : memref<4x!tpu.dma_semaphore, #tpu.memory_space<semaphore_mem>> -> memref<1x!tpu.dma_semaphore, #tpu.memory_space<semaphore_mem>>
    %dma_start3A_283 = tpu.memref_squeeze %dma_start3A_282 : memref<1x!tpu.dma_semaphore, #tpu.memory_space<semaphore_mem>> -> memref<!tpu.dma_semaphore, #tpu.memory_space<semaphore_mem>>
    tpu.enqueue_indirect_dma source(%dma_start3A_281 : memref<1000000x128xf32, #tpu.memory_space<hbm>>) target(%dma_start3A_276 : memref<64x128xf32, #tpu.memory_space<vmem>>) offsets(%dma_start3A_278 : memref<64xi32, #tpu.memory_space<vmem>>) semaphore(%dma_start3A_283 : memref<!tpu.dma_semaphore, #tpu.memory_space<semaphore_mem>>)
    %add3A_284 = arith.constant 64 : i32
    %add3A_285 = arith.addi %mul3A_2, %add3A_284 : i32
    %dma_start3A_286 = arith.constant 64 : i32
    %dma_start3A_287 = tpu.memref_slice %arg11[%dma_start3A_286] : memref<512xf32, #tpu.memory_space<vmem>> -> memref<64xf32, #tpu.memory_space<vmem>>
    %dma_start3A_288 = tpu.memref_slice %arg6[%add3A_285] : memref<16384xf32, #tpu.memory_space<hbm>> -> memref<64xf32, #tpu.memory_space<hbm>>
    %dma_start3A_289 = tpu.memref_slice %arg6[%add3A_285] : memref<16384xf32, #tpu.memory_space<hbm>> -> memref<64xf32, #tpu.memory_space<hbm>>
    %dma_start3A_290 = arith.constant 64 : i32
    %dma_start3A_291 = tpu.memref_slice %arg11[%dma_start3A_290] : memref<512xf32, #tpu.memory_space<vmem>> -> memref<64xf32, #tpu.memory_space<vmem>>
    tpu.enqueue_dma source(%dma_start3A_291 : memref<64xf32, #tpu.memory_space<vmem>>) target(%dma_start3A_289 : memref<64xf32, #tpu.memory_space<hbm>>) target_semaphore(%arg15 : memref<!tpu.dma_semaphore, #tpu.memory_space<semaphore_mem>>)
    %dma_wait3A_292 = arith.constant 2 : i32
    %dma_wait3A_293 = arith.constant 2 : i32
    %dma_wait3A_294 = arith.constant 0 : i32
    %dma_wait3A_295 = arith.constant 0 : i32
    %dma_wait3A_296 = tpu.memref_slice %arg9[%dma_wait3A_292, %dma_wait3A_294, %dma_wait3A_295] : memref<4x64x128xf32, #tpu.memory_space<vmem>> -> memref<1x64x128xf32, #tpu.memory_space<vmem>>
    %dma_wait3A_297 = tpu.memref_squeeze %dma_wait3A_296 : memref<1x64x128xf32, #tpu.memory_space<vmem>> -> memref<64x128xf32, #tpu.memory_space<vmem>>
    %dma_wait3A_298 = arith.constant 128 : i32
    %dma_wait3A_299 = tpu.memref_slice %arg7[%dma_wait3A_298] : memref<512xi32, #tpu.memory_space<vmem>> -> memref<64xi32, #tpu.memory_space<vmem>>
    %dma_wait3A_300 = arith.constant 0 : i32
    %dma_wait3A_301 = arith.constant 0 : i32
    %dma_wait3A_302 = tpu.memref_slice %arg4[%dma_wait3A_300, %dma_wait3A_301] : memref<1000000x128xf32, #tpu.memory_space<hbm>> -> memref<1000000x128xf32, #tpu.memory_space<hbm>>
    %dma_wait3A_303 = tpu.memref_slice %arg12[%dma_wait3A_293] : memref<4x!tpu.dma_semaphore, #tpu.memory_space<semaphore_mem>> -> memref<1x!tpu.dma_semaphore, #tpu.memory_space<semaphore_mem>>
    %dma_wait3A_304 = tpu.memref_squeeze %dma_wait3A_303 : memref<1x!tpu.dma_semaphore, #tpu.memory_space<semaphore_mem>> -> memref<!tpu.dma_semaphore, #tpu.memory_space<semaphore_mem>>
    tpu.wait_indirect_dma semaphore(%dma_wait3A_304 : memref<!tpu.dma_semaphore, #tpu.memory_space<semaphore_mem>>) src(%dma_wait3A_302 : memref<1000000x128xf32, #tpu.memory_space<hbm>>) dst(%dma_wait3A_297 : memref<64x128xf32, #tpu.memory_space<vmem>>)
    %dma_wait3A_305 = arith.constant 2 : i32
    %dma_wait3A_306 = arith.constant 2 : i32
    %dma_wait3A_307 = arith.constant 0 : i32
    %dma_wait3A_308 = arith.constant 0 : i32
    %dma_wait3A_309 = tpu.memref_slice %arg10[%dma_wait3A_305, %dma_wait3A_307, %dma_wait3A_308] : memref<4x64x128xf32, #tpu.memory_space<vmem>> -> memref<1x64x128xf32, #tpu.memory_space<vmem>>
    %dma_wait3A_310 = tpu.memref_squeeze %dma_wait3A_309 : memref<1x64x128xf32, #tpu.memory_space<vmem>> -> memref<64x128xf32, #tpu.memory_space<vmem>>
    %dma_wait3A_311 = arith.constant 128 : i32
    %dma_wait3A_312 = tpu.memref_slice %arg8[%dma_wait3A_311] : memref<512xi32, #tpu.memory_space<vmem>> -> memref<64xi32, #tpu.memory_space<vmem>>
    %dma_wait3A_313 = arith.constant 0 : i32
    %dma_wait3A_314 = arith.constant 0 : i32
    %dma_wait3A_315 = tpu.memref_slice %arg5[%dma_wait3A_313, %dma_wait3A_314] : memref<1000000x128xf32, #tpu.memory_space<hbm>> -> memref<1000000x128xf32, #tpu.memory_space<hbm>>
    %dma_wait3A_316 = tpu.memref_slice %arg13[%dma_wait3A_306] : memref<4x!tpu.dma_semaphore, #tpu.memory_space<semaphore_mem>> -> memref<1x!tpu.dma_semaphore, #tpu.memory_space<semaphore_mem>>
    %dma_wait3A_317 = tpu.memref_squeeze %dma_wait3A_316 : memref<1x!tpu.dma_semaphore, #tpu.memory_space<semaphore_mem>> -> memref<!tpu.dma_semaphore, #tpu.memory_space<semaphore_mem>>
    tpu.wait_indirect_dma semaphore(%dma_wait3A_317 : memref<!tpu.dma_semaphore, #tpu.memory_space<semaphore_mem>>) src(%dma_wait3A_315 : memref<1000000x128xf32, #tpu.memory_space<hbm>>) dst(%dma_wait3A_310 : memref<64x128xf32, #tpu.memory_space<vmem>>)
    %scan3A_318 = arith.constant 0 : i32
    %scan3A_319 = arith.constant 2 : i32
    %scan3A_320 = arith.constant 2 : i32
    %scan3A_321 = arith.constant 0 : i32
    %scan3A_322 = arith.constant 4 : i32
    %scan3A_323 = arith.addi %scan3A_321, %scan3A_322 : i32
    %scan3A_324 = arith.constant 1 : i32
    scf.for %scan3A_660 = %scan3A_321 to %scan3A_323 step %scan3A_324  : i32 {
      %broadcast_in_dim3A = arith.constant 0.000000e+00 : f32
      %broadcast_in_dim3A_661 = vector.broadcast %broadcast_in_dim3A : f32 to vector<16xf32>
      %scan3A_662 = arith.constant 0 : i32
      %scan3A_663 = arith.constant 16 : i32
      %scan3A_664 = arith.addi %scan3A_662, %scan3A_663 : i32
      %scan3A_665 = arith.constant 1 : i32
      %scan3A_666 = scf.for %scan3A_673 = %scan3A_662 to %scan3A_664 step %scan3A_665 iter_args(%scan3A_674 = %broadcast_in_dim3A_661) -> (vector<16xf32>)  : i32 {
        %mul3A_675 = arith.constant 16 : i32
        %mul3A_676 = arith.muli %scan3A_660, %mul3A_675 : i32
        %add3A_677 = arith.addi %mul3A_676, %scan3A_673 : i32
        %get3A = arith.constant 0 : i32
        %get3A_678 = arith.constant 0 : i32
        %get3A_679 = tpu.memref_slice %arg9[%scan3A_319, %get3A, %get3A_678] : memref<4x64x128xf32, #tpu.memory_space<vmem>> -> memref<1x64x128xf32, #tpu.memory_space<vmem>>
        %get3A_680 = tpu.memref_squeeze %get3A_679 : memref<1x64x128xf32, #tpu.memory_space<vmem>> -> memref<64x128xf32, #tpu.memory_space<vmem>>
        %get3A_681 = arith.index_cast %add3A_677 : i32 to index
        %get3A_682 = arith.constant 0 : index
        %get3A_683 = tpu.vector_load %get3A_680[%get3A_681, %get3A_682] {strides = array<i32>} : memref<64x128xf32, #tpu.memory_space<vmem>>, vector<16xf32>,
        %get3A_684 = arith.constant 0 : i32
        %get3A_685 = arith.constant 0 : i32
        %get3A_686 = tpu.memref_slice %arg10[%scan3A_320, %get3A_684, %get3A_685] : memref<4x64x128xf32, #tpu.memory_space<vmem>> -> memref<1x64x128xf32, #tpu.memory_space<vmem>>
        %get3A_687 = tpu.memref_squeeze %get3A_686 : memref<1x64x128xf32, #tpu.memory_space<vmem>> -> memref<64x128xf32, #tpu.memory_space<vmem>>
        %get3A_688 = arith.index_cast %add3A_677 : i32 to index
        %get3A_689 = arith.constant 0 : index
        %get3A_690 = tpu.vector_load %get3A_687[%get3A_688, %get3A_689] {strides = array<i32>} : memref<64x128xf32, #tpu.memory_space<vmem>>, vector<16xf32>,
        %mul3A_691 = arith.mulf %get3A_683, %get3A_690 : vector<16xf32>
        %get3A_692 = arith.constant 0 : i32
        %get3A_693 = arith.constant 0 : i32
        %get3A_694 = tpu.memref_slice %arg9[%scan3A_319, %get3A_692, %get3A_693] : memref<4x64x128xf32, #tpu.memory_space<vmem>> -> memref<1x64x128xf32, #tpu.memory_space<vmem>>
        %get3A_695 = tpu.memref_squeeze %get3A_694 : memref<1x64x128xf32, #tpu.memory_space<vmem>> -> memref<64x128xf32, #tpu.memory_space<vmem>>
        %get3A_696 = arith.index_cast %add3A_677 : i32 to index
        %get3A_697 = arith.constant 16 : index
        %get3A_698 = tpu.vector_load %get3A_695[%get3A_696, %get3A_697] {strides = array<i32>} : memref<64x128xf32, #tpu.memory_space<vmem>>, vector<16xf32>,
        %get3A_699 = arith.constant 0 : i32
        %get3A_700 = arith.constant 0 : i32
        %get3A_701 = tpu.memref_slice %arg10[%scan3A_320, %get3A_699, %get3A_700] : memref<4x64x128xf32, #tpu.memory_space<vmem>> -> memref<1x64x128xf32, #tpu.memory_space<vmem>>
        %get3A_702 = tpu.memref_squeeze %get3A_701 : memref<1x64x128xf32, #tpu.memory_space<vmem>> -> memref<64x128xf32, #tpu.memory_space<vmem>>
        %get3A_703 = arith.index_cast %add3A_677 : i32 to index
        %get3A_704 = arith.constant 16 : index
        %get3A_705 = tpu.vector_load %get3A_702[%get3A_703, %get3A_704] {strides = array<i32>} : memref<64x128xf32, #tpu.memory_space<vmem>>, vector<16xf32>,
        %mul3A_706 = arith.mulf %get3A_698, %get3A_705 : vector<16xf32>
        %add3A_707 = arith.addf %mul3A_691, %mul3A_706 : vector<16xf32>
        %get3A_708 = arith.constant 0 : i32
        %get3A_709 = arith.constant 0 : i32
        %get3A_710 = tpu.memref_slice %arg9[%scan3A_319, %get3A_708, %get3A_709] : memref<4x64x128xf32, #tpu.memory_space<vmem>> -> memref<1x64x128xf32, #tpu.memory_space<vmem>>
        %get3A_711 = tpu.memref_squeeze %get3A_710 : memref<1x64x128xf32, #tpu.memory_space<vmem>> -> memref<64x128xf32, #tpu.memory_space<vmem>>
        %get3A_712 = arith.index_cast %add3A_677 : i32 to index
        %get3A_713 = arith.constant 32 : index
        %get3A_714 = tpu.vector_load %get3A_711[%get3A_712, %get3A_713] {strides = array<i32>} : memref<64x128xf32, #tpu.memory_space<vmem>>, vector<16xf32>,
        %get3A_715 = arith.constant 0 : i32
        %get3A_716 = arith.constant 0 : i32
        %get3A_717 = tpu.memref_slice %arg10[%scan3A_320, %get3A_715, %get3A_716] : memref<4x64x128xf32, #tpu.memory_space<vmem>> -> memref<1x64x128xf32, #tpu.memory_space<vmem>>
        %get3A_718 = tpu.memref_squeeze %get3A_717 : memref<1x64x128xf32, #tpu.memory_space<vmem>> -> memref<64x128xf32, #tpu.memory_space<vmem>>
        %get3A_719 = arith.index_cast %add3A_677 : i32 to index
        %get3A_720 = arith.constant 32 : index
        %get3A_721 = tpu.vector_load %get3A_718[%get3A_719, %get3A_720] {strides = array<i32>} : memref<64x128xf32, #tpu.memory_space<vmem>>, vector<16xf32>,
        %mul3A_722 = arith.mulf %get3A_714, %get3A_721 : vector<16xf32>
        %add3A_723 = arith.addf %add3A_707, %mul3A_722 : vector<16xf32>
        %get3A_724 = arith.constant 0 : i32
        %get3A_725 = arith.constant 0 : i32
        %get3A_726 = tpu.memref_slice %arg9[%scan3A_319, %get3A_724, %get3A_725] : memref<4x64x128xf32, #tpu.memory_space<vmem>> -> memref<1x64x128xf32, #tpu.memory_space<vmem>>
        %get3A_727 = tpu.memref_squeeze %get3A_726 : memref<1x64x128xf32, #tpu.memory_space<vmem>> -> memref<64x128xf32, #tpu.memory_space<vmem>>
        %get3A_728 = arith.index_cast %add3A_677 : i32 to index
        %get3A_729 = arith.constant 48 : index
        %get3A_730 = tpu.vector_load %get3A_727[%get3A_728, %get3A_729] {strides = array<i32>} : memref<64x128xf32, #tpu.memory_space<vmem>>, vector<16xf32>,
        %get3A_731 = arith.constant 0 : i32
        %get3A_732 = arith.constant 0 : i32
        %get3A_733 = tpu.memref_slice %arg10[%scan3A_320, %get3A_731, %get3A_732] : memref<4x64x128xf32, #tpu.memory_space<vmem>> -> memref<1x64x128xf32, #tpu.memory_space<vmem>>
        %get3A_734 = tpu.memref_squeeze %get3A_733 : memref<1x64x128xf32, #tpu.memory_space<vmem>> -> memref<64x128xf32, #tpu.memory_space<vmem>>
        %get3A_735 = arith.index_cast %add3A_677 : i32 to index
        %get3A_736 = arith.constant 48 : index
        %get3A_737 = tpu.vector_load %get3A_734[%get3A_735, %get3A_736] {strides = array<i32>} : memref<64x128xf32, #tpu.memory_space<vmem>>, vector<16xf32>,
        %mul3A_738 = arith.mulf %get3A_730, %get3A_737 : vector<16xf32>
        %add3A_739 = arith.addf %add3A_723, %mul3A_738 : vector<16xf32>
        %get3A_740 = arith.constant 0 : i32
        %get3A_741 = arith.constant 0 : i32
        %get3A_742 = tpu.memref_slice %arg9[%scan3A_319, %get3A_740, %get3A_741] : memref<4x64x128xf32, #tpu.memory_space<vmem>> -> memref<1x64x128xf32, #tpu.memory_space<vmem>>
        %get3A_743 = tpu.memref_squeeze %get3A_742 : memref<1x64x128xf32, #tpu.memory_space<vmem>> -> memref<64x128xf32, #tpu.memory_space<vmem>>
        %get3A_744 = arith.index_cast %add3A_677 : i32 to index
        %get3A_745 = arith.constant 64 : index
        %get3A_746 = tpu.vector_load %get3A_743[%get3A_744, %get3A_745] {strides = array<i32>} : memref<64x128xf32, #tpu.memory_space<vmem>>, vector<16xf32>,
        %get3A_747 = arith.constant 0 : i32
        %get3A_748 = arith.constant 0 : i32
        %get3A_749 = tpu.memref_slice %arg10[%scan3A_320, %get3A_747, %get3A_748] : memref<4x64x128xf32, #tpu.memory_space<vmem>> -> memref<1x64x128xf32, #tpu.memory_space<vmem>>
        %get3A_750 = tpu.memref_squeeze %get3A_749 : memref<1x64x128xf32, #tpu.memory_space<vmem>> -> memref<64x128xf32, #tpu.memory_space<vmem>>
        %get3A_751 = arith.index_cast %add3A_677 : i32 to index
        %get3A_752 = arith.constant 64 : index
        %get3A_753 = tpu.vector_load %get3A_750[%get3A_751, %get3A_752] {strides = array<i32>} : memref<64x128xf32, #tpu.memory_space<vmem>>, vector<16xf32>,
        %mul3A_754 = arith.mulf %get3A_746, %get3A_753 : vector<16xf32>
        %add3A_755 = arith.addf %add3A_739, %mul3A_754 : vector<16xf32>
        %get3A_756 = arith.constant 0 : i32
        %get3A_757 = arith.constant 0 : i32
        %get3A_758 = tpu.memref_slice %arg9[%scan3A_319, %get3A_756, %get3A_757] : memref<4x64x128xf32, #tpu.memory_space<vmem>> -> memref<1x64x128xf32, #tpu.memory_space<vmem>>
        %get3A_759 = tpu.memref_squeeze %get3A_758 : memref<1x64x128xf32, #tpu.memory_space<vmem>> -> memref<64x128xf32, #tpu.memory_space<vmem>>
        %get3A_760 = arith.index_cast %add3A_677 : i32 to index
        %get3A_761 = arith.constant 80 : index
        %get3A_762 = tpu.vector_load %get3A_759[%get3A_760, %get3A_761] {strides = array<i32>} : memref<64x128xf32, #tpu.memory_space<vmem>>, vector<16xf32>,
        %get3A_763 = arith.constant 0 : i32
        %get3A_764 = arith.constant 0 : i32
        %get3A_765 = tpu.memref_slice %arg10[%scan3A_320, %get3A_763, %get3A_764] : memref<4x64x128xf32, #tpu.memory_space<vmem>> -> memref<1x64x128xf32, #tpu.memory_space<vmem>>
        %get3A_766 = tpu.memref_squeeze %get3A_765 : memref<1x64x128xf32, #tpu.memory_space<vmem>> -> memref<64x128xf32, #tpu.memory_space<vmem>>
        %get3A_767 = arith.index_cast %add3A_677 : i32 to index
        %get3A_768 = arith.constant 80 : index
        %get3A_769 = tpu.vector_load %get3A_766[%get3A_767, %get3A_768] {strides = array<i32>} : memref<64x128xf32, #tpu.memory_space<vmem>>, vector<16xf32>,
        %mul3A_770 = arith.mulf %get3A_762, %get3A_769 : vector<16xf32>
        %add3A_771 = arith.addf %add3A_755, %mul3A_770 : vector<16xf32>
        %get3A_772 = arith.constant 0 : i32
        %get3A_773 = arith.constant 0 : i32
        %get3A_774 = tpu.memref_slice %arg9[%scan3A_319, %get3A_772, %get3A_773] : memref<4x64x128xf32, #tpu.memory_space<vmem>> -> memref<1x64x128xf32, #tpu.memory_space<vmem>>
        %get3A_775 = tpu.memref_squeeze %get3A_774 : memref<1x64x128xf32, #tpu.memory_space<vmem>> -> memref<64x128xf32, #tpu.memory_space<vmem>>
        %get3A_776 = arith.index_cast %add3A_677 : i32 to index
        %get3A_777 = arith.constant 96 : index
        %get3A_778 = tpu.vector_load %get3A_775[%get3A_776, %get3A_777] {strides = array<i32>} : memref<64x128xf32, #tpu.memory_space<vmem>>, vector<16xf32>,
        %get3A_779 = arith.constant 0 : i32
        %get3A_780 = arith.constant 0 : i32
        %get3A_781 = tpu.memref_slice %arg10[%scan3A_320, %get3A_779, %get3A_780] : memref<4x64x128xf32, #tpu.memory_space<vmem>> -> memref<1x64x128xf32, #tpu.memory_space<vmem>>
        %get3A_782 = tpu.memref_squeeze %get3A_781 : memref<1x64x128xf32, #tpu.memory_space<vmem>> -> memref<64x128xf32, #tpu.memory_space<vmem>>
        %get3A_783 = arith.index_cast %add3A_677 : i32 to index
        %get3A_784 = arith.constant 96 : index
        %get3A_785 = tpu.vector_load %get3A_782[%get3A_783, %get3A_784] {strides = array<i32>} : memref<64x128xf32, #tpu.memory_space<vmem>>, vector<16xf32>,
        %mul3A_786 = arith.mulf %get3A_778, %get3A_785 : vector<16xf32>
        %add3A_787 = arith.addf %add3A_771, %mul3A_786 : vector<16xf32>
        %get3A_788 = arith.constant 0 : i32
        %get3A_789 = arith.constant 0 : i32
        %get3A_790 = tpu.memref_slice %arg9[%scan3A_319, %get3A_788, %get3A_789] : memref<4x64x128xf32, #tpu.memory_space<vmem>> -> memref<1x64x128xf32, #tpu.memory_space<vmem>>
        %get3A_791 = tpu.memref_squeeze %get3A_790 : memref<1x64x128xf32, #tpu.memory_space<vmem>> -> memref<64x128xf32, #tpu.memory_space<vmem>>
        %get3A_792 = arith.index_cast %add3A_677 : i32 to index
        %get3A_793 = arith.constant 112 : index
        %get3A_794 = tpu.vector_load %get3A_791[%get3A_792, %get3A_793] {strides = array<i32>} : memref<64x128xf32, #tpu.memory_space<vmem>>, vector<16xf32>,
        %get3A_795 = arith.constant 0 : i32
        %get3A_796 = arith.constant 0 : i32
        %get3A_797 = tpu.memref_slice %arg10[%scan3A_320, %get3A_795, %get3A_796] : memref<4x64x128xf32, #tpu.memory_space<vmem>> -> memref<1x64x128xf32, #tpu.memory_space<vmem>>
        %get3A_798 = tpu.memref_squeeze %get3A_797 : memref<1x64x128xf32, #tpu.memory_space<vmem>> -> memref<64x128xf32, #tpu.memory_space<vmem>>
        %get3A_799 = arith.index_cast %add3A_677 : i32 to index
        %get3A_800 = arith.constant 112 : index
        %get3A_801 = tpu.vector_load %get3A_798[%get3A_799, %get3A_800] {strides = array<i32>} : memref<64x128xf32, #tpu.memory_space<vmem>>, vector<16xf32>,
        %mul3A_802 = arith.mulf %get3A_794, %get3A_801 : vector<16xf32>
        %add3A_803 = arith.addf %add3A_787, %mul3A_802 : vector<16xf32>
        %eq3A = vector.broadcast %scan3A_673 : i32 to vector<16xi32>
        %eq3A_804 = arith.cmpi eq, %iota3A, %eq3A : vector<16xi32>
        %reduce_sum3A = arith.constant true
        %reduce_sum3A_805 = vector.broadcast %reduce_sum3A : i1 to vector<16xi1>
        %reduce_sum3A_806 = tpu.scan <sum>, %add3A_803 masked %reduce_sum3A_805 : vector<16xf32>, vector<16xi1> -> vector<16xf32>
        %reduce_sum3A_807 = vector.extract %reduce_sum3A_806[15] : f32 from vector<16xf32>
        %broadcast_in_dim3A_808 = vector.broadcast %reduce_sum3A_807 : f32 to vector<16xf32>
        %select_n3A = arith.select %eq3A_804, %broadcast_in_dim3A_808, %scan3A_674 : vector<16xi1>, vector<16xf32>
        scf.yield %select_n3A : vector<16xf32>
      }
      %scan3A_667 = arith.constant 16 : i32
      %mul3A_668 = arith.constant 16 : i32
      %mul3A_669 = arith.muli %scan3A_660, %mul3A_668 : i32
      %add3A_670 = arith.constant 128 : i32
      %add3A_671 = arith.addi %add3A_670, %mul3A_669 : i32
      %swap3A = arith.index_cast %add3A_671 : i32 to index
      %swap3A_672 = tpu.vector_load %arg11[%swap3A] {strides = array<i32>} : memref<512xf32, #tpu.memory_space<vmem>>, vector<16xf32>,
      tpu.vector_store %arg11[%swap3A], %scan3A_666 {strides = array<i32>} : memref<512xf32, #tpu.memory_space<vmem>>, vector<16xf32>,
    }
    %scan3A_325 = arith.constant 4 : i32
    %dma_start3A_326 = arith.constant 2 : i32
    %dma_start3A_327 = arith.constant 2 : i32
    %dma_start3A_328 = arith.constant 0 : i32
    %dma_start3A_329 = arith.constant 0 : i32
    %dma_start3A_330 = tpu.memref_slice %arg9[%dma_start3A_326, %dma_start3A_328, %dma_start3A_329] : memref<4x64x128xf32, #tpu.memory_space<vmem>> -> memref<1x64x128xf32, #tpu.memory_space<vmem>>
    %dma_start3A_331 = tpu.memref_squeeze %dma_start3A_330 : memref<1x64x128xf32, #tpu.memory_space<vmem>> -> memref<64x128xf32, #tpu.memory_space<vmem>>
    %dma_start3A_332 = arith.constant 384 : i32
    %dma_start3A_333 = tpu.memref_slice %arg7[%dma_start3A_332] : memref<512xi32, #tpu.memory_space<vmem>> -> memref<64xi32, #tpu.memory_space<vmem>>
    %dma_start3A_334 = arith.constant 0 : i32
    %dma_start3A_335 = arith.constant 0 : i32
    %dma_start3A_336 = tpu.memref_slice %arg4[%dma_start3A_334, %dma_start3A_335] : memref<1000000x128xf32, #tpu.memory_space<hbm>> -> memref<1000000x128xf32, #tpu.memory_space<hbm>>
    %dma_start3A_337 = tpu.memref_slice %arg12[%dma_start3A_327] : memref<4x!tpu.dma_semaphore, #tpu.memory_space<semaphore_mem>> -> memref<1x!tpu.dma_semaphore, #tpu.memory_space<semaphore_mem>>
    %dma_start3A_338 = tpu.memref_squeeze %dma_start3A_337 : memref<1x!tpu.dma_semaphore, #tpu.memory_space<semaphore_mem>> -> memref<!tpu.dma_semaphore, #tpu.memory_space<semaphore_mem>>
    tpu.enqueue_indirect_dma source(%dma_start3A_336 : memref<1000000x128xf32, #tpu.memory_space<hbm>>) target(%dma_start3A_331 : memref<64x128xf32, #tpu.memory_space<vmem>>) offsets(%dma_start3A_333 : memref<64xi32, #tpu.memory_space<vmem>>) semaphore(%dma_start3A_338 : memref<!tpu.dma_semaphore, #tpu.memory_space<semaphore_mem>>)
    %dma_start3A_339 = arith.constant 2 : i32
    %dma_start3A_340 = arith.constant 2 : i32
    %dma_start3A_341 = arith.constant 0 : i32
    %dma_start3A_342 = arith.constant 0 : i32
    %dma_start3A_343 = tpu.memref_slice %arg10[%dma_start3A_339, %dma_start3A_341, %dma_start3A_342] : memref<4x64x128xf32, #tpu.memory_space<vmem>> -> memref<1x64x128xf32, #tpu.memory_space<vmem>>
    %dma_start3A_344 = tpu.memref_squeeze %dma_start3A_343 : memref<1x64x128xf32, #tpu.memory_space<vmem>> -> memref<64x128xf32, #tpu.memory_space<vmem>>
    %dma_start3A_345 = arith.constant 384 : i32
    %dma_start3A_346 = tpu.memref_slice %arg8[%dma_start3A_345] : memref<512xi32, #tpu.memory_space<vmem>> -> memref<64xi32, #tpu.memory_space<vmem>>
    %dma_start3A_347 = arith.constant 0 : i32
    %dma_start3A_348 = arith.constant 0 : i32
    %dma_start3A_349 = tpu.memref_slice %arg5[%dma_start3A_347, %dma_start3A_348] : memref<1000000x128xf32, #tpu.memory_space<hbm>> -> memref<1000000x128xf32, #tpu.memory_space<hbm>>
    %dma_start3A_350 = tpu.memref_slice %arg13[%dma_start3A_340] : memref<4x!tpu.dma_semaphore, #tpu.memory_space<semaphore_mem>> -> memref<1x!tpu.dma_semaphore, #tpu.memory_space<semaphore_mem>>
    %dma_start3A_351 = tpu.memref_squeeze %dma_start3A_350 : memref<1x!tpu.dma_semaphore, #tpu.memory_space<semaphore_mem>> -> memref<!tpu.dma_semaphore, #tpu.memory_space<semaphore_mem>>
    tpu.enqueue_indirect_dma source(%dma_start3A_349 : memref<1000000x128xf32, #tpu.memory_space<hbm>>) target(%dma_start3A_344 : memref<64x128xf32, #tpu.memory_space<vmem>>) offsets(%dma_start3A_346 : memref<64xi32, #tpu.memory_space<vmem>>) semaphore(%dma_start3A_351 : memref<!tpu.dma_semaphore, #tpu.memory_space<semaphore_mem>>)
    %add3A_352 = arith.constant 128 : i32
    %add3A_353 = arith.addi %mul3A_2, %add3A_352 : i32
    %dma_start3A_354 = arith.constant 128 : i32
    %dma_start3A_355 = tpu.memref_slice %arg11[%dma_start3A_354] : memref<512xf32, #tpu.memory_space<vmem>> -> memref<64xf32, #tpu.memory_space<vmem>>
    %dma_start3A_356 = tpu.memref_slice %arg6[%add3A_353] : memref<16384xf32, #tpu.memory_space<hbm>> -> memref<64xf32, #tpu.memory_space<hbm>>
    %dma_start3A_357 = tpu.memref_slice %arg6[%add3A_353] : memref<16384xf32, #tpu.memory_space<hbm>> -> memref<64xf32, #tpu.memory_space<hbm>>
    %dma_start3A_358 = arith.constant 128 : i32
    %dma_start3A_359 = tpu.memref_slice %arg11[%dma_start3A_358] : memref<512xf32, #tpu.memory_space<vmem>> -> memref<64xf32, #tpu.memory_space<vmem>>
    tpu.enqueue_dma source(%dma_start3A_359 : memref<64xf32, #tpu.memory_space<vmem>>) target(%dma_start3A_357 : memref<64xf32, #tpu.memory_space<hbm>>) target_semaphore(%arg15 : memref<!tpu.dma_semaphore, #tpu.memory_space<semaphore_mem>>)
    %dma_wait3A_360 = arith.constant 3 : i32
    %dma_wait3A_361 = arith.constant 3 : i32
    %dma_wait3A_362 = arith.constant 0 : i32
    %dma_wait3A_363 = arith.constant 0 : i32
    %dma_wait3A_364 = tpu.memref_slice %arg9[%dma_wait3A_360, %dma_wait3A_362, %dma_wait3A_363] : memref<4x64x128xf32, #tpu.memory_space<vmem>> -> memref<1x64x128xf32, #tpu.memory_space<vmem>>
    %dma_wait3A_365 = tpu.memref_squeeze %dma_wait3A_364 : memref<1x64x128xf32, #tpu.memory_space<vmem>> -> memref<64x128xf32, #tpu.memory_space<vmem>>
    %dma_wait3A_366 = arith.constant 192 : i32
    %dma_wait3A_367 = tpu.memref_slice %arg7[%dma_wait3A_366] : memref<512xi32, #tpu.memory_space<vmem>> -> memref<64xi32, #tpu.memory_space<vmem>>
    %dma_wait3A_368 = arith.constant 0 : i32
    %dma_wait3A_369 = arith.constant 0 : i32
    %dma_wait3A_370 = tpu.memref_slice %arg4[%dma_wait3A_368, %dma_wait3A_369] : memref<1000000x128xf32, #tpu.memory_space<hbm>> -> memref<1000000x128xf32, #tpu.memory_space<hbm>>
    %dma_wait3A_371 = tpu.memref_slice %arg12[%dma_wait3A_361] : memref<4x!tpu.dma_semaphore, #tpu.memory_space<semaphore_mem>> -> memref<1x!tpu.dma_semaphore, #tpu.memory_space<semaphore_mem>>
    %dma_wait3A_372 = tpu.memref_squeeze %dma_wait3A_371 : memref<1x!tpu.dma_semaphore, #tpu.memory_space<semaphore_mem>> -> memref<!tpu.dma_semaphore, #tpu.memory_space<semaphore_mem>>
    tpu.wait_indirect_dma semaphore(%dma_wait3A_372 : memref<!tpu.dma_semaphore, #tpu.memory_space<semaphore_mem>>) src(%dma_wait3A_370 : memref<1000000x128xf32, #tpu.memory_space<hbm>>) dst(%dma_wait3A_365 : memref<64x128xf32, #tpu.memory_space<vmem>>)
    %dma_wait3A_373 = arith.constant 3 : i32
    %dma_wait3A_374 = arith.constant 3 : i32
    %dma_wait3A_375 = arith.constant 0 : i32
    %dma_wait3A_376 = arith.constant 0 : i32
    %dma_wait3A_377 = tpu.memref_slice %arg10[%dma_wait3A_373, %dma_wait3A_375, %dma_wait3A_376] : memref<4x64x128xf32, #tpu.memory_space<vmem>> -> memref<1x64x128xf32, #tpu.memory_space<vmem>>
    %dma_wait3A_378 = tpu.memref_squeeze %dma_wait3A_377 : memref<1x64x128xf32, #tpu.memory_space<vmem>> -> memref<64x128xf32, #tpu.memory_space<vmem>>
    %dma_wait3A_379 = arith.constant 192 : i32
    %dma_wait3A_380 = tpu.memref_slice %arg8[%dma_wait3A_379] : memref<512xi32, #tpu.memory_space<vmem>> -> memref<64xi32, #tpu.memory_space<vmem>>
    %dma_wait3A_381 = arith.constant 0 : i32
    %dma_wait3A_382 = arith.constant 0 : i32
    %dma_wait3A_383 = tpu.memref_slice %arg5[%dma_wait3A_381, %dma_wait3A_382] : memref<1000000x128xf32, #tpu.memory_space<hbm>> -> memref<1000000x128xf32, #tpu.memory_space<hbm>>
    %dma_wait3A_384 = tpu.memref_slice %arg13[%dma_wait3A_374] : memref<4x!tpu.dma_semaphore, #tpu.memory_space<semaphore_mem>> -> memref<1x!tpu.dma_semaphore, #tpu.memory_space<semaphore_mem>>
    %dma_wait3A_385 = tpu.memref_squeeze %dma_wait3A_384 : memref<1x!tpu.dma_semaphore, #tpu.memory_space<semaphore_mem>> -> memref<!tpu.dma_semaphore, #tpu.memory_space<semaphore_mem>>
    tpu.wait_indirect_dma semaphore(%dma_wait3A_385 : memref<!tpu.dma_semaphore, #tpu.memory_space<semaphore_mem>>) src(%dma_wait3A_383 : memref<1000000x128xf32, #tpu.memory_space<hbm>>) dst(%dma_wait3A_378 : memref<64x128xf32, #tpu.memory_space<vmem>>)
    %scan3A_386 = arith.constant 0 : i32
    %scan3A_387 = arith.constant 3 : i32
    %scan3A_388 = arith.constant 3 : i32
    %scan3A_389 = arith.constant 0 : i32
    %scan3A_390 = arith.constant 4 : i32
    %scan3A_391 = arith.addi %scan3A_389, %scan3A_390 : i32
    %scan3A_392 = arith.constant 1 : i32
    scf.for %scan3A_660 = %scan3A_389 to %scan3A_391 step %scan3A_392  : i32 {
      %broadcast_in_dim3A = arith.constant 0.000000e+00 : f32
      %broadcast_in_dim3A_661 = vector.broadcast %broadcast_in_dim3A : f32 to vector<16xf32>
      %scan3A_662 = arith.constant 0 : i32
      %scan3A_663 = arith.constant 16 : i32
      %scan3A_664 = arith.addi %scan3A_662, %scan3A_663 : i32
      %scan3A_665 = arith.constant 1 : i32
      %scan3A_666 = scf.for %scan3A_673 = %scan3A_662 to %scan3A_664 step %scan3A_665 iter_args(%scan3A_674 = %broadcast_in_dim3A_661) -> (vector<16xf32>)  : i32 {
        %mul3A_675 = arith.constant 16 : i32
        %mul3A_676 = arith.muli %scan3A_660, %mul3A_675 : i32
        %add3A_677 = arith.addi %mul3A_676, %scan3A_673 : i32
        %get3A = arith.constant 0 : i32
        %get3A_678 = arith.constant 0 : i32
        %get3A_679 = tpu.memref_slice %arg9[%scan3A_387, %get3A, %get3A_678] : memref<4x64x128xf32, #tpu.memory_space<vmem>> -> memref<1x64x128xf32, #tpu.memory_space<vmem>>
        %get3A_680 = tpu.memref_squeeze %get3A_679 : memref<1x64x128xf32, #tpu.memory_space<vmem>> -> memref<64x128xf32, #tpu.memory_space<vmem>>
        %get3A_681 = arith.index_cast %add3A_677 : i32 to index
        %get3A_682 = arith.constant 0 : index
        %get3A_683 = tpu.vector_load %get3A_680[%get3A_681, %get3A_682] {strides = array<i32>} : memref<64x128xf32, #tpu.memory_space<vmem>>, vector<16xf32>,
        %get3A_684 = arith.constant 0 : i32
        %get3A_685 = arith.constant 0 : i32
        %get3A_686 = tpu.memref_slice %arg10[%scan3A_388, %get3A_684, %get3A_685] : memref<4x64x128xf32, #tpu.memory_space<vmem>> -> memref<1x64x128xf32, #tpu.memory_space<vmem>>
        %get3A_687 = tpu.memref_squeeze %get3A_686 : memref<1x64x128xf32, #tpu.memory_space<vmem>> -> memref<64x128xf32, #tpu.memory_space<vmem>>
        %get3A_688 = arith.index_cast %add3A_677 : i32 to index
        %get3A_689 = arith.constant 0 : index
        %get3A_690 = tpu.vector_load %get3A_687[%get3A_688, %get3A_689] {strides = array<i32>} : memref<64x128xf32, #tpu.memory_space<vmem>>, vector<16xf32>,
        %mul3A_691 = arith.mulf %get3A_683, %get3A_690 : vector<16xf32>
        %get3A_692 = arith.constant 0 : i32
        %get3A_693 = arith.constant 0 : i32
        %get3A_694 = tpu.memref_slice %arg9[%scan3A_387, %get3A_692, %get3A_693] : memref<4x64x128xf32, #tpu.memory_space<vmem>> -> memref<1x64x128xf32, #tpu.memory_space<vmem>>
        %get3A_695 = tpu.memref_squeeze %get3A_694 : memref<1x64x128xf32, #tpu.memory_space<vmem>> -> memref<64x128xf32, #tpu.memory_space<vmem>>
        %get3A_696 = arith.index_cast %add3A_677 : i32 to index
        %get3A_697 = arith.constant 16 : index
        %get3A_698 = tpu.vector_load %get3A_695[%get3A_696, %get3A_697] {strides = array<i32>} : memref<64x128xf32, #tpu.memory_space<vmem>>, vector<16xf32>,
        %get3A_699 = arith.constant 0 : i32
        %get3A_700 = arith.constant 0 : i32
        %get3A_701 = tpu.memref_slice %arg10[%scan3A_388, %get3A_699, %get3A_700] : memref<4x64x128xf32, #tpu.memory_space<vmem>> -> memref<1x64x128xf32, #tpu.memory_space<vmem>>
        %get3A_702 = tpu.memref_squeeze %get3A_701 : memref<1x64x128xf32, #tpu.memory_space<vmem>> -> memref<64x128xf32, #tpu.memory_space<vmem>>
        %get3A_703 = arith.index_cast %add3A_677 : i32 to index
        %get3A_704 = arith.constant 16 : index
        %get3A_705 = tpu.vector_load %get3A_702[%get3A_703, %get3A_704] {strides = array<i32>} : memref<64x128xf32, #tpu.memory_space<vmem>>, vector<16xf32>,
        %mul3A_706 = arith.mulf %get3A_698, %get3A_705 : vector<16xf32>
        %add3A_707 = arith.addf %mul3A_691, %mul3A_706 : vector<16xf32>
        %get3A_708 = arith.constant 0 : i32
        %get3A_709 = arith.constant 0 : i32
        %get3A_710 = tpu.memref_slice %arg9[%scan3A_387, %get3A_708, %get3A_709] : memref<4x64x128xf32, #tpu.memory_space<vmem>> -> memref<1x64x128xf32, #tpu.memory_space<vmem>>
        %get3A_711 = tpu.memref_squeeze %get3A_710 : memref<1x64x128xf32, #tpu.memory_space<vmem>> -> memref<64x128xf32, #tpu.memory_space<vmem>>
        %get3A_712 = arith.index_cast %add3A_677 : i32 to index
        %get3A_713 = arith.constant 32 : index
        %get3A_714 = tpu.vector_load %get3A_711[%get3A_712, %get3A_713] {strides = array<i32>} : memref<64x128xf32, #tpu.memory_space<vmem>>, vector<16xf32>,
        %get3A_715 = arith.constant 0 : i32
        %get3A_716 = arith.constant 0 : i32
        %get3A_717 = tpu.memref_slice %arg10[%scan3A_388, %get3A_715, %get3A_716] : memref<4x64x128xf32, #tpu.memory_space<vmem>> -> memref<1x64x128xf32, #tpu.memory_space<vmem>>
        %get3A_718 = tpu.memref_squeeze %get3A_717 : memref<1x64x128xf32, #tpu.memory_space<vmem>> -> memref<64x128xf32, #tpu.memory_space<vmem>>
        %get3A_719 = arith.index_cast %add3A_677 : i32 to index
        %get3A_720 = arith.constant 32 : index
        %get3A_721 = tpu.vector_load %get3A_718[%get3A_719, %get3A_720] {strides = array<i32>} : memref<64x128xf32, #tpu.memory_space<vmem>>, vector<16xf32>,
        %mul3A_722 = arith.mulf %get3A_714, %get3A_721 : vector<16xf32>
        %add3A_723 = arith.addf %add3A_707, %mul3A_722 : vector<16xf32>
        %get3A_724 = arith.constant 0 : i32
        %get3A_725 = arith.constant 0 : i32
        %get3A_726 = tpu.memref_slice %arg9[%scan3A_387, %get3A_724, %get3A_725] : memref<4x64x128xf32, #tpu.memory_space<vmem>> -> memref<1x64x128xf32, #tpu.memory_space<vmem>>
        %get3A_727 = tpu.memref_squeeze %get3A_726 : memref<1x64x128xf32, #tpu.memory_space<vmem>> -> memref<64x128xf32, #tpu.memory_space<vmem>>
        %get3A_728 = arith.index_cast %add3A_677 : i32 to index
        %get3A_729 = arith.constant 48 : index
        %get3A_730 = tpu.vector_load %get3A_727[%get3A_728, %get3A_729] {strides = array<i32>} : memref<64x128xf32, #tpu.memory_space<vmem>>, vector<16xf32>,
        %get3A_731 = arith.constant 0 : i32
        %get3A_732 = arith.constant 0 : i32
        %get3A_733 = tpu.memref_slice %arg10[%scan3A_388, %get3A_731, %get3A_732] : memref<4x64x128xf32, #tpu.memory_space<vmem>> -> memref<1x64x128xf32, #tpu.memory_space<vmem>>
        %get3A_734 = tpu.memref_squeeze %get3A_733 : memref<1x64x128xf32, #tpu.memory_space<vmem>> -> memref<64x128xf32, #tpu.memory_space<vmem>>
        %get3A_735 = arith.index_cast %add3A_677 : i32 to index
        %get3A_736 = arith.constant 48 : index
        %get3A_737 = tpu.vector_load %get3A_734[%get3A_735, %get3A_736] {strides = array<i32>} : memref<64x128xf32, #tpu.memory_space<vmem>>, vector<16xf32>,
        %mul3A_738 = arith.mulf %get3A_730, %get3A_737 : vector<16xf32>
        %add3A_739 = arith.addf %add3A_723, %mul3A_738 : vector<16xf32>
        %get3A_740 = arith.constant 0 : i32
        %get3A_741 = arith.constant 0 : i32
        %get3A_742 = tpu.memref_slice %arg9[%scan3A_387, %get3A_740, %get3A_741] : memref<4x64x128xf32, #tpu.memory_space<vmem>> -> memref<1x64x128xf32, #tpu.memory_space<vmem>>
        %get3A_743 = tpu.memref_squeeze %get3A_742 : memref<1x64x128xf32, #tpu.memory_space<vmem>> -> memref<64x128xf32, #tpu.memory_space<vmem>>
        %get3A_744 = arith.index_cast %add3A_677 : i32 to index
        %get3A_745 = arith.constant 64 : index
        %get3A_746 = tpu.vector_load %get3A_743[%get3A_744, %get3A_745] {strides = array<i32>} : memref<64x128xf32, #tpu.memory_space<vmem>>, vector<16xf32>,
        %get3A_747 = arith.constant 0 : i32
        %get3A_748 = arith.constant 0 : i32
        %get3A_749 = tpu.memref_slice %arg10[%scan3A_388, %get3A_747, %get3A_748] : memref<4x64x128xf32, #tpu.memory_space<vmem>> -> memref<1x64x128xf32, #tpu.memory_space<vmem>>
        %get3A_750 = tpu.memref_squeeze %get3A_749 : memref<1x64x128xf32, #tpu.memory_space<vmem>> -> memref<64x128xf32, #tpu.memory_space<vmem>>
        %get3A_751 = arith.index_cast %add3A_677 : i32 to index
        %get3A_752 = arith.constant 64 : index
        %get3A_753 = tpu.vector_load %get3A_750[%get3A_751, %get3A_752] {strides = array<i32>} : memref<64x128xf32, #tpu.memory_space<vmem>>, vector<16xf32>,
        %mul3A_754 = arith.mulf %get3A_746, %get3A_753 : vector<16xf32>
        %add3A_755 = arith.addf %add3A_739, %mul3A_754 : vector<16xf32>
        %get3A_756 = arith.constant 0 : i32
        %get3A_757 = arith.constant 0 : i32
        %get3A_758 = tpu.memref_slice %arg9[%scan3A_387, %get3A_756, %get3A_757] : memref<4x64x128xf32, #tpu.memory_space<vmem>> -> memref<1x64x128xf32, #tpu.memory_space<vmem>>
        %get3A_759 = tpu.memref_squeeze %get3A_758 : memref<1x64x128xf32, #tpu.memory_space<vmem>> -> memref<64x128xf32, #tpu.memory_space<vmem>>
        %get3A_760 = arith.index_cast %add3A_677 : i32 to index
        %get3A_761 = arith.constant 80 : index
        %get3A_762 = tpu.vector_load %get3A_759[%get3A_760, %get3A_761] {strides = array<i32>} : memref<64x128xf32, #tpu.memory_space<vmem>>, vector<16xf32>,
        %get3A_763 = arith.constant 0 : i32
        %get3A_764 = arith.constant 0 : i32
        %get3A_765 = tpu.memref_slice %arg10[%scan3A_388, %get3A_763, %get3A_764] : memref<4x64x128xf32, #tpu.memory_space<vmem>> -> memref<1x64x128xf32, #tpu.memory_space<vmem>>
        %get3A_766 = tpu.memref_squeeze %get3A_765 : memref<1x64x128xf32, #tpu.memory_space<vmem>> -> memref<64x128xf32, #tpu.memory_space<vmem>>
        %get3A_767 = arith.index_cast %add3A_677 : i32 to index
        %get3A_768 = arith.constant 80 : index
        %get3A_769 = tpu.vector_load %get3A_766[%get3A_767, %get3A_768] {strides = array<i32>} : memref<64x128xf32, #tpu.memory_space<vmem>>, vector<16xf32>,
        %mul3A_770 = arith.mulf %get3A_762, %get3A_769 : vector<16xf32>
        %add3A_771 = arith.addf %add3A_755, %mul3A_770 : vector<16xf32>
        %get3A_772 = arith.constant 0 : i32
        %get3A_773 = arith.constant 0 : i32
        %get3A_774 = tpu.memref_slice %arg9[%scan3A_387, %get3A_772, %get3A_773] : memref<4x64x128xf32, #tpu.memory_space<vmem>> -> memref<1x64x128xf32, #tpu.memory_space<vmem>>
        %get3A_775 = tpu.memref_squeeze %get3A_774 : memref<1x64x128xf32, #tpu.memory_space<vmem>> -> memref<64x128xf32, #tpu.memory_space<vmem>>
        %get3A_776 = arith.index_cast %add3A_677 : i32 to index
        %get3A_777 = arith.constant 96 : index
        %get3A_778 = tpu.vector_load %get3A_775[%get3A_776, %get3A_777] {strides = array<i32>} : memref<64x128xf32, #tpu.memory_space<vmem>>, vector<16xf32>,
        %get3A_779 = arith.constant 0 : i32
        %get3A_780 = arith.constant 0 : i32
        %get3A_781 = tpu.memref_slice %arg10[%scan3A_388, %get3A_779, %get3A_780] : memref<4x64x128xf32, #tpu.memory_space<vmem>> -> memref<1x64x128xf32, #tpu.memory_space<vmem>>
        %get3A_782 = tpu.memref_squeeze %get3A_781 : memref<1x64x128xf32, #tpu.memory_space<vmem>> -> memref<64x128xf32, #tpu.memory_space<vmem>>
        %get3A_783 = arith.index_cast %add3A_677 : i32 to index
        %get3A_784 = arith.constant 96 : index
        %get3A_785 = tpu.vector_load %get3A_782[%get3A_783, %get3A_784] {strides = array<i32>} : memref<64x128xf32, #tpu.memory_space<vmem>>, vector<16xf32>,
        %mul3A_786 = arith.mulf %get3A_778, %get3A_785 : vector<16xf32>
        %add3A_787 = arith.addf %add3A_771, %mul3A_786 : vector<16xf32>
        %get3A_788 = arith.constant 0 : i32
        %get3A_789 = arith.constant 0 : i32
        %get3A_790 = tpu.memref_slice %arg9[%scan3A_387, %get3A_788, %get3A_789] : memref<4x64x128xf32, #tpu.memory_space<vmem>> -> memref<1x64x128xf32, #tpu.memory_space<vmem>>
        %get3A_791 = tpu.memref_squeeze %get3A_790 : memref<1x64x128xf32, #tpu.memory_space<vmem>> -> memref<64x128xf32, #tpu.memory_space<vmem>>
        %get3A_792 = arith.index_cast %add3A_677 : i32 to index
        %get3A_793 = arith.constant 112 : index
        %get3A_794 = tpu.vector_load %get3A_791[%get3A_792, %get3A_793] {strides = array<i32>} : memref<64x128xf32, #tpu.memory_space<vmem>>, vector<16xf32>,
        %get3A_795 = arith.constant 0 : i32
        %get3A_796 = arith.constant 0 : i32
        %get3A_797 = tpu.memref_slice %arg10[%scan3A_388, %get3A_795, %get3A_796] : memref<4x64x128xf32, #tpu.memory_space<vmem>> -> memref<1x64x128xf32, #tpu.memory_space<vmem>>
        %get3A_798 = tpu.memref_squeeze %get3A_797 : memref<1x64x128xf32, #tpu.memory_space<vmem>> -> memref<64x128xf32, #tpu.memory_space<vmem>>
        %get3A_799 = arith.index_cast %add3A_677 : i32 to index
        %get3A_800 = arith.constant 112 : index
        %get3A_801 = tpu.vector_load %get3A_798[%get3A_799, %get3A_800] {strides = array<i32>} : memref<64x128xf32, #tpu.memory_space<vmem>>, vector<16xf32>,
        %mul3A_802 = arith.mulf %get3A_794, %get3A_801 : vector<16xf32>
        %add3A_803 = arith.addf %add3A_787, %mul3A_802 : vector<16xf32>
        %eq3A = vector.broadcast %scan3A_673 : i32 to vector<16xi32>
        %eq3A_804 = arith.cmpi eq, %iota3A, %eq3A : vector<16xi32>
        %reduce_sum3A = arith.constant true
        %reduce_sum3A_805 = vector.broadcast %reduce_sum3A : i1 to vector<16xi1>
        %reduce_sum3A_806 = tpu.scan <sum>, %add3A_803 masked %reduce_sum3A_805 : vector<16xf32>, vector<16xi1> -> vector<16xf32>
        %reduce_sum3A_807 = vector.extract %reduce_sum3A_806[15] : f32 from vector<16xf32>
        %broadcast_in_dim3A_808 = vector.broadcast %reduce_sum3A_807 : f32 to vector<16xf32>
        %select_n3A = arith.select %eq3A_804, %broadcast_in_dim3A_808, %scan3A_674 : vector<16xi1>, vector<16xf32>
        scf.yield %select_n3A : vector<16xf32>
      }
      %scan3A_667 = arith.constant 16 : i32
      %mul3A_668 = arith.constant 16 : i32
      %mul3A_669 = arith.muli %scan3A_660, %mul3A_668 : i32
      %add3A_670 = arith.constant 192 : i32
      %add3A_671 = arith.addi %add3A_670, %mul3A_669 : i32
      %swap3A = arith.index_cast %add3A_671 : i32 to index
      %swap3A_672 = tpu.vector_load %arg11[%swap3A] {strides = array<i32>} : memref<512xf32, #tpu.memory_space<vmem>>, vector<16xf32>,
      tpu.vector_store %arg11[%swap3A], %scan3A_666 {strides = array<i32>} : memref<512xf32, #tpu.memory_space<vmem>>, vector<16xf32>,
    }
    %scan3A_393 = arith.constant 4 : i32
    %dma_start3A_394 = arith.constant 3 : i32
    %dma_start3A_395 = arith.constant 3 : i32
    %dma_start3A_396 = arith.constant 0 : i32
    %dma_start3A_397 = arith.constant 0 : i32
    %dma_start3A_398 = tpu.memref_slice %arg9[%dma_start3A_394, %dma_start3A_396, %dma_start3A_397] : memref<4x64x128xf32, #tpu.memory_space<vmem>> -> memref<1x64x128xf32, #tpu.memory_space<vmem>>
    %dma_start3A_399 = tpu.memref_squeeze %dma_start3A_398 : memref<1x64x128xf32, #tpu.memory_space<vmem>> -> memref<64x128xf32, #tpu.memory_space<vmem>>
    %dma_start3A_400 = arith.constant 448 : i32
    %dma_start3A_401 = tpu.memref_slice %arg7[%dma_start3A_400] : memref<512xi32, #tpu.memory_space<vmem>> -> memref<64xi32, #tpu.memory_space<vmem>>
    %dma_start3A_402 = arith.constant 0 : i32
    %dma_start3A_403 = arith.constant 0 : i32
    %dma_start3A_404 = tpu.memref_slice %arg4[%dma_start3A_402, %dma_start3A_403] : memref<1000000x128xf32, #tpu.memory_space<hbm>> -> memref<1000000x128xf32, #tpu.memory_space<hbm>>
    %dma_start3A_405 = tpu.memref_slice %arg12[%dma_start3A_395] : memref<4x!tpu.dma_semaphore, #tpu.memory_space<semaphore_mem>> -> memref<1x!tpu.dma_semaphore, #tpu.memory_space<semaphore_mem>>
    %dma_start3A_406 = tpu.memref_squeeze %dma_start3A_405 : memref<1x!tpu.dma_semaphore, #tpu.memory_space<semaphore_mem>> -> memref<!tpu.dma_semaphore, #tpu.memory_space<semaphore_mem>>
    tpu.enqueue_indirect_dma source(%dma_start3A_404 : memref<1000000x128xf32, #tpu.memory_space<hbm>>) target(%dma_start3A_399 : memref<64x128xf32, #tpu.memory_space<vmem>>) offsets(%dma_start3A_401 : memref<64xi32, #tpu.memory_space<vmem>>) semaphore(%dma_start3A_406 : memref<!tpu.dma_semaphore, #tpu.memory_space<semaphore_mem>>)
    %dma_start3A_407 = arith.constant 3 : i32
    %dma_start3A_408 = arith.constant 3 : i32
    %dma_start3A_409 = arith.constant 0 : i32
    %dma_start3A_410 = arith.constant 0 : i32
    %dma_start3A_411 = tpu.memref_slice %arg10[%dma_start3A_407, %dma_start3A_409, %dma_start3A_410] : memref<4x64x128xf32, #tpu.memory_space<vmem>> -> memref<1x64x128xf32, #tpu.memory_space<vmem>>
    %dma_start3A_412 = tpu.memref_squeeze %dma_start3A_411 : memref<1x64x128xf32, #tpu.memory_space<vmem>> -> memref<64x128xf32, #tpu.memory_space<vmem>>
    %dma_start3A_413 = arith.constant 448 : i32
    %dma_start3A_414 = tpu.memref_slice %arg8[%dma_start3A_413] : memref<512xi32, #tpu.memory_space<vmem>> -> memref<64xi32, #tpu.memory_space<vmem>>
    %dma_start3A_415 = arith.constant 0 : i32
    %dma_start3A_416 = arith.constant 0 : i32
    %dma_start3A_417 = tpu.memref_slice %arg5[%dma_start3A_415, %dma_start3A_416] : memref<1000000x128xf32, #tpu.memory_space<hbm>> -> memref<1000000x128xf32, #tpu.memory_space<hbm>>
    %dma_start3A_418 = tpu.memref_slice %arg13[%dma_start3A_408] : memref<4x!tpu.dma_semaphore, #tpu.memory_space<semaphore_mem>> -> memref<1x!tpu.dma_semaphore, #tpu.memory_space<semaphore_mem>>
    %dma_start3A_419 = tpu.memref_squeeze %dma_start3A_418 : memref<1x!tpu.dma_semaphore, #tpu.memory_space<semaphore_mem>> -> memref<!tpu.dma_semaphore, #tpu.memory_space<semaphore_mem>>
    tpu.enqueue_indirect_dma source(%dma_start3A_417 : memref<1000000x128xf32, #tpu.memory_space<hbm>>) target(%dma_start3A_412 : memref<64x128xf32, #tpu.memory_space<vmem>>) offsets(%dma_start3A_414 : memref<64xi32, #tpu.memory_space<vmem>>) semaphore(%dma_start3A_419 : memref<!tpu.dma_semaphore, #tpu.memory_space<semaphore_mem>>)
    %add3A_420 = arith.constant 192 : i32
    %add3A_421 = arith.addi %mul3A_2, %add3A_420 : i32
    %dma_start3A_422 = arith.constant 192 : i32
    %dma_start3A_423 = tpu.memref_slice %arg11[%dma_start3A_422] : memref<512xf32, #tpu.memory_space<vmem>> -> memref<64xf32, #tpu.memory_space<vmem>>
    %dma_start3A_424 = tpu.memref_slice %arg6[%add3A_421] : memref<16384xf32, #tpu.memory_space<hbm>> -> memref<64xf32, #tpu.memory_space<hbm>>
    %dma_start3A_425 = tpu.memref_slice %arg6[%add3A_421] : memref<16384xf32, #tpu.memory_space<hbm>> -> memref<64xf32, #tpu.memory_space<hbm>>
    %dma_start3A_426 = arith.constant 192 : i32
    %dma_start3A_427 = tpu.memref_slice %arg11[%dma_start3A_426] : memref<512xf32, #tpu.memory_space<vmem>> -> memref<64xf32, #tpu.memory_space<vmem>>
    tpu.enqueue_dma source(%dma_start3A_427 : memref<64xf32, #tpu.memory_space<vmem>>) target(%dma_start3A_425 : memref<64xf32, #tpu.memory_space<hbm>>) target_semaphore(%arg15 : memref<!tpu.dma_semaphore, #tpu.memory_space<semaphore_mem>>)
    %dma_wait3A_428 = arith.constant 0 : i32
    %dma_wait3A_429 = arith.constant 0 : i32
    %dma_wait3A_430 = arith.constant 0 : i32
    %dma_wait3A_431 = arith.constant 0 : i32
    %dma_wait3A_432 = tpu.memref_slice %arg9[%dma_wait3A_428, %dma_wait3A_430, %dma_wait3A_431] : memref<4x64x128xf32, #tpu.memory_space<vmem>> -> memref<1x64x128xf32, #tpu.memory_space<vmem>>
    %dma_wait3A_433 = tpu.memref_squeeze %dma_wait3A_432 : memref<1x64x128xf32, #tpu.memory_space<vmem>> -> memref<64x128xf32, #tpu.memory_space<vmem>>
    %dma_wait3A_434 = arith.constant 256 : i32
    %dma_wait3A_435 = tpu.memref_slice %arg7[%dma_wait3A_434] : memref<512xi32, #tpu.memory_space<vmem>> -> memref<64xi32, #tpu.memory_space<vmem>>
    %dma_wait3A_436 = arith.constant 0 : i32
    %dma_wait3A_437 = arith.constant 0 : i32
    %dma_wait3A_438 = tpu.memref_slice %arg4[%dma_wait3A_436, %dma_wait3A_437] : memref<1000000x128xf32, #tpu.memory_space<hbm>> -> memref<1000000x128xf32, #tpu.memory_space<hbm>>
    %dma_wait3A_439 = tpu.memref_slice %arg12[%dma_wait3A_429] : memref<4x!tpu.dma_semaphore, #tpu.memory_space<semaphore_mem>> -> memref<1x!tpu.dma_semaphore, #tpu.memory_space<semaphore_mem>>
    %dma_wait3A_440 = tpu.memref_squeeze %dma_wait3A_439 : memref<1x!tpu.dma_semaphore, #tpu.memory_space<semaphore_mem>> -> memref<!tpu.dma_semaphore, #tpu.memory_space<semaphore_mem>>
    tpu.wait_indirect_dma semaphore(%dma_wait3A_440 : memref<!tpu.dma_semaphore, #tpu.memory_space<semaphore_mem>>) src(%dma_wait3A_438 : memref<1000000x128xf32, #tpu.memory_space<hbm>>) dst(%dma_wait3A_433 : memref<64x128xf32, #tpu.memory_space<vmem>>)
    %dma_wait3A_441 = arith.constant 0 : i32
    %dma_wait3A_442 = arith.constant 0 : i32
    %dma_wait3A_443 = arith.constant 0 : i32
    %dma_wait3A_444 = arith.constant 0 : i32
    %dma_wait3A_445 = tpu.memref_slice %arg10[%dma_wait3A_441, %dma_wait3A_443, %dma_wait3A_444] : memref<4x64x128xf32, #tpu.memory_space<vmem>> -> memref<1x64x128xf32, #tpu.memory_space<vmem>>
    %dma_wait3A_446 = tpu.memref_squeeze %dma_wait3A_445 : memref<1x64x128xf32, #tpu.memory_space<vmem>> -> memref<64x128xf32, #tpu.memory_space<vmem>>
    %dma_wait3A_447 = arith.constant 256 : i32
    %dma_wait3A_448 = tpu.memref_slice %arg8[%dma_wait3A_447] : memref<512xi32, #tpu.memory_space<vmem>> -> memref<64xi32, #tpu.memory_space<vmem>>
    %dma_wait3A_449 = arith.constant 0 : i32
    %dma_wait3A_450 = arith.constant 0 : i32
    %dma_wait3A_451 = tpu.memref_slice %arg5[%dma_wait3A_449, %dma_wait3A_450] : memref<1000000x128xf32, #tpu.memory_space<hbm>> -> memref<1000000x128xf32, #tpu.memory_space<hbm>>
    %dma_wait3A_452 = tpu.memref_slice %arg13[%dma_wait3A_442] : memref<4x!tpu.dma_semaphore, #tpu.memory_space<semaphore_mem>> -> memref<1x!tpu.dma_semaphore, #tpu.memory_space<semaphore_mem>>
    %dma_wait3A_453 = tpu.memref_squeeze %dma_wait3A_452 : memref<1x!tpu.dma_semaphore, #tpu.memory_space<semaphore_mem>> -> memref<!tpu.dma_semaphore, #tpu.memory_space<semaphore_mem>>
    tpu.wait_indirect_dma semaphore(%dma_wait3A_453 : memref<!tpu.dma_semaphore, #tpu.memory_space<semaphore_mem>>) src(%dma_wait3A_451 : memref<1000000x128xf32, #tpu.memory_space<hbm>>) dst(%dma_wait3A_446 : memref<64x128xf32, #tpu.memory_space<vmem>>)
    %scan3A_454 = arith.constant 0 : i32
    %scan3A_455 = arith.constant 0 : i32
    %scan3A_456 = arith.constant 0 : i32
    %scan3A_457 = arith.constant 0 : i32
    %scan3A_458 = arith.constant 4 : i32
    %scan3A_459 = arith.addi %scan3A_457, %scan3A_458 : i32
    %scan3A_460 = arith.constant 1 : i32
    scf.for %scan3A_660 = %scan3A_457 to %scan3A_459 step %scan3A_460  : i32 {
      %broadcast_in_dim3A = arith.constant 0.000000e+00 : f32
      %broadcast_in_dim3A_661 = vector.broadcast %broadcast_in_dim3A : f32 to vector<16xf32>
      %scan3A_662 = arith.constant 0 : i32
      %scan3A_663 = arith.constant 16 : i32
      %scan3A_664 = arith.addi %scan3A_662, %scan3A_663 : i32
      %scan3A_665 = arith.constant 1 : i32
      %scan3A_666 = scf.for %scan3A_673 = %scan3A_662 to %scan3A_664 step %scan3A_665 iter_args(%scan3A_674 = %broadcast_in_dim3A_661) -> (vector<16xf32>)  : i32 {
        %mul3A_675 = arith.constant 16 : i32
        %mul3A_676 = arith.muli %scan3A_660, %mul3A_675 : i32
        %add3A_677 = arith.addi %mul3A_676, %scan3A_673 : i32
        %get3A = arith.constant 0 : i32
        %get3A_678 = arith.constant 0 : i32
        %get3A_679 = tpu.memref_slice %arg9[%scan3A_455, %get3A, %get3A_678] : memref<4x64x128xf32, #tpu.memory_space<vmem>> -> memref<1x64x128xf32, #tpu.memory_space<vmem>>
        %get3A_680 = tpu.memref_squeeze %get3A_679 : memref<1x64x128xf32, #tpu.memory_space<vmem>> -> memref<64x128xf32, #tpu.memory_space<vmem>>
        %get3A_681 = arith.index_cast %add3A_677 : i32 to index
        %get3A_682 = arith.constant 0 : index
        %get3A_683 = tpu.vector_load %get3A_680[%get3A_681, %get3A_682] {strides = array<i32>} : memref<64x128xf32, #tpu.memory_space<vmem>>, vector<16xf32>,
        %get3A_684 = arith.constant 0 : i32
        %get3A_685 = arith.constant 0 : i32
        %get3A_686 = tpu.memref_slice %arg10[%scan3A_456, %get3A_684, %get3A_685] : memref<4x64x128xf32, #tpu.memory_space<vmem>> -> memref<1x64x128xf32, #tpu.memory_space<vmem>>
        %get3A_687 = tpu.memref_squeeze %get3A_686 : memref<1x64x128xf32, #tpu.memory_space<vmem>> -> memref<64x128xf32, #tpu.memory_space<vmem>>
        %get3A_688 = arith.index_cast %add3A_677 : i32 to index
        %get3A_689 = arith.constant 0 : index
        %get3A_690 = tpu.vector_load %get3A_687[%get3A_688, %get3A_689] {strides = array<i32>} : memref<64x128xf32, #tpu.memory_space<vmem>>, vector<16xf32>,
        %mul3A_691 = arith.mulf %get3A_683, %get3A_690 : vector<16xf32>
        %get3A_692 = arith.constant 0 : i32
        %get3A_693 = arith.constant 0 : i32
        %get3A_694 = tpu.memref_slice %arg9[%scan3A_455, %get3A_692, %get3A_693] : memref<4x64x128xf32, #tpu.memory_space<vmem>> -> memref<1x64x128xf32, #tpu.memory_space<vmem>>
        %get3A_695 = tpu.memref_squeeze %get3A_694 : memref<1x64x128xf32, #tpu.memory_space<vmem>> -> memref<64x128xf32, #tpu.memory_space<vmem>>
        %get3A_696 = arith.index_cast %add3A_677 : i32 to index
        %get3A_697 = arith.constant 16 : index
        %get3A_698 = tpu.vector_load %get3A_695[%get3A_696, %get3A_697] {strides = array<i32>} : memref<64x128xf32, #tpu.memory_space<vmem>>, vector<16xf32>,
        %get3A_699 = arith.constant 0 : i32
        %get3A_700 = arith.constant 0 : i32
        %get3A_701 = tpu.memref_slice %arg10[%scan3A_456, %get3A_699, %get3A_700] : memref<4x64x128xf32, #tpu.memory_space<vmem>> -> memref<1x64x128xf32, #tpu.memory_space<vmem>>
        %get3A_702 = tpu.memref_squeeze %get3A_701 : memref<1x64x128xf32, #tpu.memory_space<vmem>> -> memref<64x128xf32, #tpu.memory_space<vmem>>
        %get3A_703 = arith.index_cast %add3A_677 : i32 to index
        %get3A_704 = arith.constant 16 : index
        %get3A_705 = tpu.vector_load %get3A_702[%get3A_703, %get3A_704] {strides = array<i32>} : memref<64x128xf32, #tpu.memory_space<vmem>>, vector<16xf32>,
        %mul3A_706 = arith.mulf %get3A_698, %get3A_705 : vector<16xf32>
        %add3A_707 = arith.addf %mul3A_691, %mul3A_706 : vector<16xf32>
        %get3A_708 = arith.constant 0 : i32
        %get3A_709 = arith.constant 0 : i32
        %get3A_710 = tpu.memref_slice %arg9[%scan3A_455, %get3A_708, %get3A_709] : memref<4x64x128xf32, #tpu.memory_space<vmem>> -> memref<1x64x128xf32, #tpu.memory_space<vmem>>
        %get3A_711 = tpu.memref_squeeze %get3A_710 : memref<1x64x128xf32, #tpu.memory_space<vmem>> -> memref<64x128xf32, #tpu.memory_space<vmem>>
        %get3A_712 = arith.index_cast %add3A_677 : i32 to index
        %get3A_713 = arith.constant 32 : index
        %get3A_714 = tpu.vector_load %get3A_711[%get3A_712, %get3A_713] {strides = array<i32>} : memref<64x128xf32, #tpu.memory_space<vmem>>, vector<16xf32>,
        %get3A_715 = arith.constant 0 : i32
        %get3A_716 = arith.constant 0 : i32
        %get3A_717 = tpu.memref_slice %arg10[%scan3A_456, %get3A_715, %get3A_716] : memref<4x64x128xf32, #tpu.memory_space<vmem>> -> memref<1x64x128xf32, #tpu.memory_space<vmem>>
        %get3A_718 = tpu.memref_squeeze %get3A_717 : memref<1x64x128xf32, #tpu.memory_space<vmem>> -> memref<64x128xf32, #tpu.memory_space<vmem>>
        %get3A_719 = arith.index_cast %add3A_677 : i32 to index
        %get3A_720 = arith.constant 32 : index
        %get3A_721 = tpu.vector_load %get3A_718[%get3A_719, %get3A_720] {strides = array<i32>} : memref<64x128xf32, #tpu.memory_space<vmem>>, vector<16xf32>,
        %mul3A_722 = arith.mulf %get3A_714, %get3A_721 : vector<16xf32>
        %add3A_723 = arith.addf %add3A_707, %mul3A_722 : vector<16xf32>
        %get3A_724 = arith.constant 0 : i32
        %get3A_725 = arith.constant 0 : i32
        %get3A_726 = tpu.memref_slice %arg9[%scan3A_455, %get3A_724, %get3A_725] : memref<4x64x128xf32, #tpu.memory_space<vmem>> -> memref<1x64x128xf32, #tpu.memory_space<vmem>>
        %get3A_727 = tpu.memref_squeeze %get3A_726 : memref<1x64x128xf32, #tpu.memory_space<vmem>> -> memref<64x128xf32, #tpu.memory_space<vmem>>
        %get3A_728 = arith.index_cast %add3A_677 : i32 to index
        %get3A_729 = arith.constant 48 : index
        %get3A_730 = tpu.vector_load %get3A_727[%get3A_728, %get3A_729] {strides = array<i32>} : memref<64x128xf32, #tpu.memory_space<vmem>>, vector<16xf32>,
        %get3A_731 = arith.constant 0 : i32
        %get3A_732 = arith.constant 0 : i32
        %get3A_733 = tpu.memref_slice %arg10[%scan3A_456, %get3A_731, %get3A_732] : memref<4x64x128xf32, #tpu.memory_space<vmem>> -> memref<1x64x128xf32, #tpu.memory_space<vmem>>
        %get3A_734 = tpu.memref_squeeze %get3A_733 : memref<1x64x128xf32, #tpu.memory_space<vmem>> -> memref<64x128xf32, #tpu.memory_space<vmem>>
        %get3A_735 = arith.index_cast %add3A_677 : i32 to index
        %get3A_736 = arith.constant 48 : index
        %get3A_737 = tpu.vector_load %get3A_734[%get3A_735, %get3A_736] {strides = array<i32>} : memref<64x128xf32, #tpu.memory_space<vmem>>, vector<16xf32>,
        %mul3A_738 = arith.mulf %get3A_730, %get3A_737 : vector<16xf32>
        %add3A_739 = arith.addf %add3A_723, %mul3A_738 : vector<16xf32>
        %get3A_740 = arith.constant 0 : i32
        %get3A_741 = arith.constant 0 : i32
        %get3A_742 = tpu.memref_slice %arg9[%scan3A_455, %get3A_740, %get3A_741] : memref<4x64x128xf32, #tpu.memory_space<vmem>> -> memref<1x64x128xf32, #tpu.memory_space<vmem>>
        %get3A_743 = tpu.memref_squeeze %get3A_742 : memref<1x64x128xf32, #tpu.memory_space<vmem>> -> memref<64x128xf32, #tpu.memory_space<vmem>>
        %get3A_744 = arith.index_cast %add3A_677 : i32 to index
        %get3A_745 = arith.constant 64 : index
        %get3A_746 = tpu.vector_load %get3A_743[%get3A_744, %get3A_745] {strides = array<i32>} : memref<64x128xf32, #tpu.memory_space<vmem>>, vector<16xf32>,
        %get3A_747 = arith.constant 0 : i32
        %get3A_748 = arith.constant 0 : i32
        %get3A_749 = tpu.memref_slice %arg10[%scan3A_456, %get3A_747, %get3A_748] : memref<4x64x128xf32, #tpu.memory_space<vmem>> -> memref<1x64x128xf32, #tpu.memory_space<vmem>>
        %get3A_750 = tpu.memref_squeeze %get3A_749 : memref<1x64x128xf32, #tpu.memory_space<vmem>> -> memref<64x128xf32, #tpu.memory_space<vmem>>
        %get3A_751 = arith.index_cast %add3A_677 : i32 to index
        %get3A_752 = arith.constant 64 : index
        %get3A_753 = tpu.vector_load %get3A_750[%get3A_751, %get3A_752] {strides = array<i32>} : memref<64x128xf32, #tpu.memory_space<vmem>>, vector<16xf32>,
        %mul3A_754 = arith.mulf %get3A_746, %get3A_753 : vector<16xf32>
        %add3A_755 = arith.addf %add3A_739, %mul3A_754 : vector<16xf32>
        %get3A_756 = arith.constant 0 : i32
        %get3A_757 = arith.constant 0 : i32
        %get3A_758 = tpu.memref_slice %arg9[%scan3A_455, %get3A_756, %get3A_757] : memref<4x64x128xf32, #tpu.memory_space<vmem>> -> memref<1x64x128xf32, #tpu.memory_space<vmem>>
        %get3A_759 = tpu.memref_squeeze %get3A_758 : memref<1x64x128xf32, #tpu.memory_space<vmem>> -> memref<64x128xf32, #tpu.memory_space<vmem>>
        %get3A_760 = arith.index_cast %add3A_677 : i32 to index
        %get3A_761 = arith.constant 80 : index
        %get3A_762 = tpu.vector_load %get3A_759[%get3A_760, %get3A_761] {strides = array<i32>} : memref<64x128xf32, #tpu.memory_space<vmem>>, vector<16xf32>,
        %get3A_763 = arith.constant 0 : i32
        %get3A_764 = arith.constant 0 : i32
        %get3A_765 = tpu.memref_slice %arg10[%scan3A_456, %get3A_763, %get3A_764] : memref<4x64x128xf32, #tpu.memory_space<vmem>> -> memref<1x64x128xf32, #tpu.memory_space<vmem>>
        %get3A_766 = tpu.memref_squeeze %get3A_765 : memref<1x64x128xf32, #tpu.memory_space<vmem>> -> memref<64x128xf32, #tpu.memory_space<vmem>>
        %get3A_767 = arith.index_cast %add3A_677 : i32 to index
        %get3A_768 = arith.constant 80 : index
        %get3A_769 = tpu.vector_load %get3A_766[%get3A_767, %get3A_768] {strides = array<i32>} : memref<64x128xf32, #tpu.memory_space<vmem>>, vector<16xf32>,
        %mul3A_770 = arith.mulf %get3A_762, %get3A_769 : vector<16xf32>
        %add3A_771 = arith.addf %add3A_755, %mul3A_770 : vector<16xf32>
        %get3A_772 = arith.constant 0 : i32
        %get3A_773 = arith.constant 0 : i32
        %get3A_774 = tpu.memref_slice %arg9[%scan3A_455, %get3A_772, %get3A_773] : memref<4x64x128xf32, #tpu.memory_space<vmem>> -> memref<1x64x128xf32, #tpu.memory_space<vmem>>
        %get3A_775 = tpu.memref_squeeze %get3A_774 : memref<1x64x128xf32, #tpu.memory_space<vmem>> -> memref<64x128xf32, #tpu.memory_space<vmem>>
        %get3A_776 = arith.index_cast %add3A_677 : i32 to index
        %get3A_777 = arith.constant 96 : index
        %get3A_778 = tpu.vector_load %get3A_775[%get3A_776, %get3A_777] {strides = array<i32>} : memref<64x128xf32, #tpu.memory_space<vmem>>, vector<16xf32>,
        %get3A_779 = arith.constant 0 : i32
        %get3A_780 = arith.constant 0 : i32
        %get3A_781 = tpu.memref_slice %arg10[%scan3A_456, %get3A_779, %get3A_780] : memref<4x64x128xf32, #tpu.memory_space<vmem>> -> memref<1x64x128xf32, #tpu.memory_space<vmem>>
        %get3A_782 = tpu.memref_squeeze %get3A_781 : memref<1x64x128xf32, #tpu.memory_space<vmem>> -> memref<64x128xf32, #tpu.memory_space<vmem>>
        %get3A_783 = arith.index_cast %add3A_677 : i32 to index
        %get3A_784 = arith.constant 96 : index
        %get3A_785 = tpu.vector_load %get3A_782[%get3A_783, %get3A_784] {strides = array<i32>} : memref<64x128xf32, #tpu.memory_space<vmem>>, vector<16xf32>,
        %mul3A_786 = arith.mulf %get3A_778, %get3A_785 : vector<16xf32>
        %add3A_787 = arith.addf %add3A_771, %mul3A_786 : vector<16xf32>
        %get3A_788 = arith.constant 0 : i32
        %get3A_789 = arith.constant 0 : i32
        %get3A_790 = tpu.memref_slice %arg9[%scan3A_455, %get3A_788, %get3A_789] : memref<4x64x128xf32, #tpu.memory_space<vmem>> -> memref<1x64x128xf32, #tpu.memory_space<vmem>>
        %get3A_791 = tpu.memref_squeeze %get3A_790 : memref<1x64x128xf32, #tpu.memory_space<vmem>> -> memref<64x128xf32, #tpu.memory_space<vmem>>
        %get3A_792 = arith.index_cast %add3A_677 : i32 to index
        %get3A_793 = arith.constant 112 : index
        %get3A_794 = tpu.vector_load %get3A_791[%get3A_792, %get3A_793] {strides = array<i32>} : memref<64x128xf32, #tpu.memory_space<vmem>>, vector<16xf32>,
        %get3A_795 = arith.constant 0 : i32
        %get3A_796 = arith.constant 0 : i32
        %get3A_797 = tpu.memref_slice %arg10[%scan3A_456, %get3A_795, %get3A_796] : memref<4x64x128xf32, #tpu.memory_space<vmem>> -> memref<1x64x128xf32, #tpu.memory_space<vmem>>
        %get3A_798 = tpu.memref_squeeze %get3A_797 : memref<1x64x128xf32, #tpu.memory_space<vmem>> -> memref<64x128xf32, #tpu.memory_space<vmem>>
        %get3A_799 = arith.index_cast %add3A_677 : i32 to index
        %get3A_800 = arith.constant 112 : index
        %get3A_801 = tpu.vector_load %get3A_798[%get3A_799, %get3A_800] {strides = array<i32>} : memref<64x128xf32, #tpu.memory_space<vmem>>, vector<16xf32>,
        %mul3A_802 = arith.mulf %get3A_794, %get3A_801 : vector<16xf32>
        %add3A_803 = arith.addf %add3A_787, %mul3A_802 : vector<16xf32>
        %eq3A = vector.broadcast %scan3A_673 : i32 to vector<16xi32>
        %eq3A_804 = arith.cmpi eq, %iota3A, %eq3A : vector<16xi32>
        %reduce_sum3A = arith.constant true
        %reduce_sum3A_805 = vector.broadcast %reduce_sum3A : i1 to vector<16xi1>
        %reduce_sum3A_806 = tpu.scan <sum>, %add3A_803 masked %reduce_sum3A_805 : vector<16xf32>, vector<16xi1> -> vector<16xf32>
        %reduce_sum3A_807 = vector.extract %reduce_sum3A_806[15] : f32 from vector<16xf32>
        %broadcast_in_dim3A_808 = vector.broadcast %reduce_sum3A_807 : f32 to vector<16xf32>
        %select_n3A = arith.select %eq3A_804, %broadcast_in_dim3A_808, %scan3A_674 : vector<16xi1>, vector<16xf32>
        scf.yield %select_n3A : vector<16xf32>
      }
      %scan3A_667 = arith.constant 16 : i32
      %mul3A_668 = arith.constant 16 : i32
      %mul3A_669 = arith.muli %scan3A_660, %mul3A_668 : i32
      %add3A_670 = arith.constant 256 : i32
      %add3A_671 = arith.addi %add3A_670, %mul3A_669 : i32
      %swap3A = arith.index_cast %add3A_671 : i32 to index
      %swap3A_672 = tpu.vector_load %arg11[%swap3A] {strides = array<i32>} : memref<512xf32, #tpu.memory_space<vmem>>, vector<16xf32>,
      tpu.vector_store %arg11[%swap3A], %scan3A_666 {strides = array<i32>} : memref<512xf32, #tpu.memory_space<vmem>>, vector<16xf32>,
    }
    %scan3A_461 = arith.constant 4 : i32
    %add3A_462 = arith.constant 256 : i32
    %add3A_463 = arith.addi %mul3A_2, %add3A_462 : i32
    %dma_start3A_464 = arith.constant 256 : i32
    %dma_start3A_465 = tpu.memref_slice %arg11[%dma_start3A_464] : memref<512xf32, #tpu.memory_space<vmem>> -> memref<64xf32, #tpu.memory_space<vmem>>
    %dma_start3A_466 = tpu.memref_slice %arg6[%add3A_463] : memref<16384xf32, #tpu.memory_space<hbm>> -> memref<64xf32, #tpu.memory_space<hbm>>
    %dma_start3A_467 = tpu.memref_slice %arg6[%add3A_463] : memref<16384xf32, #tpu.memory_space<hbm>> -> memref<64xf32, #tpu.memory_space<hbm>>
    %dma_start3A_468 = arith.constant 256 : i32
    %dma_start3A_469 = tpu.memref_slice %arg11[%dma_start3A_468] : memref<512xf32, #tpu.memory_space<vmem>> -> memref<64xf32, #tpu.memory_space<vmem>>
    tpu.enqueue_dma source(%dma_start3A_469 : memref<64xf32, #tpu.memory_space<vmem>>) target(%dma_start3A_467 : memref<64xf32, #tpu.memory_space<hbm>>) target_semaphore(%arg15 : memref<!tpu.dma_semaphore, #tpu.memory_space<semaphore_mem>>)
    %dma_wait3A_470 = arith.constant 1 : i32
    %dma_wait3A_471 = arith.constant 1 : i32
    %dma_wait3A_472 = arith.constant 0 : i32
    %dma_wait3A_473 = arith.constant 0 : i32
    %dma_wait3A_474 = tpu.memref_slice %arg9[%dma_wait3A_470, %dma_wait3A_472, %dma_wait3A_473] : memref<4x64x128xf32, #tpu.memory_space<vmem>> -> memref<1x64x128xf32, #tpu.memory_space<vmem>>
    %dma_wait3A_475 = tpu.memref_squeeze %dma_wait3A_474 : memref<1x64x128xf32, #tpu.memory_space<vmem>> -> memref<64x128xf32, #tpu.memory_space<vmem>>
    %dma_wait3A_476 = arith.constant 320 : i32
    %dma_wait3A_477 = tpu.memref_slice %arg7[%dma_wait3A_476] : memref<512xi32, #tpu.memory_space<vmem>> -> memref<64xi32, #tpu.memory_space<vmem>>
    %dma_wait3A_478 = arith.constant 0 : i32
    %dma_wait3A_479 = arith.constant 0 : i32
    %dma_wait3A_480 = tpu.memref_slice %arg4[%dma_wait3A_478, %dma_wait3A_479] : memref<1000000x128xf32, #tpu.memory_space<hbm>> -> memref<1000000x128xf32, #tpu.memory_space<hbm>>
    %dma_wait3A_481 = tpu.memref_slice %arg12[%dma_wait3A_471] : memref<4x!tpu.dma_semaphore, #tpu.memory_space<semaphore_mem>> -> memref<1x!tpu.dma_semaphore, #tpu.memory_space<semaphore_mem>>
    %dma_wait3A_482 = tpu.memref_squeeze %dma_wait3A_481 : memref<1x!tpu.dma_semaphore, #tpu.memory_space<semaphore_mem>> -> memref<!tpu.dma_semaphore, #tpu.memory_space<semaphore_mem>>
    tpu.wait_indirect_dma semaphore(%dma_wait3A_482 : memref<!tpu.dma_semaphore, #tpu.memory_space<semaphore_mem>>) src(%dma_wait3A_480 : memref<1000000x128xf32, #tpu.memory_space<hbm>>) dst(%dma_wait3A_475 : memref<64x128xf32, #tpu.memory_space<vmem>>)
    %dma_wait3A_483 = arith.constant 1 : i32
    %dma_wait3A_484 = arith.constant 1 : i32
    %dma_wait3A_485 = arith.constant 0 : i32
    %dma_wait3A_486 = arith.constant 0 : i32
    %dma_wait3A_487 = tpu.memref_slice %arg10[%dma_wait3A_483, %dma_wait3A_485, %dma_wait3A_486] : memref<4x64x128xf32, #tpu.memory_space<vmem>> -> memref<1x64x128xf32, #tpu.memory_space<vmem>>
    %dma_wait3A_488 = tpu.memref_squeeze %dma_wait3A_487 : memref<1x64x128xf32, #tpu.memory_space<vmem>> -> memref<64x128xf32, #tpu.memory_space<vmem>>
    %dma_wait3A_489 = arith.constant 320 : i32
    %dma_wait3A_490 = tpu.memref_slice %arg8[%dma_wait3A_489] : memref<512xi32, #tpu.memory_space<vmem>> -> memref<64xi32, #tpu.memory_space<vmem>>
    %dma_wait3A_491 = arith.constant 0 : i32
    %dma_wait3A_492 = arith.constant 0 : i32
    %dma_wait3A_493 = tpu.memref_slice %arg5[%dma_wait3A_491, %dma_wait3A_492] : memref<1000000x128xf32, #tpu.memory_space<hbm>> -> memref<1000000x128xf32, #tpu.memory_space<hbm>>
    %dma_wait3A_494 = tpu.memref_slice %arg13[%dma_wait3A_484] : memref<4x!tpu.dma_semaphore, #tpu.memory_space<semaphore_mem>> -> memref<1x!tpu.dma_semaphore, #tpu.memory_space<semaphore_mem>>
    %dma_wait3A_495 = tpu.memref_squeeze %dma_wait3A_494 : memref<1x!tpu.dma_semaphore, #tpu.memory_space<semaphore_mem>> -> memref<!tpu.dma_semaphore, #tpu.memory_space<semaphore_mem>>
    tpu.wait_indirect_dma semaphore(%dma_wait3A_495 : memref<!tpu.dma_semaphore, #tpu.memory_space<semaphore_mem>>) src(%dma_wait3A_493 : memref<1000000x128xf32, #tpu.memory_space<hbm>>) dst(%dma_wait3A_488 : memref<64x128xf32, #tpu.memory_space<vmem>>)
    %scan3A_496 = arith.constant 0 : i32
    %scan3A_497 = arith.constant 1 : i32
    %scan3A_498 = arith.constant 1 : i32
    %scan3A_499 = arith.constant 0 : i32
    %scan3A_500 = arith.constant 4 : i32
    %scan3A_501 = arith.addi %scan3A_499, %scan3A_500 : i32
    %scan3A_502 = arith.constant 1 : i32
    scf.for %scan3A_660 = %scan3A_499 to %scan3A_501 step %scan3A_502  : i32 {
      %broadcast_in_dim3A = arith.constant 0.000000e+00 : f32
      %broadcast_in_dim3A_661 = vector.broadcast %broadcast_in_dim3A : f32 to vector<16xf32>
      %scan3A_662 = arith.constant 0 : i32
      %scan3A_663 = arith.constant 16 : i32
      %scan3A_664 = arith.addi %scan3A_662, %scan3A_663 : i32
      %scan3A_665 = arith.constant 1 : i32
      %scan3A_666 = scf.for %scan3A_673 = %scan3A_662 to %scan3A_664 step %scan3A_665 iter_args(%scan3A_674 = %broadcast_in_dim3A_661) -> (vector<16xf32>)  : i32 {
        %mul3A_675 = arith.constant 16 : i32
        %mul3A_676 = arith.muli %scan3A_660, %mul3A_675 : i32
        %add3A_677 = arith.addi %mul3A_676, %scan3A_673 : i32
        %get3A = arith.constant 0 : i32
        %get3A_678 = arith.constant 0 : i32
        %get3A_679 = tpu.memref_slice %arg9[%scan3A_497, %get3A, %get3A_678] : memref<4x64x128xf32, #tpu.memory_space<vmem>> -> memref<1x64x128xf32, #tpu.memory_space<vmem>>
        %get3A_680 = tpu.memref_squeeze %get3A_679 : memref<1x64x128xf32, #tpu.memory_space<vmem>> -> memref<64x128xf32, #tpu.memory_space<vmem>>
        %get3A_681 = arith.index_cast %add3A_677 : i32 to index
        %get3A_682 = arith.constant 0 : index
        %get3A_683 = tpu.vector_load %get3A_680[%get3A_681, %get3A_682] {strides = array<i32>} : memref<64x128xf32, #tpu.memory_space<vmem>>, vector<16xf32>,
        %get3A_684 = arith.constant 0 : i32
        %get3A_685 = arith.constant 0 : i32
        %get3A_686 = tpu.memref_slice %arg10[%scan3A_498, %get3A_684, %get3A_685] : memref<4x64x128xf32, #tpu.memory_space<vmem>> -> memref<1x64x128xf32, #tpu.memory_space<vmem>>
        %get3A_687 = tpu.memref_squeeze %get3A_686 : memref<1x64x128xf32, #tpu.memory_space<vmem>> -> memref<64x128xf32, #tpu.memory_space<vmem>>
        %get3A_688 = arith.index_cast %add3A_677 : i32 to index
        %get3A_689 = arith.constant 0 : index
        %get3A_690 = tpu.vector_load %get3A_687[%get3A_688, %get3A_689] {strides = array<i32>} : memref<64x128xf32, #tpu.memory_space<vmem>>, vector<16xf32>,
        %mul3A_691 = arith.mulf %get3A_683, %get3A_690 : vector<16xf32>
        %get3A_692 = arith.constant 0 : i32
        %get3A_693 = arith.constant 0 : i32
        %get3A_694 = tpu.memref_slice %arg9[%scan3A_497, %get3A_692, %get3A_693] : memref<4x64x128xf32, #tpu.memory_space<vmem>> -> memref<1x64x128xf32, #tpu.memory_space<vmem>>
        %get3A_695 = tpu.memref_squeeze %get3A_694 : memref<1x64x128xf32, #tpu.memory_space<vmem>> -> memref<64x128xf32, #tpu.memory_space<vmem>>
        %get3A_696 = arith.index_cast %add3A_677 : i32 to index
        %get3A_697 = arith.constant 16 : index
        %get3A_698 = tpu.vector_load %get3A_695[%get3A_696, %get3A_697] {strides = array<i32>} : memref<64x128xf32, #tpu.memory_space<vmem>>, vector<16xf32>,
        %get3A_699 = arith.constant 0 : i32
        %get3A_700 = arith.constant 0 : i32
        %get3A_701 = tpu.memref_slice %arg10[%scan3A_498, %get3A_699, %get3A_700] : memref<4x64x128xf32, #tpu.memory_space<vmem>> -> memref<1x64x128xf32, #tpu.memory_space<vmem>>
        %get3A_702 = tpu.memref_squeeze %get3A_701 : memref<1x64x128xf32, #tpu.memory_space<vmem>> -> memref<64x128xf32, #tpu.memory_space<vmem>>
        %get3A_703 = arith.index_cast %add3A_677 : i32 to index
        %get3A_704 = arith.constant 16 : index
        %get3A_705 = tpu.vector_load %get3A_702[%get3A_703, %get3A_704] {strides = array<i32>} : memref<64x128xf32, #tpu.memory_space<vmem>>, vector<16xf32>,
        %mul3A_706 = arith.mulf %get3A_698, %get3A_705 : vector<16xf32>
        %add3A_707 = arith.addf %mul3A_691, %mul3A_706 : vector<16xf32>
        %get3A_708 = arith.constant 0 : i32
        %get3A_709 = arith.constant 0 : i32
        %get3A_710 = tpu.memref_slice %arg9[%scan3A_497, %get3A_708, %get3A_709] : memref<4x64x128xf32, #tpu.memory_space<vmem>> -> memref<1x64x128xf32, #tpu.memory_space<vmem>>
        %get3A_711 = tpu.memref_squeeze %get3A_710 : memref<1x64x128xf32, #tpu.memory_space<vmem>> -> memref<64x128xf32, #tpu.memory_space<vmem>>
        %get3A_712 = arith.index_cast %add3A_677 : i32 to index
        %get3A_713 = arith.constant 32 : index
        %get3A_714 = tpu.vector_load %get3A_711[%get3A_712, %get3A_713] {strides = array<i32>} : memref<64x128xf32, #tpu.memory_space<vmem>>, vector<16xf32>,
        %get3A_715 = arith.constant 0 : i32
        %get3A_716 = arith.constant 0 : i32
        %get3A_717 = tpu.memref_slice %arg10[%scan3A_498, %get3A_715, %get3A_716] : memref<4x64x128xf32, #tpu.memory_space<vmem>> -> memref<1x64x128xf32, #tpu.memory_space<vmem>>
        %get3A_718 = tpu.memref_squeeze %get3A_717 : memref<1x64x128xf32, #tpu.memory_space<vmem>> -> memref<64x128xf32, #tpu.memory_space<vmem>>
        %get3A_719 = arith.index_cast %add3A_677 : i32 to index
        %get3A_720 = arith.constant 32 : index
        %get3A_721 = tpu.vector_load %get3A_718[%get3A_719, %get3A_720] {strides = array<i32>} : memref<64x128xf32, #tpu.memory_space<vmem>>, vector<16xf32>,
        %mul3A_722 = arith.mulf %get3A_714, %get3A_721 : vector<16xf32>
        %add3A_723 = arith.addf %add3A_707, %mul3A_722 : vector<16xf32>
        %get3A_724 = arith.constant 0 : i32
        %get3A_725 = arith.constant 0 : i32
        %get3A_726 = tpu.memref_slice %arg9[%scan3A_497, %get3A_724, %get3A_725] : memref<4x64x128xf32, #tpu.memory_space<vmem>> -> memref<1x64x128xf32, #tpu.memory_space<vmem>>
        %get3A_727 = tpu.memref_squeeze %get3A_726 : memref<1x64x128xf32, #tpu.memory_space<vmem>> -> memref<64x128xf32, #tpu.memory_space<vmem>>
        %get3A_728 = arith.index_cast %add3A_677 : i32 to index
        %get3A_729 = arith.constant 48 : index
        %get3A_730 = tpu.vector_load %get3A_727[%get3A_728, %get3A_729] {strides = array<i32>} : memref<64x128xf32, #tpu.memory_space<vmem>>, vector<16xf32>,
        %get3A_731 = arith.constant 0 : i32
        %get3A_732 = arith.constant 0 : i32
        %get3A_733 = tpu.memref_slice %arg10[%scan3A_498, %get3A_731, %get3A_732] : memref<4x64x128xf32, #tpu.memory_space<vmem>> -> memref<1x64x128xf32, #tpu.memory_space<vmem>>
        %get3A_734 = tpu.memref_squeeze %get3A_733 : memref<1x64x128xf32, #tpu.memory_space<vmem>> -> memref<64x128xf32, #tpu.memory_space<vmem>>
        %get3A_735 = arith.index_cast %add3A_677 : i32 to index
        %get3A_736 = arith.constant 48 : index
        %get3A_737 = tpu.vector_load %get3A_734[%get3A_735, %get3A_736] {strides = array<i32>} : memref<64x128xf32, #tpu.memory_space<vmem>>, vector<16xf32>,
        %mul3A_738 = arith.mulf %get3A_730, %get3A_737 : vector<16xf32>
        %add3A_739 = arith.addf %add3A_723, %mul3A_738 : vector<16xf32>
        %get3A_740 = arith.constant 0 : i32
        %get3A_741 = arith.constant 0 : i32
        %get3A_742 = tpu.memref_slice %arg9[%scan3A_497, %get3A_740, %get3A_741] : memref<4x64x128xf32, #tpu.memory_space<vmem>> -> memref<1x64x128xf32, #tpu.memory_space<vmem>>
        %get3A_743 = tpu.memref_squeeze %get3A_742 : memref<1x64x128xf32, #tpu.memory_space<vmem>> -> memref<64x128xf32, #tpu.memory_space<vmem>>
        %get3A_744 = arith.index_cast %add3A_677 : i32 to index
        %get3A_745 = arith.constant 64 : index
        %get3A_746 = tpu.vector_load %get3A_743[%get3A_744, %get3A_745] {strides = array<i32>} : memref<64x128xf32, #tpu.memory_space<vmem>>, vector<16xf32>,
        %get3A_747 = arith.constant 0 : i32
        %get3A_748 = arith.constant 0 : i32
        %get3A_749 = tpu.memref_slice %arg10[%scan3A_498, %get3A_747, %get3A_748] : memref<4x64x128xf32, #tpu.memory_space<vmem>> -> memref<1x64x128xf32, #tpu.memory_space<vmem>>
        %get3A_750 = tpu.memref_squeeze %get3A_749 : memref<1x64x128xf32, #tpu.memory_space<vmem>> -> memref<64x128xf32, #tpu.memory_space<vmem>>
        %get3A_751 = arith.index_cast %add3A_677 : i32 to index
        %get3A_752 = arith.constant 64 : index
        %get3A_753 = tpu.vector_load %get3A_750[%get3A_751, %get3A_752] {strides = array<i32>} : memref<64x128xf32, #tpu.memory_space<vmem>>, vector<16xf32>,
        %mul3A_754 = arith.mulf %get3A_746, %get3A_753 : vector<16xf32>
        %add3A_755 = arith.addf %add3A_739, %mul3A_754 : vector<16xf32>
        %get3A_756 = arith.constant 0 : i32
        %get3A_757 = arith.constant 0 : i32
        %get3A_758 = tpu.memref_slice %arg9[%scan3A_497, %get3A_756, %get3A_757] : memref<4x64x128xf32, #tpu.memory_space<vmem>> -> memref<1x64x128xf32, #tpu.memory_space<vmem>>
        %get3A_759 = tpu.memref_squeeze %get3A_758 : memref<1x64x128xf32, #tpu.memory_space<vmem>> -> memref<64x128xf32, #tpu.memory_space<vmem>>
        %get3A_760 = arith.index_cast %add3A_677 : i32 to index
        %get3A_761 = arith.constant 80 : index
        %get3A_762 = tpu.vector_load %get3A_759[%get3A_760, %get3A_761] {strides = array<i32>} : memref<64x128xf32, #tpu.memory_space<vmem>>, vector<16xf32>,
        %get3A_763 = arith.constant 0 : i32
        %get3A_764 = arith.constant 0 : i32
        %get3A_765 = tpu.memref_slice %arg10[%scan3A_498, %get3A_763, %get3A_764] : memref<4x64x128xf32, #tpu.memory_space<vmem>> -> memref<1x64x128xf32, #tpu.memory_space<vmem>>
        %get3A_766 = tpu.memref_squeeze %get3A_765 : memref<1x64x128xf32, #tpu.memory_space<vmem>> -> memref<64x128xf32, #tpu.memory_space<vmem>>
        %get3A_767 = arith.index_cast %add3A_677 : i32 to index
        %get3A_768 = arith.constant 80 : index
        %get3A_769 = tpu.vector_load %get3A_766[%get3A_767, %get3A_768] {strides = array<i32>} : memref<64x128xf32, #tpu.memory_space<vmem>>, vector<16xf32>,
        %mul3A_770 = arith.mulf %get3A_762, %get3A_769 : vector<16xf32>
        %add3A_771 = arith.addf %add3A_755, %mul3A_770 : vector<16xf32>
        %get3A_772 = arith.constant 0 : i32
        %get3A_773 = arith.constant 0 : i32
        %get3A_774 = tpu.memref_slice %arg9[%scan3A_497, %get3A_772, %get3A_773] : memref<4x64x128xf32, #tpu.memory_space<vmem>> -> memref<1x64x128xf32, #tpu.memory_space<vmem>>
        %get3A_775 = tpu.memref_squeeze %get3A_774 : memref<1x64x128xf32, #tpu.memory_space<vmem>> -> memref<64x128xf32, #tpu.memory_space<vmem>>
        %get3A_776 = arith.index_cast %add3A_677 : i32 to index
        %get3A_777 = arith.constant 96 : index
        %get3A_778 = tpu.vector_load %get3A_775[%get3A_776, %get3A_777] {strides = array<i32>} : memref<64x128xf32, #tpu.memory_space<vmem>>, vector<16xf32>,
        %get3A_779 = arith.constant 0 : i32
        %get3A_780 = arith.constant 0 : i32
        %get3A_781 = tpu.memref_slice %arg10[%scan3A_498, %get3A_779, %get3A_780] : memref<4x64x128xf32, #tpu.memory_space<vmem>> -> memref<1x64x128xf32, #tpu.memory_space<vmem>>
        %get3A_782 = tpu.memref_squeeze %get3A_781 : memref<1x64x128xf32, #tpu.memory_space<vmem>> -> memref<64x128xf32, #tpu.memory_space<vmem>>
        %get3A_783 = arith.index_cast %add3A_677 : i32 to index
        %get3A_784 = arith.constant 96 : index
        %get3A_785 = tpu.vector_load %get3A_782[%get3A_783, %get3A_784] {strides = array<i32>} : memref<64x128xf32, #tpu.memory_space<vmem>>, vector<16xf32>,
        %mul3A_786 = arith.mulf %get3A_778, %get3A_785 : vector<16xf32>
        %add3A_787 = arith.addf %add3A_771, %mul3A_786 : vector<16xf32>
        %get3A_788 = arith.constant 0 : i32
        %get3A_789 = arith.constant 0 : i32
        %get3A_790 = tpu.memref_slice %arg9[%scan3A_497, %get3A_788, %get3A_789] : memref<4x64x128xf32, #tpu.memory_space<vmem>> -> memref<1x64x128xf32, #tpu.memory_space<vmem>>
        %get3A_791 = tpu.memref_squeeze %get3A_790 : memref<1x64x128xf32, #tpu.memory_space<vmem>> -> memref<64x128xf32, #tpu.memory_space<vmem>>
        %get3A_792 = arith.index_cast %add3A_677 : i32 to index
        %get3A_793 = arith.constant 112 : index
        %get3A_794 = tpu.vector_load %get3A_791[%get3A_792, %get3A_793] {strides = array<i32>} : memref<64x128xf32, #tpu.memory_space<vmem>>, vector<16xf32>,
        %get3A_795 = arith.constant 0 : i32
        %get3A_796 = arith.constant 0 : i32
        %get3A_797 = tpu.memref_slice %arg10[%scan3A_498, %get3A_795, %get3A_796] : memref<4x64x128xf32, #tpu.memory_space<vmem>> -> memref<1x64x128xf32, #tpu.memory_space<vmem>>
        %get3A_798 = tpu.memref_squeeze %get3A_797 : memref<1x64x128xf32, #tpu.memory_space<vmem>> -> memref<64x128xf32, #tpu.memory_space<vmem>>
        %get3A_799 = arith.index_cast %add3A_677 : i32 to index
        %get3A_800 = arith.constant 112 : index
        %get3A_801 = tpu.vector_load %get3A_798[%get3A_799, %get3A_800] {strides = array<i32>} : memref<64x128xf32, #tpu.memory_space<vmem>>, vector<16xf32>,
        %mul3A_802 = arith.mulf %get3A_794, %get3A_801 : vector<16xf32>
        %add3A_803 = arith.addf %add3A_787, %mul3A_802 : vector<16xf32>
        %eq3A = vector.broadcast %scan3A_673 : i32 to vector<16xi32>
        %eq3A_804 = arith.cmpi eq, %iota3A, %eq3A : vector<16xi32>
        %reduce_sum3A = arith.constant true
        %reduce_sum3A_805 = vector.broadcast %reduce_sum3A : i1 to vector<16xi1>
        %reduce_sum3A_806 = tpu.scan <sum>, %add3A_803 masked %reduce_sum3A_805 : vector<16xf32>, vector<16xi1> -> vector<16xf32>
        %reduce_sum3A_807 = vector.extract %reduce_sum3A_806[15] : f32 from vector<16xf32>
        %broadcast_in_dim3A_808 = vector.broadcast %reduce_sum3A_807 : f32 to vector<16xf32>
        %select_n3A = arith.select %eq3A_804, %broadcast_in_dim3A_808, %scan3A_674 : vector<16xi1>, vector<16xf32>
        scf.yield %select_n3A : vector<16xf32>
      }
      %scan3A_667 = arith.constant 16 : i32
      %mul3A_668 = arith.constant 16 : i32
      %mul3A_669 = arith.muli %scan3A_660, %mul3A_668 : i32
      %add3A_670 = arith.constant 320 : i32
      %add3A_671 = arith.addi %add3A_670, %mul3A_669 : i32
      %swap3A = arith.index_cast %add3A_671 : i32 to index
      %swap3A_672 = tpu.vector_load %arg11[%swap3A] {strides = array<i32>} : memref<512xf32, #tpu.memory_space<vmem>>, vector<16xf32>,
      tpu.vector_store %arg11[%swap3A], %scan3A_666 {strides = array<i32>} : memref<512xf32, #tpu.memory_space<vmem>>, vector<16xf32>,
    }
    %scan3A_503 = arith.constant 4 : i32
    %add3A_504 = arith.constant 320 : i32
    %add3A_505 = arith.addi %mul3A_2, %add3A_504 : i32
    %dma_start3A_506 = arith.constant 320 : i32
    %dma_start3A_507 = tpu.memref_slice %arg11[%dma_start3A_506] : memref<512xf32, #tpu.memory_space<vmem>> -> memref<64xf32, #tpu.memory_space<vmem>>
    %dma_start3A_508 = tpu.memref_slice %arg6[%add3A_505] : memref<16384xf32, #tpu.memory_space<hbm>> -> memref<64xf32, #tpu.memory_space<hbm>>
    %dma_start3A_509 = tpu.memref_slice %arg6[%add3A_505] : memref<16384xf32, #tpu.memory_space<hbm>> -> memref<64xf32, #tpu.memory_space<hbm>>
    %dma_start3A_510 = arith.constant 320 : i32
    %dma_start3A_511 = tpu.memref_slice %arg11[%dma_start3A_510] : memref<512xf32, #tpu.memory_space<vmem>> -> memref<64xf32, #tpu.memory_space<vmem>>
    tpu.enqueue_dma source(%dma_start3A_511 : memref<64xf32, #tpu.memory_space<vmem>>) target(%dma_start3A_509 : memref<64xf32, #tpu.memory_space<hbm>>) target_semaphore(%arg15 : memref<!tpu.dma_semaphore, #tpu.memory_space<semaphore_mem>>)
    %dma_wait3A_512 = arith.constant 2 : i32
    %dma_wait3A_513 = arith.constant 2 : i32
    %dma_wait3A_514 = arith.constant 0 : i32
    %dma_wait3A_515 = arith.constant 0 : i32
    %dma_wait3A_516 = tpu.memref_slice %arg9[%dma_wait3A_512, %dma_wait3A_514, %dma_wait3A_515] : memref<4x64x128xf32, #tpu.memory_space<vmem>> -> memref<1x64x128xf32, #tpu.memory_space<vmem>>
    %dma_wait3A_517 = tpu.memref_squeeze %dma_wait3A_516 : memref<1x64x128xf32, #tpu.memory_space<vmem>> -> memref<64x128xf32, #tpu.memory_space<vmem>>
    %dma_wait3A_518 = arith.constant 384 : i32
    %dma_wait3A_519 = tpu.memref_slice %arg7[%dma_wait3A_518] : memref<512xi32, #tpu.memory_space<vmem>> -> memref<64xi32, #tpu.memory_space<vmem>>
    %dma_wait3A_520 = arith.constant 0 : i32
    %dma_wait3A_521 = arith.constant 0 : i32
    %dma_wait3A_522 = tpu.memref_slice %arg4[%dma_wait3A_520, %dma_wait3A_521] : memref<1000000x128xf32, #tpu.memory_space<hbm>> -> memref<1000000x128xf32, #tpu.memory_space<hbm>>
    %dma_wait3A_523 = tpu.memref_slice %arg12[%dma_wait3A_513] : memref<4x!tpu.dma_semaphore, #tpu.memory_space<semaphore_mem>> -> memref<1x!tpu.dma_semaphore, #tpu.memory_space<semaphore_mem>>
    %dma_wait3A_524 = tpu.memref_squeeze %dma_wait3A_523 : memref<1x!tpu.dma_semaphore, #tpu.memory_space<semaphore_mem>> -> memref<!tpu.dma_semaphore, #tpu.memory_space<semaphore_mem>>
    tpu.wait_indirect_dma semaphore(%dma_wait3A_524 : memref<!tpu.dma_semaphore, #tpu.memory_space<semaphore_mem>>) src(%dma_wait3A_522 : memref<1000000x128xf32, #tpu.memory_space<hbm>>) dst(%dma_wait3A_517 : memref<64x128xf32, #tpu.memory_space<vmem>>)
    %dma_wait3A_525 = arith.constant 2 : i32
    %dma_wait3A_526 = arith.constant 2 : i32
    %dma_wait3A_527 = arith.constant 0 : i32
    %dma_wait3A_528 = arith.constant 0 : i32
    %dma_wait3A_529 = tpu.memref_slice %arg10[%dma_wait3A_525, %dma_wait3A_527, %dma_wait3A_528] : memref<4x64x128xf32, #tpu.memory_space<vmem>> -> memref<1x64x128xf32, #tpu.memory_space<vmem>>
    %dma_wait3A_530 = tpu.memref_squeeze %dma_wait3A_529 : memref<1x64x128xf32, #tpu.memory_space<vmem>> -> memref<64x128xf32, #tpu.memory_space<vmem>>
    %dma_wait3A_531 = arith.constant 384 : i32
    %dma_wait3A_532 = tpu.memref_slice %arg8[%dma_wait3A_531] : memref<512xi32, #tpu.memory_space<vmem>> -> memref<64xi32, #tpu.memory_space<vmem>>
    %dma_wait3A_533 = arith.constant 0 : i32
    %dma_wait3A_534 = arith.constant 0 : i32
    %dma_wait3A_535 = tpu.memref_slice %arg5[%dma_wait3A_533, %dma_wait3A_534] : memref<1000000x128xf32, #tpu.memory_space<hbm>> -> memref<1000000x128xf32, #tpu.memory_space<hbm>>
    %dma_wait3A_536 = tpu.memref_slice %arg13[%dma_wait3A_526] : memref<4x!tpu.dma_semaphore, #tpu.memory_space<semaphore_mem>> -> memref<1x!tpu.dma_semaphore, #tpu.memory_space<semaphore_mem>>
    %dma_wait3A_537 = tpu.memref_squeeze %dma_wait3A_536 : memref<1x!tpu.dma_semaphore, #tpu.memory_space<semaphore_mem>> -> memref<!tpu.dma_semaphore, #tpu.memory_space<semaphore_mem>>
    tpu.wait_indirect_dma semaphore(%dma_wait3A_537 : memref<!tpu.dma_semaphore, #tpu.memory_space<semaphore_mem>>) src(%dma_wait3A_535 : memref<1000000x128xf32, #tpu.memory_space<hbm>>) dst(%dma_wait3A_530 : memref<64x128xf32, #tpu.memory_space<vmem>>)
    %scan3A_538 = arith.constant 0 : i32
    %scan3A_539 = arith.constant 2 : i32
    %scan3A_540 = arith.constant 2 : i32
    %scan3A_541 = arith.constant 0 : i32
    %scan3A_542 = arith.constant 4 : i32
    %scan3A_543 = arith.addi %scan3A_541, %scan3A_542 : i32
    %scan3A_544 = arith.constant 1 : i32
    scf.for %scan3A_660 = %scan3A_541 to %scan3A_543 step %scan3A_544  : i32 {
      %broadcast_in_dim3A = arith.constant 0.000000e+00 : f32
      %broadcast_in_dim3A_661 = vector.broadcast %broadcast_in_dim3A : f32 to vector<16xf32>
      %scan3A_662 = arith.constant 0 : i32
      %scan3A_663 = arith.constant 16 : i32
      %scan3A_664 = arith.addi %scan3A_662, %scan3A_663 : i32
      %scan3A_665 = arith.constant 1 : i32
      %scan3A_666 = scf.for %scan3A_673 = %scan3A_662 to %scan3A_664 step %scan3A_665 iter_args(%scan3A_674 = %broadcast_in_dim3A_661) -> (vector<16xf32>)  : i32 {
        %mul3A_675 = arith.constant 16 : i32
        %mul3A_676 = arith.muli %scan3A_660, %mul3A_675 : i32
        %add3A_677 = arith.addi %mul3A_676, %scan3A_673 : i32
        %get3A = arith.constant 0 : i32
        %get3A_678 = arith.constant 0 : i32
        %get3A_679 = tpu.memref_slice %arg9[%scan3A_539, %get3A, %get3A_678] : memref<4x64x128xf32, #tpu.memory_space<vmem>> -> memref<1x64x128xf32, #tpu.memory_space<vmem>>
        %get3A_680 = tpu.memref_squeeze %get3A_679 : memref<1x64x128xf32, #tpu.memory_space<vmem>> -> memref<64x128xf32, #tpu.memory_space<vmem>>
        %get3A_681 = arith.index_cast %add3A_677 : i32 to index
        %get3A_682 = arith.constant 0 : index
        %get3A_683 = tpu.vector_load %get3A_680[%get3A_681, %get3A_682] {strides = array<i32>} : memref<64x128xf32, #tpu.memory_space<vmem>>, vector<16xf32>,
        %get3A_684 = arith.constant 0 : i32
        %get3A_685 = arith.constant 0 : i32
        %get3A_686 = tpu.memref_slice %arg10[%scan3A_540, %get3A_684, %get3A_685] : memref<4x64x128xf32, #tpu.memory_space<vmem>> -> memref<1x64x128xf32, #tpu.memory_space<vmem>>
        %get3A_687 = tpu.memref_squeeze %get3A_686 : memref<1x64x128xf32, #tpu.memory_space<vmem>> -> memref<64x128xf32, #tpu.memory_space<vmem>>
        %get3A_688 = arith.index_cast %add3A_677 : i32 to index
        %get3A_689 = arith.constant 0 : index
        %get3A_690 = tpu.vector_load %get3A_687[%get3A_688, %get3A_689] {strides = array<i32>} : memref<64x128xf32, #tpu.memory_space<vmem>>, vector<16xf32>,
        %mul3A_691 = arith.mulf %get3A_683, %get3A_690 : vector<16xf32>
        %get3A_692 = arith.constant 0 : i32
        %get3A_693 = arith.constant 0 : i32
        %get3A_694 = tpu.memref_slice %arg9[%scan3A_539, %get3A_692, %get3A_693] : memref<4x64x128xf32, #tpu.memory_space<vmem>> -> memref<1x64x128xf32, #tpu.memory_space<vmem>>
        %get3A_695 = tpu.memref_squeeze %get3A_694 : memref<1x64x128xf32, #tpu.memory_space<vmem>> -> memref<64x128xf32, #tpu.memory_space<vmem>>
        %get3A_696 = arith.index_cast %add3A_677 : i32 to index
        %get3A_697 = arith.constant 16 : index
        %get3A_698 = tpu.vector_load %get3A_695[%get3A_696, %get3A_697] {strides = array<i32>} : memref<64x128xf32, #tpu.memory_space<vmem>>, vector<16xf32>,
        %get3A_699 = arith.constant 0 : i32
        %get3A_700 = arith.constant 0 : i32
        %get3A_701 = tpu.memref_slice %arg10[%scan3A_540, %get3A_699, %get3A_700] : memref<4x64x128xf32, #tpu.memory_space<vmem>> -> memref<1x64x128xf32, #tpu.memory_space<vmem>>
        %get3A_702 = tpu.memref_squeeze %get3A_701 : memref<1x64x128xf32, #tpu.memory_space<vmem>> -> memref<64x128xf32, #tpu.memory_space<vmem>>
        %get3A_703 = arith.index_cast %add3A_677 : i32 to index
        %get3A_704 = arith.constant 16 : index
        %get3A_705 = tpu.vector_load %get3A_702[%get3A_703, %get3A_704] {strides = array<i32>} : memref<64x128xf32, #tpu.memory_space<vmem>>, vector<16xf32>,
        %mul3A_706 = arith.mulf %get3A_698, %get3A_705 : vector<16xf32>
        %add3A_707 = arith.addf %mul3A_691, %mul3A_706 : vector<16xf32>
        %get3A_708 = arith.constant 0 : i32
        %get3A_709 = arith.constant 0 : i32
        %get3A_710 = tpu.memref_slice %arg9[%scan3A_539, %get3A_708, %get3A_709] : memref<4x64x128xf32, #tpu.memory_space<vmem>> -> memref<1x64x128xf32, #tpu.memory_space<vmem>>
        %get3A_711 = tpu.memref_squeeze %get3A_710 : memref<1x64x128xf32, #tpu.memory_space<vmem>> -> memref<64x128xf32, #tpu.memory_space<vmem>>
        %get3A_712 = arith.index_cast %add3A_677 : i32 to index
        %get3A_713 = arith.constant 32 : index
        %get3A_714 = tpu.vector_load %get3A_711[%get3A_712, %get3A_713] {strides = array<i32>} : memref<64x128xf32, #tpu.memory_space<vmem>>, vector<16xf32>,
        %get3A_715 = arith.constant 0 : i32
        %get3A_716 = arith.constant 0 : i32
        %get3A_717 = tpu.memref_slice %arg10[%scan3A_540, %get3A_715, %get3A_716] : memref<4x64x128xf32, #tpu.memory_space<vmem>> -> memref<1x64x128xf32, #tpu.memory_space<vmem>>
        %get3A_718 = tpu.memref_squeeze %get3A_717 : memref<1x64x128xf32, #tpu.memory_space<vmem>> -> memref<64x128xf32, #tpu.memory_space<vmem>>
        %get3A_719 = arith.index_cast %add3A_677 : i32 to index
        %get3A_720 = arith.constant 32 : index
        %get3A_721 = tpu.vector_load %get3A_718[%get3A_719, %get3A_720] {strides = array<i32>} : memref<64x128xf32, #tpu.memory_space<vmem>>, vector<16xf32>,
        %mul3A_722 = arith.mulf %get3A_714, %get3A_721 : vector<16xf32>
        %add3A_723 = arith.addf %add3A_707, %mul3A_722 : vector<16xf32>
        %get3A_724 = arith.constant 0 : i32
        %get3A_725 = arith.constant 0 : i32
        %get3A_726 = tpu.memref_slice %arg9[%scan3A_539, %get3A_724, %get3A_725] : memref<4x64x128xf32, #tpu.memory_space<vmem>> -> memref<1x64x128xf32, #tpu.memory_space<vmem>>
        %get3A_727 = tpu.memref_squeeze %get3A_726 : memref<1x64x128xf32, #tpu.memory_space<vmem>> -> memref<64x128xf32, #tpu.memory_space<vmem>>
        %get3A_728 = arith.index_cast %add3A_677 : i32 to index
        %get3A_729 = arith.constant 48 : index
        %get3A_730 = tpu.vector_load %get3A_727[%get3A_728, %get3A_729] {strides = array<i32>} : memref<64x128xf32, #tpu.memory_space<vmem>>, vector<16xf32>,
        %get3A_731 = arith.constant 0 : i32
        %get3A_732 = arith.constant 0 : i32
        %get3A_733 = tpu.memref_slice %arg10[%scan3A_540, %get3A_731, %get3A_732] : memref<4x64x128xf32, #tpu.memory_space<vmem>> -> memref<1x64x128xf32, #tpu.memory_space<vmem>>
        %get3A_734 = tpu.memref_squeeze %get3A_733 : memref<1x64x128xf32, #tpu.memory_space<vmem>> -> memref<64x128xf32, #tpu.memory_space<vmem>>
        %get3A_735 = arith.index_cast %add3A_677 : i32 to index
        %get3A_736 = arith.constant 48 : index
        %get3A_737 = tpu.vector_load %get3A_734[%get3A_735, %get3A_736] {strides = array<i32>} : memref<64x128xf32, #tpu.memory_space<vmem>>, vector<16xf32>,
        %mul3A_738 = arith.mulf %get3A_730, %get3A_737 : vector<16xf32>
        %add3A_739 = arith.addf %add3A_723, %mul3A_738 : vector<16xf32>
        %get3A_740 = arith.constant 0 : i32
        %get3A_741 = arith.constant 0 : i32
        %get3A_742 = tpu.memref_slice %arg9[%scan3A_539, %get3A_740, %get3A_741] : memref<4x64x128xf32, #tpu.memory_space<vmem>> -> memref<1x64x128xf32, #tpu.memory_space<vmem>>
        %get3A_743 = tpu.memref_squeeze %get3A_742 : memref<1x64x128xf32, #tpu.memory_space<vmem>> -> memref<64x128xf32, #tpu.memory_space<vmem>>
        %get3A_744 = arith.index_cast %add3A_677 : i32 to index
        %get3A_745 = arith.constant 64 : index
        %get3A_746 = tpu.vector_load %get3A_743[%get3A_744, %get3A_745] {strides = array<i32>} : memref<64x128xf32, #tpu.memory_space<vmem>>, vector<16xf32>,
        %get3A_747 = arith.constant 0 : i32
        %get3A_748 = arith.constant 0 : i32
        %get3A_749 = tpu.memref_slice %arg10[%scan3A_540, %get3A_747, %get3A_748] : memref<4x64x128xf32, #tpu.memory_space<vmem>> -> memref<1x64x128xf32, #tpu.memory_space<vmem>>
        %get3A_750 = tpu.memref_squeeze %get3A_749 : memref<1x64x128xf32, #tpu.memory_space<vmem>> -> memref<64x128xf32, #tpu.memory_space<vmem>>
        %get3A_751 = arith.index_cast %add3A_677 : i32 to index
        %get3A_752 = arith.constant 64 : index
        %get3A_753 = tpu.vector_load %get3A_750[%get3A_751, %get3A_752] {strides = array<i32>} : memref<64x128xf32, #tpu.memory_space<vmem>>, vector<16xf32>,
        %mul3A_754 = arith.mulf %get3A_746, %get3A_753 : vector<16xf32>
        %add3A_755 = arith.addf %add3A_739, %mul3A_754 : vector<16xf32>
        %get3A_756 = arith.constant 0 : i32
        %get3A_757 = arith.constant 0 : i32
        %get3A_758 = tpu.memref_slice %arg9[%scan3A_539, %get3A_756, %get3A_757] : memref<4x64x128xf32, #tpu.memory_space<vmem>> -> memref<1x64x128xf32, #tpu.memory_space<vmem>>
        %get3A_759 = tpu.memref_squeeze %get3A_758 : memref<1x64x128xf32, #tpu.memory_space<vmem>> -> memref<64x128xf32, #tpu.memory_space<vmem>>
        %get3A_760 = arith.index_cast %add3A_677 : i32 to index
        %get3A_761 = arith.constant 80 : index
        %get3A_762 = tpu.vector_load %get3A_759[%get3A_760, %get3A_761] {strides = array<i32>} : memref<64x128xf32, #tpu.memory_space<vmem>>, vector<16xf32>,
        %get3A_763 = arith.constant 0 : i32
        %get3A_764 = arith.constant 0 : i32
        %get3A_765 = tpu.memref_slice %arg10[%scan3A_540, %get3A_763, %get3A_764] : memref<4x64x128xf32, #tpu.memory_space<vmem>> -> memref<1x64x128xf32, #tpu.memory_space<vmem>>
        %get3A_766 = tpu.memref_squeeze %get3A_765 : memref<1x64x128xf32, #tpu.memory_space<vmem>> -> memref<64x128xf32, #tpu.memory_space<vmem>>
        %get3A_767 = arith.index_cast %add3A_677 : i32 to index
        %get3A_768 = arith.constant 80 : index
        %get3A_769 = tpu.vector_load %get3A_766[%get3A_767, %get3A_768] {strides = array<i32>} : memref<64x128xf32, #tpu.memory_space<vmem>>, vector<16xf32>,
        %mul3A_770 = arith.mulf %get3A_762, %get3A_769 : vector<16xf32>
        %add3A_771 = arith.addf %add3A_755, %mul3A_770 : vector<16xf32>
        %get3A_772 = arith.constant 0 : i32
        %get3A_773 = arith.constant 0 : i32
        %get3A_774 = tpu.memref_slice %arg9[%scan3A_539, %get3A_772, %get3A_773] : memref<4x64x128xf32, #tpu.memory_space<vmem>> -> memref<1x64x128xf32, #tpu.memory_space<vmem>>
        %get3A_775 = tpu.memref_squeeze %get3A_774 : memref<1x64x128xf32, #tpu.memory_space<vmem>> -> memref<64x128xf32, #tpu.memory_space<vmem>>
        %get3A_776 = arith.index_cast %add3A_677 : i32 to index
        %get3A_777 = arith.constant 96 : index
        %get3A_778 = tpu.vector_load %get3A_775[%get3A_776, %get3A_777] {strides = array<i32>} : memref<64x128xf32, #tpu.memory_space<vmem>>, vector<16xf32>,
        %get3A_779 = arith.constant 0 : i32
        %get3A_780 = arith.constant 0 : i32
        %get3A_781 = tpu.memref_slice %arg10[%scan3A_540, %get3A_779, %get3A_780] : memref<4x64x128xf32, #tpu.memory_space<vmem>> -> memref<1x64x128xf32, #tpu.memory_space<vmem>>
        %get3A_782 = tpu.memref_squeeze %get3A_781 : memref<1x64x128xf32, #tpu.memory_space<vmem>> -> memref<64x128xf32, #tpu.memory_space<vmem>>
        %get3A_783 = arith.index_cast %add3A_677 : i32 to index
        %get3A_784 = arith.constant 96 : index
        %get3A_785 = tpu.vector_load %get3A_782[%get3A_783, %get3A_784] {strides = array<i32>} : memref<64x128xf32, #tpu.memory_space<vmem>>, vector<16xf32>,
        %mul3A_786 = arith.mulf %get3A_778, %get3A_785 : vector<16xf32>
        %add3A_787 = arith.addf %add3A_771, %mul3A_786 : vector<16xf32>
        %get3A_788 = arith.constant 0 : i32
        %get3A_789 = arith.constant 0 : i32
        %get3A_790 = tpu.memref_slice %arg9[%scan3A_539, %get3A_788, %get3A_789] : memref<4x64x128xf32, #tpu.memory_space<vmem>> -> memref<1x64x128xf32, #tpu.memory_space<vmem>>
        %get3A_791 = tpu.memref_squeeze %get3A_790 : memref<1x64x128xf32, #tpu.memory_space<vmem>> -> memref<64x128xf32, #tpu.memory_space<vmem>>
        %get3A_792 = arith.index_cast %add3A_677 : i32 to index
        %get3A_793 = arith.constant 112 : index
        %get3A_794 = tpu.vector_load %get3A_791[%get3A_792, %get3A_793] {strides = array<i32>} : memref<64x128xf32, #tpu.memory_space<vmem>>, vector<16xf32>,
        %get3A_795 = arith.constant 0 : i32
        %get3A_796 = arith.constant 0 : i32
        %get3A_797 = tpu.memref_slice %arg10[%scan3A_540, %get3A_795, %get3A_796] : memref<4x64x128xf32, #tpu.memory_space<vmem>> -> memref<1x64x128xf32, #tpu.memory_space<vmem>>
        %get3A_798 = tpu.memref_squeeze %get3A_797 : memref<1x64x128xf32, #tpu.memory_space<vmem>> -> memref<64x128xf32, #tpu.memory_space<vmem>>
        %get3A_799 = arith.index_cast %add3A_677 : i32 to index
        %get3A_800 = arith.constant 112 : index
        %get3A_801 = tpu.vector_load %get3A_798[%get3A_799, %get3A_800] {strides = array<i32>} : memref<64x128xf32, #tpu.memory_space<vmem>>, vector<16xf32>,
        %mul3A_802 = arith.mulf %get3A_794, %get3A_801 : vector<16xf32>
        %add3A_803 = arith.addf %add3A_787, %mul3A_802 : vector<16xf32>
        %eq3A = vector.broadcast %scan3A_673 : i32 to vector<16xi32>
        %eq3A_804 = arith.cmpi eq, %iota3A, %eq3A : vector<16xi32>
        %reduce_sum3A = arith.constant true
        %reduce_sum3A_805 = vector.broadcast %reduce_sum3A : i1 to vector<16xi1>
        %reduce_sum3A_806 = tpu.scan <sum>, %add3A_803 masked %reduce_sum3A_805 : vector<16xf32>, vector<16xi1> -> vector<16xf32>
        %reduce_sum3A_807 = vector.extract %reduce_sum3A_806[15] : f32 from vector<16xf32>
        %broadcast_in_dim3A_808 = vector.broadcast %reduce_sum3A_807 : f32 to vector<16xf32>
        %select_n3A = arith.select %eq3A_804, %broadcast_in_dim3A_808, %scan3A_674 : vector<16xi1>, vector<16xf32>
        scf.yield %select_n3A : vector<16xf32>
      }
      %scan3A_667 = arith.constant 16 : i32
      %mul3A_668 = arith.constant 16 : i32
      %mul3A_669 = arith.muli %scan3A_660, %mul3A_668 : i32
      %add3A_670 = arith.constant 384 : i32
      %add3A_671 = arith.addi %add3A_670, %mul3A_669 : i32
      %swap3A = arith.index_cast %add3A_671 : i32 to index
      %swap3A_672 = tpu.vector_load %arg11[%swap3A] {strides = array<i32>} : memref<512xf32, #tpu.memory_space<vmem>>, vector<16xf32>,
      tpu.vector_store %arg11[%swap3A], %scan3A_666 {strides = array<i32>} : memref<512xf32, #tpu.memory_space<vmem>>, vector<16xf32>,
    }
    %scan3A_545 = arith.constant 4 : i32
    %add3A_546 = arith.constant 384 : i32
    %add3A_547 = arith.addi %mul3A_2, %add3A_546 : i32
    %dma_start3A_548 = arith.constant 384 : i32
    %dma_start3A_549 = tpu.memref_slice %arg11[%dma_start3A_548] : memref<512xf32, #tpu.memory_space<vmem>> -> memref<64xf32, #tpu.memory_space<vmem>>
    %dma_start3A_550 = tpu.memref_slice %arg6[%add3A_547] : memref<16384xf32, #tpu.memory_space<hbm>> -> memref<64xf32, #tpu.memory_space<hbm>>
    %dma_start3A_551 = tpu.memref_slice %arg6[%add3A_547] : memref<16384xf32, #tpu.memory_space<hbm>> -> memref<64xf32, #tpu.memory_space<hbm>>
    %dma_start3A_552 = arith.constant 384 : i32
    %dma_start3A_553 = tpu.memref_slice %arg11[%dma_start3A_552] : memref<512xf32, #tpu.memory_space<vmem>> -> memref<64xf32, #tpu.memory_space<vmem>>
    tpu.enqueue_dma source(%dma_start3A_553 : memref<64xf32, #tpu.memory_space<vmem>>) target(%dma_start3A_551 : memref<64xf32, #tpu.memory_space<hbm>>) target_semaphore(%arg15 : memref<!tpu.dma_semaphore, #tpu.memory_space<semaphore_mem>>)
    %dma_wait3A_554 = arith.constant 3 : i32
    %dma_wait3A_555 = arith.constant 3 : i32
    %dma_wait3A_556 = arith.constant 0 : i32
    %dma_wait3A_557 = arith.constant 0 : i32
    %dma_wait3A_558 = tpu.memref_slice %arg9[%dma_wait3A_554, %dma_wait3A_556, %dma_wait3A_557] : memref<4x64x128xf32, #tpu.memory_space<vmem>> -> memref<1x64x128xf32, #tpu.memory_space<vmem>>
    %dma_wait3A_559 = tpu.memref_squeeze %dma_wait3A_558 : memref<1x64x128xf32, #tpu.memory_space<vmem>> -> memref<64x128xf32, #tpu.memory_space<vmem>>
    %dma_wait3A_560 = arith.constant 448 : i32
    %dma_wait3A_561 = tpu.memref_slice %arg7[%dma_wait3A_560] : memref<512xi32, #tpu.memory_space<vmem>> -> memref<64xi32, #tpu.memory_space<vmem>>
    %dma_wait3A_562 = arith.constant 0 : i32
    %dma_wait3A_563 = arith.constant 0 : i32
    %dma_wait3A_564 = tpu.memref_slice %arg4[%dma_wait3A_562, %dma_wait3A_563] : memref<1000000x128xf32, #tpu.memory_space<hbm>> -> memref<1000000x128xf32, #tpu.memory_space<hbm>>
    %dma_wait3A_565 = tpu.memref_slice %arg12[%dma_wait3A_555] : memref<4x!tpu.dma_semaphore, #tpu.memory_space<semaphore_mem>> -> memref<1x!tpu.dma_semaphore, #tpu.memory_space<semaphore_mem>>
    %dma_wait3A_566 = tpu.memref_squeeze %dma_wait3A_565 : memref<1x!tpu.dma_semaphore, #tpu.memory_space<semaphore_mem>> -> memref<!tpu.dma_semaphore, #tpu.memory_space<semaphore_mem>>
    tpu.wait_indirect_dma semaphore(%dma_wait3A_566 : memref<!tpu.dma_semaphore, #tpu.memory_space<semaphore_mem>>) src(%dma_wait3A_564 : memref<1000000x128xf32, #tpu.memory_space<hbm>>) dst(%dma_wait3A_559 : memref<64x128xf32, #tpu.memory_space<vmem>>)
    %dma_wait3A_567 = arith.constant 3 : i32
    %dma_wait3A_568 = arith.constant 3 : i32
    %dma_wait3A_569 = arith.constant 0 : i32
    %dma_wait3A_570 = arith.constant 0 : i32
    %dma_wait3A_571 = tpu.memref_slice %arg10[%dma_wait3A_567, %dma_wait3A_569, %dma_wait3A_570] : memref<4x64x128xf32, #tpu.memory_space<vmem>> -> memref<1x64x128xf32, #tpu.memory_space<vmem>>
    %dma_wait3A_572 = tpu.memref_squeeze %dma_wait3A_571 : memref<1x64x128xf32, #tpu.memory_space<vmem>> -> memref<64x128xf32, #tpu.memory_space<vmem>>
    %dma_wait3A_573 = arith.constant 448 : i32
    %dma_wait3A_574 = tpu.memref_slice %arg8[%dma_wait3A_573] : memref<512xi32, #tpu.memory_space<vmem>> -> memref<64xi32, #tpu.memory_space<vmem>>
    %dma_wait3A_575 = arith.constant 0 : i32
    %dma_wait3A_576 = arith.constant 0 : i32
    %dma_wait3A_577 = tpu.memref_slice %arg5[%dma_wait3A_575, %dma_wait3A_576] : memref<1000000x128xf32, #tpu.memory_space<hbm>> -> memref<1000000x128xf32, #tpu.memory_space<hbm>>
    %dma_wait3A_578 = tpu.memref_slice %arg13[%dma_wait3A_568] : memref<4x!tpu.dma_semaphore, #tpu.memory_space<semaphore_mem>> -> memref<1x!tpu.dma_semaphore, #tpu.memory_space<semaphore_mem>>
    %dma_wait3A_579 = tpu.memref_squeeze %dma_wait3A_578 : memref<1x!tpu.dma_semaphore, #tpu.memory_space<semaphore_mem>> -> memref<!tpu.dma_semaphore, #tpu.memory_space<semaphore_mem>>
    tpu.wait_indirect_dma semaphore(%dma_wait3A_579 : memref<!tpu.dma_semaphore, #tpu.memory_space<semaphore_mem>>) src(%dma_wait3A_577 : memref<1000000x128xf32, #tpu.memory_space<hbm>>) dst(%dma_wait3A_572 : memref<64x128xf32, #tpu.memory_space<vmem>>)
    %scan3A_580 = arith.constant 0 : i32
    %scan3A_581 = arith.constant 3 : i32
    %scan3A_582 = arith.constant 3 : i32
    %scan3A_583 = arith.constant 0 : i32
    %scan3A_584 = arith.constant 4 : i32
    %scan3A_585 = arith.addi %scan3A_583, %scan3A_584 : i32
    %scan3A_586 = arith.constant 1 : i32
    scf.for %scan3A_660 = %scan3A_583 to %scan3A_585 step %scan3A_586  : i32 {
      %broadcast_in_dim3A = arith.constant 0.000000e+00 : f32
      %broadcast_in_dim3A_661 = vector.broadcast %broadcast_in_dim3A : f32 to vector<16xf32>
      %scan3A_662 = arith.constant 0 : i32
      %scan3A_663 = arith.constant 16 : i32
      %scan3A_664 = arith.addi %scan3A_662, %scan3A_663 : i32
      %scan3A_665 = arith.constant 1 : i32
      %scan3A_666 = scf.for %scan3A_673 = %scan3A_662 to %scan3A_664 step %scan3A_665 iter_args(%scan3A_674 = %broadcast_in_dim3A_661) -> (vector<16xf32>)  : i32 {
        %mul3A_675 = arith.constant 16 : i32
        %mul3A_676 = arith.muli %scan3A_660, %mul3A_675 : i32
        %add3A_677 = arith.addi %mul3A_676, %scan3A_673 : i32
        %get3A = arith.constant 0 : i32
        %get3A_678 = arith.constant 0 : i32
        %get3A_679 = tpu.memref_slice %arg9[%scan3A_581, %get3A, %get3A_678] : memref<4x64x128xf32, #tpu.memory_space<vmem>> -> memref<1x64x128xf32, #tpu.memory_space<vmem>>
        %get3A_680 = tpu.memref_squeeze %get3A_679 : memref<1x64x128xf32, #tpu.memory_space<vmem>> -> memref<64x128xf32, #tpu.memory_space<vmem>>
        %get3A_681 = arith.index_cast %add3A_677 : i32 to index
        %get3A_682 = arith.constant 0 : index
        %get3A_683 = tpu.vector_load %get3A_680[%get3A_681, %get3A_682] {strides = array<i32>} : memref<64x128xf32, #tpu.memory_space<vmem>>, vector<16xf32>,
        %get3A_684 = arith.constant 0 : i32
        %get3A_685 = arith.constant 0 : i32
        %get3A_686 = tpu.memref_slice %arg10[%scan3A_582, %get3A_684, %get3A_685] : memref<4x64x128xf32, #tpu.memory_space<vmem>> -> memref<1x64x128xf32, #tpu.memory_space<vmem>>
        %get3A_687 = tpu.memref_squeeze %get3A_686 : memref<1x64x128xf32, #tpu.memory_space<vmem>> -> memref<64x128xf32, #tpu.memory_space<vmem>>
        %get3A_688 = arith.index_cast %add3A_677 : i32 to index
        %get3A_689 = arith.constant 0 : index
        %get3A_690 = tpu.vector_load %get3A_687[%get3A_688, %get3A_689] {strides = array<i32>} : memref<64x128xf32, #tpu.memory_space<vmem>>, vector<16xf32>,
        %mul3A_691 = arith.mulf %get3A_683, %get3A_690 : vector<16xf32>
        %get3A_692 = arith.constant 0 : i32
        %get3A_693 = arith.constant 0 : i32
        %get3A_694 = tpu.memref_slice %arg9[%scan3A_581, %get3A_692, %get3A_693] : memref<4x64x128xf32, #tpu.memory_space<vmem>> -> memref<1x64x128xf32, #tpu.memory_space<vmem>>
        %get3A_695 = tpu.memref_squeeze %get3A_694 : memref<1x64x128xf32, #tpu.memory_space<vmem>> -> memref<64x128xf32, #tpu.memory_space<vmem>>
        %get3A_696 = arith.index_cast %add3A_677 : i32 to index
        %get3A_697 = arith.constant 16 : index
        %get3A_698 = tpu.vector_load %get3A_695[%get3A_696, %get3A_697] {strides = array<i32>} : memref<64x128xf32, #tpu.memory_space<vmem>>, vector<16xf32>,
        %get3A_699 = arith.constant 0 : i32
        %get3A_700 = arith.constant 0 : i32
        %get3A_701 = tpu.memref_slice %arg10[%scan3A_582, %get3A_699, %get3A_700] : memref<4x64x128xf32, #tpu.memory_space<vmem>> -> memref<1x64x128xf32, #tpu.memory_space<vmem>>
        %get3A_702 = tpu.memref_squeeze %get3A_701 : memref<1x64x128xf32, #tpu.memory_space<vmem>> -> memref<64x128xf32, #tpu.memory_space<vmem>>
        %get3A_703 = arith.index_cast %add3A_677 : i32 to index
        %get3A_704 = arith.constant 16 : index
        %get3A_705 = tpu.vector_load %get3A_702[%get3A_703, %get3A_704] {strides = array<i32>} : memref<64x128xf32, #tpu.memory_space<vmem>>, vector<16xf32>,
        %mul3A_706 = arith.mulf %get3A_698, %get3A_705 : vector<16xf32>
        %add3A_707 = arith.addf %mul3A_691, %mul3A_706 : vector<16xf32>
        %get3A_708 = arith.constant 0 : i32
        %get3A_709 = arith.constant 0 : i32
        %get3A_710 = tpu.memref_slice %arg9[%scan3A_581, %get3A_708, %get3A_709] : memref<4x64x128xf32, #tpu.memory_space<vmem>> -> memref<1x64x128xf32, #tpu.memory_space<vmem>>
        %get3A_711 = tpu.memref_squeeze %get3A_710 : memref<1x64x128xf32, #tpu.memory_space<vmem>> -> memref<64x128xf32, #tpu.memory_space<vmem>>
        %get3A_712 = arith.index_cast %add3A_677 : i32 to index
        %get3A_713 = arith.constant 32 : index
        %get3A_714 = tpu.vector_load %get3A_711[%get3A_712, %get3A_713] {strides = array<i32>} : memref<64x128xf32, #tpu.memory_space<vmem>>, vector<16xf32>,
        %get3A_715 = arith.constant 0 : i32
        %get3A_716 = arith.constant 0 : i32
        %get3A_717 = tpu.memref_slice %arg10[%scan3A_582, %get3A_715, %get3A_716] : memref<4x64x128xf32, #tpu.memory_space<vmem>> -> memref<1x64x128xf32, #tpu.memory_space<vmem>>
        %get3A_718 = tpu.memref_squeeze %get3A_717 : memref<1x64x128xf32, #tpu.memory_space<vmem>> -> memref<64x128xf32, #tpu.memory_space<vmem>>
        %get3A_719 = arith.index_cast %add3A_677 : i32 to index
        %get3A_720 = arith.constant 32 : index
        %get3A_721 = tpu.vector_load %get3A_718[%get3A_719, %get3A_720] {strides = array<i32>} : memref<64x128xf32, #tpu.memory_space<vmem>>, vector<16xf32>,
        %mul3A_722 = arith.mulf %get3A_714, %get3A_721 : vector<16xf32>
        %add3A_723 = arith.addf %add3A_707, %mul3A_722 : vector<16xf32>
        %get3A_724 = arith.constant 0 : i32
        %get3A_725 = arith.constant 0 : i32
        %get3A_726 = tpu.memref_slice %arg9[%scan3A_581, %get3A_724, %get3A_725] : memref<4x64x128xf32, #tpu.memory_space<vmem>> -> memref<1x64x128xf32, #tpu.memory_space<vmem>>
        %get3A_727 = tpu.memref_squeeze %get3A_726 : memref<1x64x128xf32, #tpu.memory_space<vmem>> -> memref<64x128xf32, #tpu.memory_space<vmem>>
        %get3A_728 = arith.index_cast %add3A_677 : i32 to index
        %get3A_729 = arith.constant 48 : index
        %get3A_730 = tpu.vector_load %get3A_727[%get3A_728, %get3A_729] {strides = array<i32>} : memref<64x128xf32, #tpu.memory_space<vmem>>, vector<16xf32>,
        %get3A_731 = arith.constant 0 : i32
        %get3A_732 = arith.constant 0 : i32
        %get3A_733 = tpu.memref_slice %arg10[%scan3A_582, %get3A_731, %get3A_732] : memref<4x64x128xf32, #tpu.memory_space<vmem>> -> memref<1x64x128xf32, #tpu.memory_space<vmem>>
        %get3A_734 = tpu.memref_squeeze %get3A_733 : memref<1x64x128xf32, #tpu.memory_space<vmem>> -> memref<64x128xf32, #tpu.memory_space<vmem>>
        %get3A_735 = arith.index_cast %add3A_677 : i32 to index
        %get3A_736 = arith.constant 48 : index
        %get3A_737 = tpu.vector_load %get3A_734[%get3A_735, %get3A_736] {strides = array<i32>} : memref<64x128xf32, #tpu.memory_space<vmem>>, vector<16xf32>,
        %mul3A_738 = arith.mulf %get3A_730, %get3A_737 : vector<16xf32>
        %add3A_739 = arith.addf %add3A_723, %mul3A_738 : vector<16xf32>
        %get3A_740 = arith.constant 0 : i32
        %get3A_741 = arith.constant 0 : i32
        %get3A_742 = tpu.memref_slice %arg9[%scan3A_581, %get3A_740, %get3A_741] : memref<4x64x128xf32, #tpu.memory_space<vmem>> -> memref<1x64x128xf32, #tpu.memory_space<vmem>>
        %get3A_743 = tpu.memref_squeeze %get3A_742 : memref<1x64x128xf32, #tpu.memory_space<vmem>> -> memref<64x128xf32, #tpu.memory_space<vmem>>
        %get3A_744 = arith.index_cast %add3A_677 : i32 to index
        %get3A_745 = arith.constant 64 : index
        %get3A_746 = tpu.vector_load %get3A_743[%get3A_744, %get3A_745] {strides = array<i32>} : memref<64x128xf32, #tpu.memory_space<vmem>>, vector<16xf32>,
        %get3A_747 = arith.constant 0 : i32
        %get3A_748 = arith.constant 0 : i32
        %get3A_749 = tpu.memref_slice %arg10[%scan3A_582, %get3A_747, %get3A_748] : memref<4x64x128xf32, #tpu.memory_space<vmem>> -> memref<1x64x128xf32, #tpu.memory_space<vmem>>
        %get3A_750 = tpu.memref_squeeze %get3A_749 : memref<1x64x128xf32, #tpu.memory_space<vmem>> -> memref<64x128xf32, #tpu.memory_space<vmem>>
        %get3A_751 = arith.index_cast %add3A_677 : i32 to index
        %get3A_752 = arith.constant 64 : index
        %get3A_753 = tpu.vector_load %get3A_750[%get3A_751, %get3A_752] {strides = array<i32>} : memref<64x128xf32, #tpu.memory_space<vmem>>, vector<16xf32>,
        %mul3A_754 = arith.mulf %get3A_746, %get3A_753 : vector<16xf32>
        %add3A_755 = arith.addf %add3A_739, %mul3A_754 : vector<16xf32>
        %get3A_756 = arith.constant 0 : i32
        %get3A_757 = arith.constant 0 : i32
        %get3A_758 = tpu.memref_slice %arg9[%scan3A_581, %get3A_756, %get3A_757] : memref<4x64x128xf32, #tpu.memory_space<vmem>> -> memref<1x64x128xf32, #tpu.memory_space<vmem>>
        %get3A_759 = tpu.memref_squeeze %get3A_758 : memref<1x64x128xf32, #tpu.memory_space<vmem>> -> memref<64x128xf32, #tpu.memory_space<vmem>>
        %get3A_760 = arith.index_cast %add3A_677 : i32 to index
        %get3A_761 = arith.constant 80 : index
        %get3A_762 = tpu.vector_load %get3A_759[%get3A_760, %get3A_761] {strides = array<i32>} : memref<64x128xf32, #tpu.memory_space<vmem>>, vector<16xf32>,
        %get3A_763 = arith.constant 0 : i32
        %get3A_764 = arith.constant 0 : i32
        %get3A_765 = tpu.memref_slice %arg10[%scan3A_582, %get3A_763, %get3A_764] : memref<4x64x128xf32, #tpu.memory_space<vmem>> -> memref<1x64x128xf32, #tpu.memory_space<vmem>>
        %get3A_766 = tpu.memref_squeeze %get3A_765 : memref<1x64x128xf32, #tpu.memory_space<vmem>> -> memref<64x128xf32, #tpu.memory_space<vmem>>
        %get3A_767 = arith.index_cast %add3A_677 : i32 to index
        %get3A_768 = arith.constant 80 : index
        %get3A_769 = tpu.vector_load %get3A_766[%get3A_767, %get3A_768] {strides = array<i32>} : memref<64x128xf32, #tpu.memory_space<vmem>>, vector<16xf32>,
        %mul3A_770 = arith.mulf %get3A_762, %get3A_769 : vector<16xf32>
        %add3A_771 = arith.addf %add3A_755, %mul3A_770 : vector<16xf32>
        %get3A_772 = arith.constant 0 : i32
        %get3A_773 = arith.constant 0 : i32
        %get3A_774 = tpu.memref_slice %arg9[%scan3A_581, %get3A_772, %get3A_773] : memref<4x64x128xf32, #tpu.memory_space<vmem>> -> memref<1x64x128xf32, #tpu.memory_space<vmem>>
        %get3A_775 = tpu.memref_squeeze %get3A_774 : memref<1x64x128xf32, #tpu.memory_space<vmem>> -> memref<64x128xf32, #tpu.memory_space<vmem>>
        %get3A_776 = arith.index_cast %add3A_677 : i32 to index
        %get3A_777 = arith.constant 96 : index
        %get3A_778 = tpu.vector_load %get3A_775[%get3A_776, %get3A_777] {strides = array<i32>} : memref<64x128xf32, #tpu.memory_space<vmem>>, vector<16xf32>,
        %get3A_779 = arith.constant 0 : i32
        %get3A_780 = arith.constant 0 : i32
        %get3A_781 = tpu.memref_slice %arg10[%scan3A_582, %get3A_779, %get3A_780] : memref<4x64x128xf32, #tpu.memory_space<vmem>> -> memref<1x64x128xf32, #tpu.memory_space<vmem>>
        %get3A_782 = tpu.memref_squeeze %get3A_781 : memref<1x64x128xf32, #tpu.memory_space<vmem>> -> memref<64x128xf32, #tpu.memory_space<vmem>>
        %get3A_783 = arith.index_cast %add3A_677 : i32 to index
        %get3A_784 = arith.constant 96 : index
        %get3A_785 = tpu.vector_load %get3A_782[%get3A_783, %get3A_784] {strides = array<i32>} : memref<64x128xf32, #tpu.memory_space<vmem>>, vector<16xf32>,
        %mul3A_786 = arith.mulf %get3A_778, %get3A_785 : vector<16xf32>
        %add3A_787 = arith.addf %add3A_771, %mul3A_786 : vector<16xf32>
        %get3A_788 = arith.constant 0 : i32
        %get3A_789 = arith.constant 0 : i32
        %get3A_790 = tpu.memref_slice %arg9[%scan3A_581, %get3A_788, %get3A_789] : memref<4x64x128xf32, #tpu.memory_space<vmem>> -> memref<1x64x128xf32, #tpu.memory_space<vmem>>
        %get3A_791 = tpu.memref_squeeze %get3A_790 : memref<1x64x128xf32, #tpu.memory_space<vmem>> -> memref<64x128xf32, #tpu.memory_space<vmem>>
        %get3A_792 = arith.index_cast %add3A_677 : i32 to index
        %get3A_793 = arith.constant 112 : index
        %get3A_794 = tpu.vector_load %get3A_791[%get3A_792, %get3A_793] {strides = array<i32>} : memref<64x128xf32, #tpu.memory_space<vmem>>, vector<16xf32>,
        %get3A_795 = arith.constant 0 : i32
        %get3A_796 = arith.constant 0 : i32
        %get3A_797 = tpu.memref_slice %arg10[%scan3A_582, %get3A_795, %get3A_796] : memref<4x64x128xf32, #tpu.memory_space<vmem>> -> memref<1x64x128xf32, #tpu.memory_space<vmem>>
        %get3A_798 = tpu.memref_squeeze %get3A_797 : memref<1x64x128xf32, #tpu.memory_space<vmem>> -> memref<64x128xf32, #tpu.memory_space<vmem>>
        %get3A_799 = arith.index_cast %add3A_677 : i32 to index
        %get3A_800 = arith.constant 112 : index
        %get3A_801 = tpu.vector_load %get3A_798[%get3A_799, %get3A_800] {strides = array<i32>} : memref<64x128xf32, #tpu.memory_space<vmem>>, vector<16xf32>,
        %mul3A_802 = arith.mulf %get3A_794, %get3A_801 : vector<16xf32>
        %add3A_803 = arith.addf %add3A_787, %mul3A_802 : vector<16xf32>
        %eq3A = vector.broadcast %scan3A_673 : i32 to vector<16xi32>
        %eq3A_804 = arith.cmpi eq, %iota3A, %eq3A : vector<16xi32>
        %reduce_sum3A = arith.constant true
        %reduce_sum3A_805 = vector.broadcast %reduce_sum3A : i1 to vector<16xi1>
        %reduce_sum3A_806 = tpu.scan <sum>, %add3A_803 masked %reduce_sum3A_805 : vector<16xf32>, vector<16xi1> -> vector<16xf32>
        %reduce_sum3A_807 = vector.extract %reduce_sum3A_806[15] : f32 from vector<16xf32>
        %broadcast_in_dim3A_808 = vector.broadcast %reduce_sum3A_807 : f32 to vector<16xf32>
        %select_n3A = arith.select %eq3A_804, %broadcast_in_dim3A_808, %scan3A_674 : vector<16xi1>, vector<16xf32>
        scf.yield %select_n3A : vector<16xf32>
      }
      %scan3A_667 = arith.constant 16 : i32
      %mul3A_668 = arith.constant 16 : i32
      %mul3A_669 = arith.muli %scan3A_660, %mul3A_668 : i32
      %add3A_670 = arith.constant 448 : i32
      %add3A_671 = arith.addi %add3A_670, %mul3A_669 : i32
      %swap3A = arith.index_cast %add3A_671 : i32 to index
      %swap3A_672 = tpu.vector_load %arg11[%swap3A] {strides = array<i32>} : memref<512xf32, #tpu.memory_space<vmem>>, vector<16xf32>,
      tpu.vector_store %arg11[%swap3A], %scan3A_666 {strides = array<i32>} : memref<512xf32, #tpu.memory_space<vmem>>, vector<16xf32>,
    }
    %scan3A_587 = arith.constant 4 : i32
    %add3A_588 = arith.constant 448 : i32
    %add3A_589 = arith.addi %mul3A_2, %add3A_588 : i32
    %dma_start3A_590 = arith.constant 448 : i32
    %dma_start3A_591 = tpu.memref_slice %arg11[%dma_start3A_590] : memref<512xf32, #tpu.memory_space<vmem>> -> memref<64xf32, #tpu.memory_space<vmem>>
    %dma_start3A_592 = tpu.memref_slice %arg6[%add3A_589] : memref<16384xf32, #tpu.memory_space<hbm>> -> memref<64xf32, #tpu.memory_space<hbm>>
    %dma_start3A_593 = tpu.memref_slice %arg6[%add3A_589] : memref<16384xf32, #tpu.memory_space<hbm>> -> memref<64xf32, #tpu.memory_space<hbm>>
    %dma_start3A_594 = arith.constant 448 : i32
    %dma_start3A_595 = tpu.memref_slice %arg11[%dma_start3A_594] : memref<512xf32, #tpu.memory_space<vmem>> -> memref<64xf32, #tpu.memory_space<vmem>>
    tpu.enqueue_dma source(%dma_start3A_595 : memref<64xf32, #tpu.memory_space<vmem>>) target(%dma_start3A_593 : memref<64xf32, #tpu.memory_space<hbm>>) target_semaphore(%arg15 : memref<!tpu.dma_semaphore, #tpu.memory_space<semaphore_mem>>)
    %add3A_596 = arith.constant 0 : i32
    %add3A_597 = arith.addi %mul3A_2, %add3A_596 : i32
    %dma_wait3A_598 = arith.constant 0 : i32
    %dma_wait3A_599 = tpu.memref_slice %arg11[%dma_wait3A_598] : memref<512xf32, #tpu.memory_space<vmem>> -> memref<64xf32, #tpu.memory_space<vmem>>
    %dma_wait3A_600 = tpu.memref_slice %arg6[%add3A_597] : memref<16384xf32, #tpu.memory_space<hbm>> -> memref<64xf32, #tpu.memory_space<hbm>>
    %dma_wait3A_601 = tpu.memref_slice %arg6[%add3A_597] : memref<16384xf32, #tpu.memory_space<hbm>> -> memref<64xf32, #tpu.memory_space<hbm>>
    %dma_wait3A_602 = arith.constant 0 : i32
    %dma_wait3A_603 = tpu.memref_slice %arg11[%dma_wait3A_602] : memref<512xf32, #tpu.memory_space<vmem>> -> memref<64xf32, #tpu.memory_space<vmem>>
    tpu.wait_dma2 semaphore(%arg15 : memref<!tpu.dma_semaphore, #tpu.memory_space<semaphore_mem>>) src(%dma_wait3A_603 : memref<64xf32, #tpu.memory_space<vmem>>) dst(%dma_wait3A_601 : memref<64xf32, #tpu.memory_space<hbm>>)
    %add3A_604 = arith.constant 64 : i32
    %add3A_605 = arith.addi %mul3A_2, %add3A_604 : i32
    %dma_wait3A_606 = arith.constant 64 : i32
    %dma_wait3A_607 = tpu.memref_slice %arg11[%dma_wait3A_606] : memref<512xf32, #tpu.memory_space<vmem>> -> memref<64xf32, #tpu.memory_space<vmem>>
    %dma_wait3A_608 = tpu.memref_slice %arg6[%add3A_605] : memref<16384xf32, #tpu.memory_space<hbm>> -> memref<64xf32, #tpu.memory_space<hbm>>
    %dma_wait3A_609 = tpu.memref_slice %arg6[%add3A_605] : memref<16384xf32, #tpu.memory_space<hbm>> -> memref<64xf32, #tpu.memory_space<hbm>>
    %dma_wait3A_610 = arith.constant 64 : i32
    %dma_wait3A_611 = tpu.memref_slice %arg11[%dma_wait3A_610] : memref<512xf32, #tpu.memory_space<vmem>> -> memref<64xf32, #tpu.memory_space<vmem>>
    tpu.wait_dma2 semaphore(%arg15 : memref<!tpu.dma_semaphore, #tpu.memory_space<semaphore_mem>>) src(%dma_wait3A_611 : memref<64xf32, #tpu.memory_space<vmem>>) dst(%dma_wait3A_609 : memref<64xf32, #tpu.memory_space<hbm>>)
    %add3A_612 = arith.constant 128 : i32
    %add3A_613 = arith.addi %mul3A_2, %add3A_612 : i32
    %dma_wait3A_614 = arith.constant 128 : i32
    %dma_wait3A_615 = tpu.memref_slice %arg11[%dma_wait3A_614] : memref<512xf32, #tpu.memory_space<vmem>> -> memref<64xf32, #tpu.memory_space<vmem>>
    %dma_wait3A_616 = tpu.memref_slice %arg6[%add3A_613] : memref<16384xf32, #tpu.memory_space<hbm>> -> memref<64xf32, #tpu.memory_space<hbm>>
    %dma_wait3A_617 = tpu.memref_slice %arg6[%add3A_613] : memref<16384xf32, #tpu.memory_space<hbm>> -> memref<64xf32, #tpu.memory_space<hbm>>
    %dma_wait3A_618 = arith.constant 128 : i32
    %dma_wait3A_619 = tpu.memref_slice %arg11[%dma_wait3A_618] : memref<512xf32, #tpu.memory_space<vmem>> -> memref<64xf32, #tpu.memory_space<vmem>>
    tpu.wait_dma2 semaphore(%arg15 : memref<!tpu.dma_semaphore, #tpu.memory_space<semaphore_mem>>) src(%dma_wait3A_619 : memref<64xf32, #tpu.memory_space<vmem>>) dst(%dma_wait3A_617 : memref<64xf32, #tpu.memory_space<hbm>>)
    %add3A_620 = arith.constant 192 : i32
    %add3A_621 = arith.addi %mul3A_2, %add3A_620 : i32
    %dma_wait3A_622 = arith.constant 192 : i32
    %dma_wait3A_623 = tpu.memref_slice %arg11[%dma_wait3A_622] : memref<512xf32, #tpu.memory_space<vmem>> -> memref<64xf32, #tpu.memory_space<vmem>>
    %dma_wait3A_624 = tpu.memref_slice %arg6[%add3A_621] : memref<16384xf32, #tpu.memory_space<hbm>> -> memref<64xf32, #tpu.memory_space<hbm>>
    %dma_wait3A_625 = tpu.memref_slice %arg6[%add3A_621] : memref<16384xf32, #tpu.memory_space<hbm>> -> memref<64xf32, #tpu.memory_space<hbm>>
    %dma_wait3A_626 = arith.constant 192 : i32
    %dma_wait3A_627 = tpu.memref_slice %arg11[%dma_wait3A_626] : memref<512xf32, #tpu.memory_space<vmem>> -> memref<64xf32, #tpu.memory_space<vmem>>
    tpu.wait_dma2 semaphore(%arg15 : memref<!tpu.dma_semaphore, #tpu.memory_space<semaphore_mem>>) src(%dma_wait3A_627 : memref<64xf32, #tpu.memory_space<vmem>>) dst(%dma_wait3A_625 : memref<64xf32, #tpu.memory_space<hbm>>)
    %add3A_628 = arith.constant 256 : i32
    %add3A_629 = arith.addi %mul3A_2, %add3A_628 : i32
    %dma_wait3A_630 = arith.constant 256 : i32
    %dma_wait3A_631 = tpu.memref_slice %arg11[%dma_wait3A_630] : memref<512xf32, #tpu.memory_space<vmem>> -> memref<64xf32, #tpu.memory_space<vmem>>
    %dma_wait3A_632 = tpu.memref_slice %arg6[%add3A_629] : memref<16384xf32, #tpu.memory_space<hbm>> -> memref<64xf32, #tpu.memory_space<hbm>>
    %dma_wait3A_633 = tpu.memref_slice %arg6[%add3A_629] : memref<16384xf32, #tpu.memory_space<hbm>> -> memref<64xf32, #tpu.memory_space<hbm>>
    %dma_wait3A_634 = arith.constant 256 : i32
    %dma_wait3A_635 = tpu.memref_slice %arg11[%dma_wait3A_634] : memref<512xf32, #tpu.memory_space<vmem>> -> memref<64xf32, #tpu.memory_space<vmem>>
    tpu.wait_dma2 semaphore(%arg15 : memref<!tpu.dma_semaphore, #tpu.memory_space<semaphore_mem>>) src(%dma_wait3A_635 : memref<64xf32, #tpu.memory_space<vmem>>) dst(%dma_wait3A_633 : memref<64xf32, #tpu.memory_space<hbm>>)
    %add3A_636 = arith.constant 320 : i32
    %add3A_637 = arith.addi %mul3A_2, %add3A_636 : i32
    %dma_wait3A_638 = arith.constant 320 : i32
    %dma_wait3A_639 = tpu.memref_slice %arg11[%dma_wait3A_638] : memref<512xf32, #tpu.memory_space<vmem>> -> memref<64xf32, #tpu.memory_space<vmem>>
    %dma_wait3A_640 = tpu.memref_slice %arg6[%add3A_637] : memref<16384xf32, #tpu.memory_space<hbm>> -> memref<64xf32, #tpu.memory_space<hbm>>
    %dma_wait3A_641 = tpu.memref_slice %arg6[%add3A_637] : memref<16384xf32, #tpu.memory_space<hbm>> -> memref<64xf32, #tpu.memory_space<hbm>>
    %dma_wait3A_642 = arith.constant 320 : i32
    %dma_wait3A_643 = tpu.memref_slice %arg11[%dma_wait3A_642] : memref<512xf32, #tpu.memory_space<vmem>> -> memref<64xf32, #tpu.memory_space<vmem>>
    tpu.wait_dma2 semaphore(%arg15 : memref<!tpu.dma_semaphore, #tpu.memory_space<semaphore_mem>>) src(%dma_wait3A_643 : memref<64xf32, #tpu.memory_space<vmem>>) dst(%dma_wait3A_641 : memref<64xf32, #tpu.memory_space<hbm>>)
    %add3A_644 = arith.constant 384 : i32
    %add3A_645 = arith.addi %mul3A_2, %add3A_644 : i32
    %dma_wait3A_646 = arith.constant 384 : i32
    %dma_wait3A_647 = tpu.memref_slice %arg11[%dma_wait3A_646] : memref<512xf32, #tpu.memory_space<vmem>> -> memref<64xf32, #tpu.memory_space<vmem>>
    %dma_wait3A_648 = tpu.memref_slice %arg6[%add3A_645] : memref<16384xf32, #tpu.memory_space<hbm>> -> memref<64xf32, #tpu.memory_space<hbm>>
    %dma_wait3A_649 = tpu.memref_slice %arg6[%add3A_645] : memref<16384xf32, #tpu.memory_space<hbm>> -> memref<64xf32, #tpu.memory_space<hbm>>
    %dma_wait3A_650 = arith.constant 384 : i32
    %dma_wait3A_651 = tpu.memref_slice %arg11[%dma_wait3A_650] : memref<512xf32, #tpu.memory_space<vmem>> -> memref<64xf32, #tpu.memory_space<vmem>>
    tpu.wait_dma2 semaphore(%arg15 : memref<!tpu.dma_semaphore, #tpu.memory_space<semaphore_mem>>) src(%dma_wait3A_651 : memref<64xf32, #tpu.memory_space<vmem>>) dst(%dma_wait3A_649 : memref<64xf32, #tpu.memory_space<hbm>>)
    %add3A_652 = arith.constant 448 : i32
    %add3A_653 = arith.addi %mul3A_2, %add3A_652 : i32
    %dma_wait3A_654 = arith.constant 448 : i32
    %dma_wait3A_655 = tpu.memref_slice %arg11[%dma_wait3A_654] : memref<512xf32, #tpu.memory_space<vmem>> -> memref<64xf32, #tpu.memory_space<vmem>>
    %dma_wait3A_656 = tpu.memref_slice %arg6[%add3A_653] : memref<16384xf32, #tpu.memory_space<hbm>> -> memref<64xf32, #tpu.memory_space<hbm>>
    %dma_wait3A_657 = tpu.memref_slice %arg6[%add3A_653] : memref<16384xf32, #tpu.memory_space<hbm>> -> memref<64xf32, #tpu.memory_space<hbm>>
    %dma_wait3A_658 = arith.constant 448 : i32
    %dma_wait3A_659 = tpu.memref_slice %arg11[%dma_wait3A_658] : memref<512xf32, #tpu.memory_space<vmem>> -> memref<64xf32, #tpu.memory_space<vmem>>
    tpu.wait_dma2 semaphore(%arg15 : memref<!tpu.dma_semaphore, #tpu.memory_space<semaphore_mem>>) src(%dma_wait3A_659 : memref<64xf32, #tpu.memory_space<vmem>>) dst(%dma_wait3A_657 : memref<64xf32, #tpu.memory_space<hbm>>)
    return
  }
}

</mosaic_0001>

<sc_bundles>
// kernel: kernel.3.cloned.1.call-start
scs
__scs_entry_jumppad:
0x0: {  	(pc) =	sbr.rel $0x88, $3  }
0x1: {  	(tag) =	ssettag $0x0;
	lr =	simm.s32 $0x1  }
0x2: {  	[smem:$0x3F9D] =	sst lr;
	_ =	strace $0xD0000000  }
0x3: {  	_ = 	snop  }
0x4: {  	_ = 	snop  }
0x5: {  	_ = 	snop  }
0x6: {  	_ = 	snop  }
0x7: {  	_ = 	snop  }
__scs_overlays_trampoline_lowered:
0x8: {  	[smem:$0x3FAC] =	sst s0  }
0x9: {  	[smem:$0x3FAD] =	sst s1  }
0xa: {  	[smem:$0x3FAE] =	sst s2  }
0xb: {  	[smem:$0x3FAF] =	sst s3  }
0xc: {  	[smem:$0x3FB0] =	sst s4  }
0xd: {  	[smem:$0x3FB1] =	sst s5  }
0xe: {  	[smem:$0x3FB2] =	sst s6  }
0xf: {  	[smem:$0x3FB3] =	sst s7  }
0x10: {  	[smem:$0x3FB4] =	sst s8  }
0x11: {  	[smem:$0x3FB5] =	sst s9;
	s0 =	simm.s32 @!p0 $0x0  }
0x12: {  	s1 =	sld [smem:$0x3F9B];
	s0 =	simm.s32 @p0 $0x1  }
0x13: {  	[smem:$0x3FB6] =	sst s0;
	s0 =	simm.s32 @!p1 $0x0  }
0x14: {  	s2 =	sld [smem:$0x3F9A];
	s0 =	simm.s32 @p1 $0x1  }
0x15: {  	[smem:$0x3FB7] =	sst s0;
	s0 =	simm.s32 @!p2 $0x0  }
0x16: {  	s3 =	sld [smem:$0x3FDB];
	s0 =	simm.s32 @p2 $0x1  }
0x17: {  	s4 =	simm.s32 $0x1BF5;
	[smem:$0x3FB9] =	sst s0  }
0x18: {  	s0 =	sld [smem:$0x3F9C];
	_ =	swait.ge [sflag:s4], $0x0  }
0x19: {  	s7 =	sld [smem:$0x3F9D]  }
0x1a: {  	s8 =	sadd.s32 $0xFFFFE003, lr  }
0x1b: {  	s9 =	sadd.s32 $0xFFFFFEF7, lr;
	s5 =	simm.s32 $0xFFFFFFFF;
	p2 =	slt.u32 s8, $0xFFFFF086  }
0x1c: {  	p1 =	slt.u32 s9, $0xF7A;
	s5 =	simm.s32 @!p2 $0x0  }
0x1d: {  	s5 =	simm.s32 @p1 $0x1;
	p0 =	seq.s32 s7, s2  }
0x1e: {  	s7 =	smul.u32 @!p0 $0xF7A, s2;
	p2 =	seq.s32 @!p0 s5, $0x0  }
0x1f: {  	s9 =	smul.u32 $0xF7A, s1;
	s8 =	simm.s32 @!p0 $0x1BF5;
	p2 =	por !p2, p0  }
0x20: {  	[sflag:s8] =	ssyncset.s32 @!p0 $0xFFFFF086;
	s6 =	sadd.s32 @!p0 s3, s7;
	s7 =	simm.s32 @!p0 $0x108  }
0x21: {  	s3 =	sadd.s32 s3, s9;
	s6 =	sadd.s32 @!p0 $0x88, s6;
	s7 =	simm.s32 @p2 $0x1082  }
0x22: {  	[simem:s7], [sflag:s8] =	dma.local @!p0 [hbm:s6], $0xF7A  }
0x23: {  	s9 =	sor.u32 $0xD0000000, s2;
	s6 =	simm.s32 $0x108;
	_ =	swait.ge @!p0 [sflag:s8], $0x0  }
0x24: {  	s3 =	sadd.s32 $0x88, s3;
	s6 =	simm.s32 @!p1 $0x1082;
	[sflag:s4] =	ssyncset.s32 $0xFFFFF086  }
0x25: {  	[simem:s6], [sflag:s4] =	dma.local [hbm:s3], $0xF7A  }
0x26: {  	[smem:$0x3F9D] =	sst s1;
	(tag) =	ssettag s2;
	_ =	strace s9  }
0x27: {  	s1 =	sld [smem:$0x3FAD]  }
0x28: {  	s2 =	sld [smem:$0x3FAE]  }
0x29: {  	s4 =	sld [smem:$0x3FB0]  }
0x2a: {  	p0 =	seq.s32 s5, $0x0;
	s5 =	sld [smem:$0x3FB1]  }
0x2b: {  	s6 =	sld [smem:$0x3FB2]  }
0x2c: {  	s7 =	sld [smem:$0x3FB3]  }
0x2d: {  	s3 =	simm.s32 $0x108;
	s8 =	sld [smem:$0x3FB4]  }
0x2e: {  	s3 =	simm.s32 @!p0 $0x1082;
	s9 =	sld [smem:$0x3FB5]  }
0x2f: {  	lr =	sadd.s32 s0, s3;
	s0 =	sld [smem:$0x3FAC]  }
0x30: {  	s3 =	sld [smem:$0x3FAF]  }
0x31: {  	[smem:$0x3FB8] =	sst s10  }
0x32: {  	s10 =	sld [smem:$0x3FB6];
	_ =	sdelay $0x3  }
0x33: {  	p0 =	seq.s32 s10, $0x1;
	s10 =	sld [smem:$0x3FB8];
	_ =	sdelay $0x3  }
0x34: {  	[smem:$0x3FB8] =	sst s10  }
0x35: {  	s10 =	sld [smem:$0x3FB7];
	_ =	sdelay $0x3  }
0x36: {  	p1 =	seq.s32 s10, $0x1;
	s10 =	sld [smem:$0x3FB8];
	_ =	sdelay $0x3  }
0x37: {  	[smem:$0x3FB8] =	sst s10  }
0x38: {  	s10 =	sld [smem:$0x3FB9]  }
0x39: {  	_ = 	snop;
	(pc) =	sbr.ind lr, $3  }
0x3a: {  	_ = 	snop  }
0x3b: {  	_ = 	snop  }
0x3c: {  	p2 =	seq.s32 s10, $0x1;
	s10 =	sld [smem:$0x3FB8]  }
0x3d: {  	_ =	shalt  }
0x3e: {  	_ =	shalt  }
0x3f: {  	_ =	shalt  }
0x40: {  	_ =	shalt  }
0x41: {  	_ =	shalt  }
0x42: {  	_ =	shalt  }
0x43: {  	_ =	shalt  }
0x44: {  	_ =	shalt  }
0x45: {  	_ =	shalt  }
0x46: {  	_ =	shalt  }
0x47: {  	_ =	shalt  }
0x48: {  	_ =	shalt  }
0x49: {  	_ =	shalt  }
0x4a: {  	_ =	shalt  }
0x4b: {  	_ =	shalt  }
0x4c: {  	_ =	shalt  }
0x4d: {  	_ =	shalt  }
0x4e: {  	_ =	shalt  }
0x4f: {  	_ =	shalt  }
0x50: {  	_ =	shalt  }
0x51: {  	_ =	shalt  }
0x52: {  	_ =	shalt  }
0x53: {  	_ =	shalt  }
0x54: {  	_ =	shalt  }
0x55: {  	_ =	shalt  }
0x56: {  	_ =	shalt  }
0x57: {  	_ =	shalt  }
0x58: {  	_ =	shalt  }
0x59: {  	_ =	shalt  }
0x5a: {  	_ =	shalt  }
0x5b: {  	_ =	shalt  }
0x5c: {  	_ =	shalt  }
0x5d: {  	_ =	shalt  }
0x5e: {  	_ =	shalt  }
0x5f: {  	_ =	shalt  }
0x60: {  	_ =	shalt  }
0x61: {  	_ =	shalt  }
0x62: {  	_ =	shalt  }
0x63: {  	_ =	shalt  }
0x64: {  	_ =	shalt  }
0x65: {  	_ =	shalt  }
0x66: {  	_ =	shalt  }
0x67: {  	_ =	shalt  }
0x68: {  	_ =	shalt  }
0x69: {  	_ =	shalt  }
0x6a: {  	_ =	shalt  }
0x6b: {  	_ =	shalt  }
0x6c: {  	_ =	shalt  }
0x6d: {  	_ =	shalt  }
0x6e: {  	_ =	shalt  }
0x6f: {  	_ =	shalt  }
0x70: {  	_ =	shalt  }
0x71: {  	_ =	shalt  }
0x72: {  	_ =	shalt  }
0x73: {  	_ =	shalt  }
0x74: {  	_ =	shalt  }
0x75: {  	_ =	shalt  }
0x76: {  	_ =	shalt  }
0x77: {  	_ =	shalt  }
0x78: {  	_ =	shalt  }
0x79: {  	_ =	shalt  }
0x7a: {  	_ =	shalt  }
0x7b: {  	_ =	shalt  }
0x7c: {  	_ =	shalt  }
0x7d: {  	_ =	shalt  }
0x7e: {  	_ =	shalt  }
0x7f: {  	_ =	shalt  }
0x80: {  	_ =	shalt  }
0x81: {  	_ =	shalt  }
0x82: {  	_ =	shalt  }
0x83: {  	_ =	shalt  }
0x84: {  	_ =	shalt  }
0x85: {  	_ =	shalt  }
0x86: {  	_ =	shalt  }
0x87: {  	_ =	shalt  }
.Lfunc_end0:
.L_simem_size_0:
called_computation_lowered:
.L_overlay_start_0:
0x88: {  	s2 =	sld [smem:$0x3FD9]  }
0x89: {  	s3 =	sld [smem:$0x3FFE];
	_ =	sdelay $0x1  }
0x8a: {  	s1 =	srdreg.scid  }
0x8b: {  	s0 =	sand.u32 $0x1, s1  }
0x8c: {  	s18 =	sshll.u32 s0, $0xA;
	s2 =	sadd.s32 s3, s2  }
0x8d: {  	s2 =	sadd.s32 s2, s18  }
0x8e: {  	[smem:$0x3FC4] =	sst s2  }
0x8f: {  	_ = 	snop  }
0x90: {  	s2 =	sld [smem:$0x3FC9]  }
0x91: {  	s19 =	sld [smem:$0x3FC8]  }
0x92: {  	s4 =	sld [smem:$0x3FC7]  }
0x93: {  	s5 =	sld [smem:$0x3FC6]  }
0x94: {  	s6 =	sld [smem:$0x3FD0];
	(tm) =	ssettm $0x1  }
0x95: {  	s7 =	sld [smem:$0x3FFB];
	_ =	sdelay $0x3  }
0x96: {  	_ =	strace s7  }
0x97: {  	s7 =	sld [smem:$0x3FFC];
	_ =	sdelay $0x3  }
0x98: {  	_ =	strace s7  }
0x99: {  	s7 =	sld [smem:$0x3FFD];
	_ =	sdelay $0x3  }
0x9a: {  	_ =	strace s7  }
0x9b: {  	_ =	strace $0x8FFFFFFF  }
0x9c: {  	s20 =	sld [smem:$0x3FDB];
	_ =	sdelay $0x1  }
0x9d: {  	s8 =	simm.s32 $_scs_section_size  }
0x9e: {  	s9 =	simm.s32 $_size__tile_overlayer_lowered;
	s10 =	simm.s32 $_tile_overlayer_lowered  }
0x9f: {  	s23 =	simm.s32 $0x1BFF;
	s22 =	sshll.u32 s10, $0x1;
	s7 =	sadd.s32 s8, s20  }
0xa0: {  	s11 =	simm.s32 $0x0;
	s21 =	sshll.u32 s9, $0x1;
	s9 =	sadd.s32 s22, s7  }
0xa1: {  	[timem:s11], [sflag:s23] =	dma.local [hbm:s9], s21  }
0xa2: {  	_ =	swait.ge [sflag:s23], s21  }
0xa3: {  	s8 =	ssub.s32 $0x0, s21;
	[sflag:s23] =	ssyncset.done $0x0  }
0xa4: {  	[sflag:s23] =	ssyncadd.s32 s8;
	_ =	sdelay $0x1  }
0xa5: {  	s24 =	simm.s32 $0x1B8B  }
0xa6: {  	_ =	swait.ge [sflag:s24], $0x1  }
0xa7: {  	[sflag:s24] =	ssyncset.done $0x0  }
0xa8: {  	s25 =	simm.s32 $0x1B8E;
	[sflag:s24] =	ssyncadd.s32 $0xFFFFFFFF  }
0xa9: {  	s26 =	simm.s32 $execute0_lowered;
	[smem:$0x3FD2] =	sst s25  }
0xaa: {  	s8 =	sshll.u32 s26, $0x1;
	_ =	strace $0x80000046;
	[dreg:$0x1] =	wrdreg $0xFFFFFFFF  }
0xab: {  	s28 =	simm.s32 $_size_execute0_lowered;
	s7 =	sadd.s32 s7, s8;
	[dreg:$0x0] =	wrdreg $0x0  }
0xac: {  	s8 =	sshll.u32 s28, $0x1;
	[dreg:$0x2] =	wrdreg s7  }
0xad: {  	[dreg:$0x3] =	wrdreg s8  }
0xae: {  	[dreg:$0x4] =	wrdreg $0xC0  }
0xaf: {  	_ =	task [dreg:s11], $0x5FFFF  }
0xb0: {  	[dreg:$0x1] =	wrdreg $0xFFFFFFFF  }
0xb1: {  	[dreg:$0x0] =	wrdreg $0x60  }
0xb2: {  	[dreg:$0x2] =	wrdreg s2  }
0xb3: {  	[dreg:$0x3] =	wrdreg s19  }
0xb4: {  	[dreg:$0x4] =	wrdreg s4  }
0xb5: {  	[dreg:$0x5] =	wrdreg s5  }
0xb6: {  	[dreg:$0x6] =	wrdreg s6  }
0xb7: {  	[dreg:$0x7] =	wrdreg $0x9  }
0xb8: {  	_ =	task.clear_ibuf [dreg:s11], $0x8FFFF;
	_ =	strace $0x90000046  }
0xb9: {  	s29 =	simm.s32 $0x9;
	_ =	strace $0x80000048  }
0xba: {  	_ =	swait.ge [sflag:s29], $0x1  }
0xbb: {  	[sflag:s29] =	ssyncadd.s32 $0xFFFFFFFF  }
0xbc: {  	_ =	strace $0x90000048  }
0xbd: {  	_ =	sfence  }
0xbe: {  	s30 =	sld [smem:$0x0];
	_ =	sdelay $0x2  }
0xbf: {  	s31 =	sshll.u32 s1, $0xD;
	s1 =	sshrl.u32 s1, $0x2  }
0xc0: {  	s3 =	sand.u32 $0x4000, s31;
	s1 =	sadd.s32 s1, s30  }
0xc1: {  	s0 =	sor.u32 s3, s0;
	s1 =	sshll.u32 s1, $0x11  }
0xc2: {  	s0 =	sor.u32 s1, s0  }
0xc3: {  	s0 =	sadd.s32 $0x8F2B, s0  }
0xc4: {  	[sflag:s0] =	ssyncadd.remote.s32 $0x1  }
0xc5: {  	_ =	sfence.sel $0xFFFF  }
0xc6: {  	[dreg:$0x0] =	wrdreg $0xFFFFFFFF;
	(pc) =	sbr.abs _section_cstart, $3  }
0xc7: {  	[dreg:$0x1] =	wrdreg $0xFFFFFFFF  }
0xc8: {  	_ =	task.clear_ibuf [dreg:s11], $0x2FFFF;
	_ =	strace $0x9FFFFFFF  }
0xc9: {  	(tm) =	ssettm $0x7FFFFFFF  }
tec
execute0_lowered:
.L_overlay_start_1:
0x0: {  	(tag) =	ssettag $0x1  }
0x1: {  	s0 =	rddreg [dreg:$0x0]  }
0x2: {  	s3 =	rddreg [dreg:$0x1]  }
0x3: {  	s1 =	rddreg [dreg:$0x2]  }
0x4: {  	s2 =	rddreg [dreg:$0x3]  }
0x5: {  	s5 =	rddreg [dreg:$0x4];
	s4 =	simm.s32 $0x0;
	s6 =	srdreg.scid  }
0x6: {  	s8 =	stileid.u32;
	s19 =	simm.s32 $0x40;
	s21 =	simm.s32 $0x9  }
0x7: {  	s29 =	simm.s32 $0x1;
	s31 =	simm.s32 $0x5;
	s18 =	simm.s32 $0x6  }
0x8: {  	s20 =	simm.s32 $0x3;
	s22 =	simm.s32 $0x7;
	s6 =	sand.u32 $0x1, s6  }
0x9: {  	s8 =	sshll.u32 s8, $0x7;
	s7 =	ssub.s32 $0x2, s6;
	s6 =	sshll.u32 s6, $0x6  }
0xa: {  	s28 =	simm.s32 $0x0;
	[smem:$0x7FF] =	sst s4;
	s6 =	sor.u32 s6, s8  }
0xb: {  	_ =	strace $0x80000047;
	s9 =	sshrl.u32 s7, $0x1;
	s8 =	sadd.s32 s0, s6  }
0xc: {  	s23 =	sor.u32 $0x8, s6;
	s24 =	sadd.s32 s3, s6;
	[dreg:$0x6] =	wrdreg s8  }
0xd: {  	s7 =	ssub.s32 s7, s9;
	[dreg:$0x7] =	wrdreg s24;
	s0 =	sadd.s32 s0, s23  }
0xe: {  	s8 =	sadd.s32 s5, s6;
	s25 =	sadd.s32 s3, s23;
	s26 =	sadd.s32 s5, s23  }
0xf: {  	s17 =	smax.u32 s7, $0x1;
	s3 =	simm.s32 $0x2;
	[dreg:$0x8] =	wrdreg s0  }
0x10: {  	s23 =	simm.s32 $0x4;
	s24 =	simm.s32 $0x8;
	[dreg:$0x9] =	wrdreg s25  }
0x11: {  	[dreg:$0xa] =	wrdreg s26;
	s30 =	sadd.s32 $0x10, s8;
	s12 =	sadd.s32 $0x18, s8  }
0x12: {  	s13 =	sadd.s32 $0x20, s8;
	s14 =	sadd.s32 $0x28, s8;
	s15 =	sadd.s32 $0x30, s8  }
0x13: {  	v0 =	vlaneseq.u32;
	s16 =	sadd.s32 $0x38, s8;
	s25 =	simm.s32 $0xA;
	[dreg:$0xb] =	wrdreg s30  }
.LBB2_1:
0x14: {  	s0 =	rddreg [dreg:$0x6]  }
0x15: {  	[tilespmem:s4], [sflag:$0x9] =	stream.linear.gather [hbm4b:s0+s4], $0x40, $0x38;
	[tilespmem:$0x10600] =	vst v63  }
0x16: {  	s6 =	rddreg [dreg:$0x7];
	s5 =	simm.s32 $0x200  }
0x17: {  	[tilespmem:s5], [sflag:$0x9] =	stream.linear.gather [hbm4b:s6+s4], $0x40, $0x38;
	[tilespmem:$0x10600] =	vst v63  }
0x18: {  	s7 =	rddreg [dreg:$0x8]  }
0x19: {  	[tilespmem:s19], [sflag:$0x9] =	stream.linear.gather [hbm4b:s7+s4], $0x1C0, $0x38;
	[tilespmem:$0x10600] =	vst v63  }
0x1a: {  	s9 =	rddreg [dreg:$0x9];
	s6 =	simm.s32 $0x240  }
0x1b: {  	[tilespmem:s6], [sflag:$0x9] =	stream.linear.gather [hbm4b:s9+s4], $0x1C0, $0x38;
	[tilespmem:$0x10600] =	vst v63  }
0x1c: {  	_ =	swait.ge [sflag:s21], $0x40  }
0x1d: {  	[sflag:s21] =	ssyncset.done $0x0  }
0x1e: {  	[sflag:s21] =	ssyncadd.s32 $0xFFFFFFC0  }
0x1f: {  	_ =	swait.ge [sflag:s21], $0x40  }
0x20: {  	[sflag:s21] =	ssyncset.done $0x0  }
0x21: {  	s10 =	simm.s32 $0x400;
	[sflag:s21] =	ssyncadd.s32 $0xFFFFFFC0  }
0x22: {  	[tilespmem:s10], [sflag:$0x1] =	stream.indirect.gather [hbm4b:s1+s19], $0x80, s4, s19, $0xb8;
	[tilespmem:$0x10600] =	vst v63  }
0x23: {  	s11 =	simm.s32 $0x8400  }
0x24: {  	[tilespmem:s11], [sflag:$0x5] =	stream.indirect.gather [hbm4b:s2+s19], $0x80, s5, s19, $0xb8;
	[tilespmem:$0x10600] =	vst v63  }
0x25: {  	_ =	swait.ge [sflag:s21], $0x1C0  }
0x26: {  	[sflag:s21] =	ssyncset.done $0x0  }
0x27: {  	[sflag:s21] =	ssyncadd.s32 $0xFFFFFE40  }
0x28: {  	_ =	swait.ge [sflag:s21], $0x1C0  }
0x29: {  	[sflag:s21] =	ssyncset.done $0x0  }
0x2a: {  	s26 =	simm.s32 $0x2400;
	[sflag:s21] =	ssyncadd.s32 $0xFFFFFE40  }
0x2b: {  	[tilespmem:s26], [sflag:$0x2] =	stream.indirect.gather [hbm4b:s1+s19], $0x80, s19, s19, $0xb8;
	[tilespmem:$0x10600] =	vst v63  }
0x2c: {  	s30 =	simm.s32 $0xA400  }
0x2d: {  	[tilespmem:s30], [sflag:$0x6] =	stream.indirect.gather [hbm4b:s2+s19], $0x80, s6, s19, $0xb8;
	[tilespmem:$0x10600] =	vst v63  }
0x2e: {  	s5 =	simm.s32 $0x80;
	s6 =	simm.s32 $0x4400  }
0x2f: {  	[tilespmem:s6], [sflag:$0x3] =	stream.indirect.gather [hbm4b:s1+s19], $0x80, s5, s19, $0xb8;
	[tilespmem:$0x10600] =	vst v63  }
0x30: {  	s7 =	simm.s32 $0x280;
	s9 =	simm.s32 $0xC400  }
0x31: {  	[tilespmem:s9], [sflag:$0x7] =	stream.indirect.gather [hbm4b:s2+s19], $0x80, s7, s19, $0xb8;
	[tilespmem:$0x10600] =	vst v63  }
0x32: {  	s10 =	simm.s32 $0xC0;
	s11 =	simm.s32 $0x6400  }
0x33: {  	[tilespmem:s11], [sflag:$0x4] =	stream.indirect.gather [hbm4b:s1+s19], $0x80, s10, s19, $0xb8;
	[tilespmem:$0x10600] =	vst v63  }
0x34: {  	s26 =	simm.s32 $0x2C0;
	s30 =	simm.s32 $0xE400  }
0x35: {  	[tilespmem:s30], [sflag:$0x8] =	stream.indirect.gather [hbm4b:s2+s19], $0x80, s26, s19, $0xb8;
	[tilespmem:$0x10600] =	vst v63  }
0x36: {  	_ =	swait.ge [sflag:s29], $0x2000  }
0x37: {  	[sflag:s29] =	ssyncset.done $0x0  }
0x38: {  	[sflag:s29] =	ssyncadd.s32 $0xFFFFE000  }
0x39: {  	_ =	swait.ge [sflag:s31], $0x2000  }
0x3a: {  	s0 =	simm.s32 $0x440;
	[sflag:s31] =	ssyncset.done $0x0  }
0x3b: {  	s5 =	simm.s32 $0x8440;
	s26 =	simm.s32 $0x0;
	[sflag:s31] =	ssyncadd.s32 $0xFFFFE000  }
.LBB2_2:
0x3c: {  	v1 =	vld [tilespmem:s0+$0xFFFFFFC0]  }
0x3d: {  	v2 =	vld [tilespmem:s5+$0xFFFFFFC0]  }
0x3e: {  	v3 =	vld [tilespmem:s0+$0xFFFFFFD0]  }
0x3f: {  	v4 =	vld [tilespmem:s5+$0xFFFFFFD0]  }
0x40: {  	v5 =	vld [tilespmem:s0+$0xFFFFFFE0]  }
0x41: {  	v6 =	vld [tilespmem:s5+$0xFFFFFFE0]  }
0x42: {  	v7 =	vld [tilespmem:s0+$0xFFFFFFF0]  }
0x43: {  	v8 =	vld [tilespmem:s5+$0xFFFFFFF0]  }
0x44: {  	v1 =	vmul.f32 v2, v1;
	v2 =	vmul.f32 v4, v3;
	v3 =	vld [tilespmem:s0+$0x0]  }
0x45: {  	v4 =	vld [tilespmem:s5+$0x0]  }
0x46: {  	v1 =	vadd.f32 v2, v1;
	v2 =	vmul.f32 v6, v5;
	v5 =	vld [tilespmem:s0+$0x10]  }
0x47: {  	v6 =	vld [tilespmem:s5+$0x10]  }
0x48: {  	v1 =	vadd.f32 v2, v1;
	v2 =	vmul.f32 v8, v7;
	v7 =	vld [tilespmem:s0+$0x20]  }
0x49: {  	v8 =	vld [tilespmem:s5+$0x20]  }
0x4a: {  	v1 =	vadd.f32 v2, v1;
	v2 =	vmul.f32 v4, v3;
	v3 =	vld [tilespmem:s0+$0x30]  }
0x4b: {  	s6 =	sadd.s32 $0x80, s0;
	v4 =	vld [tilespmem:s5+$0x30]  }
0x4c: {  	s9 =	sadd.s32 $0x80, s5;
	v9 =	vld [tilespmem:s6+$0xFFFFFFC0];
	v1 =	vadd.f32 v2, v1;
	v2 =	vmul.f32 v6, v5  }
0x4d: {  	v5 =	vld [tilespmem:s9+$0xFFFFFFC0]  }
0x4e: {  	v6 =	vld [tilespmem:s6+$0xFFFFFFD0];
	v1 =	vadd.f32 v2, v1;
	v2 =	vmul.f32 v8, v7  }
0x4f: {  	v7 =	vld [tilespmem:s9+$0xFFFFFFD0]  }
0x50: {  	v8 =	vld [tilespmem:s6+$0xFFFFFFE0];
	v1 =	vadd.f32 v2, v1;
	v2 =	vmul.f32 v4, v3  }
0x51: {  	v3 =	vld [tilespmem:s9+$0xFFFFFFE0]  }
0x52: {  	v4 =	vld [tilespmem:s6+$0xFFFFFFF0];
	v1 =	vadd.f32 v2, v1  }
0x53: {  	v2 =	vld [tilespmem:s9+$0xFFFFFFF0]  }
0x54: {  	v5 =	vmul.f32 v5, v9;
	v6 =	vmul.f32 v7, v6;
	v7 =	vld [tilespmem:s6+$0x0];
	(xrf2) =	vadd.scan.msk.f32 $0xffff, v1  }
0x55: {  	v1 =	vld [tilespmem:s9+$0x0]  }
0x56: {  	v5 =	vadd.f32 v6, v5;
	v3 =	vmul.f32 v3, v8;
	v6 =	vld [tilespmem:s6+$0x10]  }
0x57: {  	v8 =	vld [tilespmem:s9+$0x10]  }
0x58: {  	v10 =	vld [tilespmem:s9+$0x20];
	v3 =	vadd.f32 v3, v5;
	v2 =	vmul.f32 v2, v4  }
0x59: {  	v5 =	vld [tilespmem:s6+$0x20]  }
0x5a: {  	v9 =	vadd.f32 v2, v3;
	v1 =	vmul.f32 v1, v7;
	v2 =	vld [tilespmem:s6+$0x30]  }
0x5b: {  	s7 =	sadd.s32 $0x80, s6;
	v3 =	vld [tilespmem:s9+$0x30]  }
0x5c: {  	v4 =	vld [tilespmem:s7+$0xFFFFFFC0];
	s9 =	sadd.s32 $0x80, s9;
	v6 =	vmul.f32 v8, v6;
	v7 =	vadd.f32 v1, v9  }
0x5d: {  	v8 =	vld [tilespmem:s9+$0xFFFFFFC0]  }
0x5e: {  	s11 =	simm.s32 $0x0;
	v11 =	vld [tilespmem:s9+$0xFFFFFFD0];
	v10 =	vmul.f32 v10, v5;
	v6 =	vadd.f32 v6, v7;
	v12, _, _ =	vpop (xrf2)  }
0x5f: {  	s30 =	simm.s32 $0x2;
	s10 =	simm.s32 $0x3;
	s6 =	simm.s32 $0x1;
	v1 =	vimm.f32 $0.0e+00;
	v9 =	vld [tilespmem:s7+$0xFFFFFFD0];
	v7 =	vmov s11;
	v5 =	vbroadcast v12, $0xF  }
.LBB2_3:
0x60: {  	p0 =	sne.s32 s10, $0xF;
	v12 =	vld [tilespmem:s7+$0xFFFFFFE0];
	v6 =	vadd.f32 v10, v6;
	v2 =	vmul.f32 v3, v2;
	vm0 =	veq.s32 v7, v0  }
0x61: {  	v3 =	vld [tilespmem:s9+$0xFFFFFFE0];
	v1 =	vsel vm0, v5, v1  }
0x62: {  	v5 =	vld [tilespmem:s7+$0xFFFFFFF0];
	v2 =	vadd.f32 v2, v6  }
0x63: {  	v6 =	vld [tilespmem:s9+$0xFFFFFFF0]  }
0x64: {  	v4 =	vmul.f32 v8, v4;
	v7 =	vmul.f32 v11, v9;
	v8 =	vld [tilespmem:s7+$0x0];
	(xrf2) =	vadd.scan.msk.f32 $0xffff, v2  }
0x65: {  	v2 =	vld [tilespmem:s9+$0x0]  }
0x66: {  	v4 =	vadd.f32 v7, v4;
	v3 =	vmul.f32 v3, v12;
	v7 =	vld [tilespmem:s7+$0x10]  }
0x67: {  	v9 =	vld [tilespmem:s9+$0x10]  }
0x68: {  	v3 =	vadd.f32 v3, v4;
	v4 =	vmul.f32 v6, v5;
	v5 =	vld [tilespmem:s7+$0x20]  }
0x69: {  	v10 =	vld [tilespmem:s9+$0x20]  }
0x6a: {  	v6 =	vadd.f32 v4, v3;
	v8 =	vmul.f32 v2, v8;
	v2 =	vld [tilespmem:s7+$0x30]  }
.Ltmp0:
0x6b: {  	s7 =	sadd.s32 $0x80, s7;
	v3 =	vld [tilespmem:s9+$0x30];
	(pc) =	sbr.rel @p0 .LBB2_3-.Ltmp0, $4  }
0x6c: {  	s9 =	sadd.s32 $0x80, s9;
	v4 =	vld [tilespmem:s7+$0xFFFFFFC0];
	v6 =	vadd.f32 v8, v6;
	v7 =	vmul.f32 v9, v7  }
0x6d: {  	v8 =	vld [tilespmem:s9+$0xFFFFFFC0]  }
0x6e: {  	v9 =	vld [tilespmem:s7+$0xFFFFFFD0];
	v6 =	vadd.f32 v7, v6;
	v10 =	vmul.f32 v10, v5;
	v5, _, _ =	vpop (xrf2)  }
0x6f: {  	v7 =	vmov s6;
	s6 =	smov.u32 s30;
	s30 =	smov.u32 s10;
	s10 =	sadd.s32 $0x1, s10;
	v11 =	vld [tilespmem:s9+$0xFFFFFFD0];
	v5 =	vbroadcast v5, $0xF  }
0x70: {  	v12 =	vld [tilespmem:s7+$0xFFFFFFE0]  }
0x71: {  	v13 =	vld [tilespmem:s9+$0xFFFFFFE0]  }
0x72: {  	v14 =	vld [tilespmem:s7+$0xFFFFFFF0]  }
0x73: {  	v15 =	vld [tilespmem:s9+$0xFFFFFFF0]  }
0x74: {  	v49 =	vld [tilespmem:s7+$0x0];
	v4 =	vmul.f32 v8, v4;
	v48 =	vmul.f32 v11, v9  }
0x75: {  	v50 =	vld [tilespmem:s9+$0x0]  }
0x76: {  	v52 =	vld [tilespmem:s7+$0x10];
	v51 =	vmul.f32 v13, v12;
	v4 =	vadd.f32 v48, v4  }
0x77: {  	v53 =	vld [tilespmem:s9+$0x10]  }
0x78: {  	v55 =	vld [tilespmem:s7+$0x20];
	v54 =	vmul.f32 v15, v14;
	v4 =	vadd.f32 v51, v4  }
0x79: {  	v56 =	vld [tilespmem:s9+$0x20]  }
0x7a: {  	v58 =	vld [tilespmem:s7+$0x30];
	v57 =	vmul.f32 v50, v49;
	v4 =	vadd.f32 v54, v4  }
0x7b: {  	v59 =	vld [tilespmem:s9+$0x30]  }
0x7c: {  	v60 =	vmul.f32 v53, v52;
	v4 =	vadd.f32 v57, v4;
	_ =	sdelay $0x1  }
0x7d: {  	v61 =	vmul.f32 v56, v55;
	v4 =	vadd.f32 v60, v4  }
0x7e: {  	v6 =	vadd.f32 v10, v6;
	v2 =	vmul.f32 v3, v2  }
0x7f: {  	v62 =	vmul.f32 v59, v58;
	v3 =	vadd.f32 v61, v4  }
0x80: {  	v2 =	vadd.f32 v2, v6  }
0x81: {  	v3 =	vadd.f32 v62, v3  }
0x82: {  	(xrf2) =	vadd.scan.msk.f32 $0xffff, v2  }
0x83: {  	(xrf2) =	vadd.scan.msk.f32 $0xffff, v3;
	_ =	sdelay $0x6  }
0x84: {  	v3 =	vmov s6  }
0x85: {  	vm14 =	veq.s32 v3, v0;
	v3 =	vmov s30;
	s30 =	sshll.u32 s26, $0x4;
	s26 =	sadd.s32 $0x1, s26  }
0x86: {  	v2, _, _ =	vpop (xrf2);
	p0 =	sne.s32 s26, $0x4  }
.Ltmp1:
0x87: {  	vm0 =	veq.s32 v7, v0;
	v2 =	vbroadcast v2, $0xF;
	v63, _, _ =	vpop (xrf2);
	(pc) =	sbr.rel @p0 .LBB2_2-.Ltmp1, $4  }
0x88: {  	v1 =	vsel vm0, v5, v1;
	v4 =	vbroadcast v63, $0xF  }
0x89: {  	v1 =	vsel vm14, v2, v1;
	vm15 =	veq.s32 v3, v0  }
0x8a: {  	s6 =	sand.u32 $0x3FFFFFF0, s30;
	v1 =	vsel vm15, v4, v1  }
0x8b: {  	s0 =	sadd.s32 $0x800, s0;
	s5 =	sadd.s32 $0x800, s5;
	[tilespmem:s6+$0x10400] =	vst v1  }
0x8c: {  	s0 =	simm.s32 $0x400;
	s5 =	simm.s32 $0x100  }
0x8d: {  	[tilespmem:s0], [sflag:$0x1] =	stream.indirect.gather [hbm4b:s1+s19], $0x80, s5, s19, $0xb8;
	[tilespmem:$0x10600] =	vst v63  }
0x8e: {  	s10 =	simm.s32 $0x8400;
	s11 =	simm.s32 $0x300  }
0x8f: {  	[tilespmem:s10], [sflag:$0x5] =	stream.indirect.gather [hbm4b:s2+s19], $0x80, s11, s19, $0xb8;
	[tilespmem:$0x10600] =	vst v63  }
0x90: {  	s26 =	simm.s32 $0x10400;
	s0 =	simm.s32 $0x0  }
0x91: {  	[hbm4b:s8+s0] =	stream.linear.scatter [tilespmem:s26], [sflag:$0xA], $0x40, $0x38;
	[tilespmem:$0x10600] =	vst v63  }
0x92: {  	_ =	swait.ge [sflag:s3], $0x2000  }
0x93: {  	[sflag:s3] =	ssyncset.done $0x0  }
0x94: {  	[sflag:s3] =	ssyncadd.s32 $0xFFFFE000  }
0x95: {  	_ =	swait.ge [sflag:s18], $0x2000  }
0x96: {  	s30 =	simm.s32 $0x0;
	[sflag:s18] =	ssyncset.done $0x0  }
0x97: {  	s5 =	simm.s32 $0x2470;
	s26 =	simm.s32 $0xA470;
	[sflag:s18] =	ssyncadd.s32 $0xFFFFE000  }
.LBB2_6:
0x98: {  	v1 =	vld [tilespmem:s5+$0xFFFFFF90]  }
0x99: {  	v2 =	vld [tilespmem:s26+$0xFFFFFF90]  }
0x9a: {  	v3 =	vld [tilespmem:s5+$0xFFFFFFA0]  }
0x9b: {  	v4 =	vld [tilespmem:s26+$0xFFFFFFA0]  }
0x9c: {  	v5 =	vld [tilespmem:s5+$0xFFFFFFB0]  }
0x9d: {  	v6 =	vld [tilespmem:s26+$0xFFFFFFB0]  }
0x9e: {  	v7 =	vld [tilespmem:s5+$0xFFFFFFC0]  }
0x9f: {  	v8 =	vld [tilespmem:s26+$0xFFFFFFC0]  }
0xa0: {  	v1 =	vmul.f32 v2, v1;
	v2 =	vmul.f32 v4, v3;
	v3 =	vld [tilespmem:s5+$0xFFFFFFD0]  }
0xa1: {  	v4 =	vld [tilespmem:s26+$0xFFFFFFD0]  }
0xa2: {  	v1 =	vadd.f32 v2, v1;
	v2 =	vmul.f32 v6, v5;
	v5 =	vld [tilespmem:s5+$0xFFFFFFE0]  }
0xa3: {  	v6 =	vld [tilespmem:s26+$0xFFFFFFE0]  }
0xa4: {  	v1 =	vadd.f32 v2, v1;
	v2 =	vmul.f32 v8, v7;
	v7 =	vld [tilespmem:s5+$0xFFFFFFF0]  }
0xa5: {  	v8 =	vld [tilespmem:s26+$0xFFFFFFF0]  }
0xa6: {  	v1 =	vadd.f32 v2, v1;
	v2 =	vmul.f32 v4, v3;
	v3 =	vld [tilespmem:s5+$0x0]  }
0xa7: {  	s6 =	sadd.s32 $0x80, s5;
	v4 =	vld [tilespmem:s26+$0x0]  }
0xa8: {  	s7 =	sadd.s32 $0x80, s26;
	v9 =	vld [tilespmem:s6+$0xFFFFFF90];
	v1 =	vadd.f32 v2, v1;
	v2 =	vmul.f32 v6, v5  }
0xa9: {  	v5 =	vld [tilespmem:s7+$0xFFFFFF90]  }
0xaa: {  	v6 =	vld [tilespmem:s6+$0xFFFFFFA0];
	v1 =	vadd.f32 v2, v1;
	v2 =	vmul.f32 v8, v7  }
0xab: {  	v7 =	vld [tilespmem:s7+$0xFFFFFFA0]  }
0xac: {  	v8 =	vld [tilespmem:s6+$0xFFFFFFB0];
	v1 =	vadd.f32 v2, v1;
	v2 =	vmul.f32 v4, v3  }
0xad: {  	v3 =	vld [tilespmem:s7+$0xFFFFFFB0]  }
0xae: {  	v4 =	vld [tilespmem:s6+$0xFFFFFFC0];
	v1 =	vadd.f32 v2, v1  }
0xaf: {  	v2 =	vld [tilespmem:s7+$0xFFFFFFC0]  }
0xb0: {  	v5 =	vmul.f32 v5, v9;
	v6 =	vmul.f32 v7, v6;
	v7 =	vld [tilespmem:s6+$0xFFFFFFD0];
	(xrf2) =	vadd.scan.msk.f32 $0xffff, v1  }
0xb1: {  	v1 =	vld [tilespmem:s7+$0xFFFFFFD0]  }
0xb2: {  	v5 =	vadd.f32 v6, v5;
	v3 =	vmul.f32 v3, v8;
	v6 =	vld [tilespmem:s6+$0xFFFFFFE0]  }
0xb3: {  	v8 =	vld [tilespmem:s7+$0xFFFFFFE0]  }
0xb4: {  	v10 =	vld [tilespmem:s7+$0xFFFFFFF0];
	v3 =	vadd.f32 v3, v5;
	v2 =	vmul.f32 v2, v4  }
0xb5: {  	v5 =	vld [tilespmem:s6+$0xFFFFFFF0]  }
0xb6: {  	v9 =	vadd.f32 v2, v3;
	v1 =	vmul.f32 v1, v7;
	v2 =	vld [tilespmem:s6+$0x0]  }
0xb7: {  	s10 =	sadd.s32 $0x80, s7;
	v3 =	vld [tilespmem:s7+$0x0]  }
0xb8: {  	s9 =	sadd.s32 $0x80, s6;
	v11 =	vld [tilespmem:s10+$0xFFFFFFA0];
	v6 =	vmul.f32 v8, v6;
	v7 =	vadd.f32 v1, v9  }
0xb9: {  	v4 =	vld [tilespmem:s9+$0xFFFFFF90]  }
0xba: {  	v8 =	vld [tilespmem:s10+$0xFFFFFF90];
	v10 =	vmul.f32 v10, v5;
	v6 =	vadd.f32 v6, v7;
	v12, _, _ =	vpop (xrf2)  }
0xbb: {  	s11 =	simm.s32 $0x3;
	s7 =	simm.s32 $0x1;
	s6 =	simm.s32 $0x2;
	v1 =	vimm.f32 $0.0e+00;
	v9 =	vld [tilespmem:s9+$0xFFFFFFA0];
	v7 =	vmov s0;
	v5 =	vbroadcast v12, $0xF  }
.LBB2_7:
0xbc: {  	p0 =	sne.s32 s11, $0xF;
	v12 =	vld [tilespmem:s9+$0xFFFFFFB0];
	v6 =	vadd.f32 v10, v6;
	v2 =	vmul.f32 v3, v2;
	vm0 =	veq.s32 v7, v0  }
0xbd: {  	v3 =	vld [tilespmem:s10+$0xFFFFFFB0];
	v1 =	vsel vm0, v5, v1  }
0xbe: {  	v5 =	vld [tilespmem:s9+$0xFFFFFFC0];
	v2 =	vadd.f32 v2, v6  }
0xbf: {  	v6 =	vld [tilespmem:s10+$0xFFFFFFC0]  }
0xc0: {  	v4 =	vmul.f32 v8, v4;
	v7 =	vmul.f32 v11, v9;
	v8 =	vld [tilespmem:s9+$0xFFFFFFD0];
	(xrf2) =	vadd.scan.msk.f32 $0xffff, v2  }
0xc1: {  	v2 =	vld [tilespmem:s10+$0xFFFFFFD0]  }
0xc2: {  	v4 =	vadd.f32 v7, v4;
	v3 =	vmul.f32 v3, v12;
	v7 =	vld [tilespmem:s9+$0xFFFFFFE0]  }
0xc3: {  	v9 =	vld [tilespmem:s10+$0xFFFFFFE0]  }
0xc4: {  	v3 =	vadd.f32 v3, v4;
	v4 =	vmul.f32 v6, v5;
	v5 =	vld [tilespmem:s9+$0xFFFFFFF0]  }
0xc5: {  	v10 =	vld [tilespmem:s10+$0xFFFFFFF0]  }
0xc6: {  	v6 =	vadd.f32 v4, v3;
	v8 =	vmul.f32 v2, v8;
	v2 =	vld [tilespmem:s9+$0x0]  }
.Ltmp2:
0xc7: {  	s9 =	sadd.s32 $0x80, s9;
	v3 =	vld [tilespmem:s10+$0x0];
	(pc) =	sbr.rel @p0 .LBB2_7-.Ltmp2, $4  }
0xc8: {  	s10 =	sadd.s32 $0x80, s10;
	v4 =	vld [tilespmem:s9+$0xFFFFFF90];
	v6 =	vadd.f32 v8, v6;
	v7 =	vmul.f32 v9, v7  }
0xc9: {  	v8 =	vld [tilespmem:s10+$0xFFFFFF90]  }
0xca: {  	v9 =	vld [tilespmem:s9+$0xFFFFFFA0];
	v6 =	vadd.f32 v7, v6;
	v10 =	vmul.f32 v10, v5;
	v5, _, _ =	vpop (xrf2)  }
0xcb: {  	v7 =	vmov s7;
	s7 =	smov.u32 s6;
	s6 =	smov.u32 s11;
	s11 =	sadd.s32 $0x1, s11;
	v11 =	vld [tilespmem:s10+$0xFFFFFFA0];
	v5 =	vbroadcast v5, $0xF  }
0xcc: {  	v12 =	vld [tilespmem:s9+$0xFFFFFFB0]  }
0xcd: {  	v13 =	vld [tilespmem:s10+$0xFFFFFFB0]  }
0xce: {  	v14 =	vld [tilespmem:s9+$0xFFFFFFC0]  }
0xcf: {  	v15 =	vld [tilespmem:s10+$0xFFFFFFC0]  }
0xd0: {  	v49 =	vld [tilespmem:s9+$0xFFFFFFD0];
	v4 =	vmul.f32 v8, v4;
	v48 =	vmul.f32 v11, v9  }
0xd1: {  	v50 =	vld [tilespmem:s10+$0xFFFFFFD0]  }
0xd2: {  	v52 =	vld [tilespmem:s9+$0xFFFFFFE0];
	v51 =	vmul.f32 v13, v12;
	v4 =	vadd.f32 v48, v4  }
0xd3: {  	v53 =	vld [tilespmem:s10+$0xFFFFFFE0]  }
0xd4: {  	v55 =	vld [tilespmem:s9+$0xFFFFFFF0];
	v54 =	vmul.f32 v15, v14;
	v4 =	vadd.f32 v51, v4  }
0xd5: {  	v56 =	vld [tilespmem:s10+$0xFFFFFFF0]  }
0xd6: {  	v58 =	vld [tilespmem:s9+$0x0];
	v57 =	vmul.f32 v50, v49;
	v4 =	vadd.f32 v54, v4  }
0xd7: {  	v59 =	vld [tilespmem:s10+$0x0]  }
0xd8: {  	v60 =	vmul.f32 v53, v52;
	v4 =	vadd.f32 v57, v4;
	_ =	sdelay $0x1  }
0xd9: {  	v61 =	vmul.f32 v56, v55;
	v4 =	vadd.f32 v60, v4  }
0xda: {  	v6 =	vadd.f32 v10, v6;
	v2 =	vmul.f32 v3, v2  }
0xdb: {  	v62 =	vmul.f32 v59, v58;
	v3 =	vadd.f32 v61, v4  }
0xdc: {  	v2 =	vadd.f32 v2, v6  }
0xdd: {  	v3 =	vadd.f32 v62, v3  }
0xde: {  	(xrf2) =	vadd.scan.msk.f32 $0xffff, v2  }
0xdf: {  	(xrf2) =	vadd.scan.msk.f32 $0xffff, v3;
	_ =	sdelay $0x7  }
0xe0: {  	s11 =	sshll.u32 s30, $0x4;
	s30 =	sadd.s32 $0x1, s30  }
0xe1: {  	vm0 =	veq.s32 v7, v0;
	p0 =	sne.s32 s30, $0x4;
	v2, _, _ =	vpop (xrf2)  }
.Ltmp3:
0xe2: {  	v1 =	vsel vm0, v5, v1;
	v2 =	vbroadcast v2, $0xF;
	v3 =	vmov s7;
	v63, _, _ =	vpop (xrf2);
	(pc) =	sbr.rel @p0 .LBB2_6-.Ltmp3, $4  }
0xe3: {  	vm14 =	veq.s32 v3, v0;
	v3 =	vmov s6;
	v4 =	vbroadcast v63, $0xF  }
0xe4: {  	v1 =	vsel vm14, v2, v1;
	vm15 =	veq.s32 v3, v0  }
0xe5: {  	s6 =	sand.u32 $0x3FFFFFF0, s11;
	v1 =	vsel vm15, v4, v1  }
0xe6: {  	s5 =	sadd.s32 $0x800, s5;
	s26 =	sadd.s32 $0x800, s26;
	[tilespmem:s6+$0x10440] =	vst v1  }
0xe7: {  	s0 =	simm.s32 $0x2400;
	s5 =	simm.s32 $0x140  }
0xe8: {  	[tilespmem:s0], [sflag:$0x2] =	stream.indirect.gather [hbm4b:s1+s19], $0x80, s5, s19, $0xb8;
	[tilespmem:$0x10600] =	vst v63  }
0xe9: {  	s9 =	simm.s32 $0xA400;
	s10 =	simm.s32 $0x340  }
0xea: {  	[tilespmem:s9], [sflag:$0x6] =	stream.indirect.gather [hbm4b:s2+s19], $0x80, s10, s19, $0xb8;
	[tilespmem:$0x10600] =	vst v63  }
0xeb: {  	s30 =	simm.s32 $0x0;
	s11 =	rddreg [dreg:$0xa];
	s26 =	simm.s32 $0x10440  }
0xec: {  	[hbm4b:s11+s30] =	stream.linear.scatter [tilespmem:s26], [sflag:$0xA], $0x40, $0x38;
	[tilespmem:$0x10600] =	vst v63  }
0xed: {  	_ =	swait.ge [sflag:s20], $0x2000  }
0xee: {  	[sflag:s20] =	ssyncset.done $0x0  }
0xef: {  	[sflag:s20] =	ssyncadd.s32 $0xFFFFE000  }
0xf0: {  	_ =	swait.ge [sflag:s22], $0x2000  }
0xf1: {  	s0 =	simm.s32 $0x400;
	[sflag:s22] =	ssyncset.done $0x0  }
0xf2: {  	s5 =	simm.s32 $0x0;
	s26 =	simm.s32 $0x8400;
	[sflag:s22] =	ssyncadd.s32 $0xFFFFE000  }
.LBB2_10:
0xf3: {  	v1 =	vmov s0  }
0xf4: {  	v2 =	vmov s26;
	_ =	sdelay $0x2  }
0xf5: {  	s6 =	simm.s32 $0x0  }
0xf6: {  	v3 =	vld.idx.msk [tilespmem:v1+s6+$0x4000 ss:$0x1], $0xffff  }
0xf7: {  	v4 =	vld.idx.msk [tilespmem:v2+s6+$0x4000 ss:$0x1], $0xffff  }
0xf8: {  	v5 =	vld.idx.msk [tilespmem:v1+s6+$0x4010 ss:$0x1], $0xffff  }
0xf9: {  	v6 =	vld.idx.msk [tilespmem:v2+s6+$0x4010 ss:$0x1], $0xffff  }
0xfa: {  	v7 =	vld.idx.msk [tilespmem:v1+s6+$0x4020 ss:$0x1], $0xffff  }
0xfb: {  	v8 =	vld.idx.msk [tilespmem:v2+s6+$0x4020 ss:$0x1], $0xffff  }
0xfc: {  	v9 =	vld.idx.msk [tilespmem:v1+s6+$0x4030 ss:$0x1], $0xffff  }
0xfd: {  	v10 =	vld.idx.msk [tilespmem:v2+s6+$0x4030 ss:$0x1], $0xffff  }
0xfe: {  	v11 =	vld.idx.msk [tilespmem:v1+s6+$0x4040 ss:$0x1], $0xffff  }
0xff: {  	v12 =	vld.idx.msk [tilespmem:v2+s6+$0x4040 ss:$0x1], $0xffff  }
0x100: {  	v13 =	vld.idx.msk [tilespmem:v1+s6+$0x4050 ss:$0x1], $0xffff  }
0x101: {  	v14 =	vld.idx.msk [tilespmem:v2+s6+$0x4050 ss:$0x1], $0xffff  }
0x102: {  	v15 =	vld.idx.msk [tilespmem:v1+s6+$0x4060 ss:$0x1], $0xffff  }
0x103: {  	v16 =	vld.idx.msk [tilespmem:v2+s6+$0x4060 ss:$0x1], $0xffff  }
0x104: {  	v17 =	vld.idx.msk [tilespmem:v1+s6+$0x4070 ss:$0x1], $0xffff  }
0x105: {  	s7 =	simm.s32 $0x80;
	v18 =	vld.idx.msk [tilespmem:v2+s6+$0x4070 ss:$0x1], $0xffff  }
0x106: {  	v19 =	vld.idx.msk [tilespmem:v1+s7+$0x4000 ss:$0x1], $0xffff;
	v3 =	vmul.f32 v4, v3;
	v4 =	vmul.f32 v6, v5  }
0x107: {  	v20 =	vld.idx.msk [tilespmem:v2+s7+$0x4000 ss:$0x1], $0xffff  }
0x108: {  	v21 =	vld.idx.msk [tilespmem:v1+s7+$0x4010 ss:$0x1], $0xffff;
	v3 =	vadd.f32 v4, v3;
	v4 =	vmul.f32 v8, v7  }
0x109: {  	s11 =	simm.s32 $0x100;
	v22 =	vld.idx.msk [tilespmem:v2+s7+$0x4010 ss:$0x1], $0xffff  }
0x10a: {  	v60 =	vld.idx.msk [tilespmem:v1+s11+$0x4000 ss:$0x1], $0xffff;
	v3 =	vadd.f32 v4, v3;
	v4 =	vmul.f32 v10, v9  }
0x10b: {  	v61 =	vld.idx.msk [tilespmem:v2+s11+$0x4000 ss:$0x1], $0xffff  }
0x10c: {  	v62 =	vld.idx.msk [tilespmem:v2+s11+$0x4010 ss:$0x1], $0xffff;
	v3 =	vadd.f32 v4, v3;
	v4 =	vmul.f32 v12, v11  }
0x10d: {  	v5 =	vld.idx.msk [tilespmem:v1+s7+$0x4020 ss:$0x1], $0xffff  }
0x10e: {  	v6 =	vld.idx.msk [tilespmem:v2+s7+$0x4020 ss:$0x1], $0xffff;
	v3 =	vadd.f32 v4, v3;
	v4 =	vmul.f32 v14, v13  }
0x10f: {  	v7 =	vld.idx.msk [tilespmem:v1+s7+$0x4030 ss:$0x1], $0xffff  }
0x110: {  	v8 =	vld.idx.msk [tilespmem:v2+s7+$0x4030 ss:$0x1], $0xffff;
	v3 =	vadd.f32 v4, v3;
	v4 =	vmul.f32 v16, v15  }
0x111: {  	v57 =	vmul.f32 v18, v17;
	v9 =	vld.idx.msk [tilespmem:v1+s7+$0x4040 ss:$0x1], $0xffff  }
0x112: {  	v59 =	vmul.f32 v22, v21;
	v10 =	vld.idx.msk [tilespmem:v2+s7+$0x4040 ss:$0x1], $0xffff;
	v3 =	vadd.f32 v4, v3;
	v4 =	vmul.f32 v20, v19  }
0x113: {  	v5 =	vmul.f32 v6, v5;
	v6 =	vld.idx.msk [tilespmem:v1+s11+$0x4010 ss:$0x1], $0xffff  }
0x114: {  	v11 =	vld.idx.msk [tilespmem:v1+s7+$0x4050 ss:$0x1], $0xffff;
	v3 =	vadd.f32 v57, v3;
	v4 =	vadd.f32 v59, v4  }
0x115: {  	v12 =	vld.idx.msk [tilespmem:v2+s7+$0x4050 ss:$0x1], $0xffff  }
0x116: {  	v13 =	vld.idx.msk [tilespmem:v1+s7+$0x4060 ss:$0x1], $0xffff;
	(xrf2) =	vadd.scan.msk.f32 $0xffff, v3;
	v3 =	vadd.f32 v5, v4;
	v4 =	vmul.f32 v8, v7  }
0x117: {  	v14 =	vld.idx.msk [tilespmem:v2+s7+$0x4060 ss:$0x1], $0xffff  }
0x118: {  	v58 =	vld.idx.msk [tilespmem:v2+s7+$0x4070 ss:$0x1], $0xffff;
	v3 =	vadd.f32 v4, v3;
	v4 =	vmul.f32 v10, v9  }
0x119: {  	v15 =	vld.idx.msk [tilespmem:v1+s7+$0x4070 ss:$0x1], $0xffff  }
0x11a: {  	v3 =	vadd.f32 v4, v3;
	v4 =	vmul.f32 v12, v11  }
0x11b: {  	v6 =	vmul.f32 v62, v6;
	v5 =	vld.idx.msk [tilespmem:v1+s11+$0x4020 ss:$0x1], $0xffff  }
0x11c: {  	v8 =	vld.idx.msk [tilespmem:v1+s11+$0x4030 ss:$0x1], $0xffff;
	v11 =	vmul.f32 v61, v60;
	v3 =	vadd.f32 v4, v3;
	v4 =	vmul.f32 v14, v13  }
0x11d: {  	v9 =	vld.idx.msk [tilespmem:v2+s11+$0x4030 ss:$0x1], $0xffff  }
0x11e: {  	v7 =	vld.idx.msk [tilespmem:v2+s11+$0x4020 ss:$0x1], $0xffff;
	v6 =	vadd.f32 v6, v11;
	v11 =	vmul.f32 v58, v15;
	v3 =	vadd.f32 v4, v3;
	_ =	sdelay $0x1  }
0x11f: {  	v11 =	vadd.f32 v11, v3  }
0x120: {  	v10 =	vld.idx.msk [tilespmem:v1+s11+$0x4040 ss:$0x1], $0xffff  }
0x121: {  	v12 =	vld.idx.msk [tilespmem:v2+s11+$0x4040 ss:$0x1], $0xffff;
	v8 =	vmul.f32 v9, v8;
	v9, _, _ =	vpop (xrf2);
	(xrf2) =	vadd.scan.msk.f32 $0xffff, v11  }
0x122: {  	v7 =	vmul.f32 v7, v5;
	v5 =	vld.idx.msk [tilespmem:v1+s11+$0x4060 ss:$0x1], $0xffff  }
0x123: {  	v13 =	vld.idx.msk [tilespmem:v1+s11+$0x4050 ss:$0x1], $0xffff  }
0x124: {  	v14 =	vld.idx.msk [tilespmem:v2+s11+$0x4050 ss:$0x1], $0xffff  }
0x125: {  	v7 =	vadd.f32 v7, v6;
	v6 =	vld.idx.msk [tilespmem:v2+s11+$0x4060 ss:$0x1], $0xffff  }
0x126: {  	v4 =	vld.idx.msk [tilespmem:v1+s11+$0x4070 ss:$0x1], $0xffff  }
0x127: {  	s7 =	simm.s32 $0x180;
	v15 =	vmov s30;
	v10 =	vmul.f32 v12, v10;
	v63 =	vadd.f32 v8, v7;
	v7 =	vld.idx.msk [tilespmem:v2+s11+$0x4070 ss:$0x1], $0xffff  }
0x128: {  	vm0 =	veq.s32 v15, v0;
	v8 =	vld.idx.msk [tilespmem:v1+s7+$0x4000 ss:$0x1], $0xffff;
	v9 =	vbroadcast v9, $0xF  }
0x129: {  	v3 =	vimm.f32 $0.0e+00;
	v12 =	vmul.f32 v14, v13;
	v11 =	vadd.f32 v10, v63;
	v10 =	vld.idx.msk [tilespmem:v1+s7+$0x4010 ss:$0x1], $0xffff  }
0x12a: {  	s9 =	simm.s32 $0x800;
	s6 =	simm.s32 $0x0;
	v3 =	vsel vm0, v9, v3;
	v9 =	vld.idx.msk [tilespmem:v2+s7+$0x4000 ss:$0x1], $0xffff  }
.LBB2_11:
0x12b: {  	p0 =	sne.s32 s9, $0x1E00;
	v13 =	vld.idx.msk [tilespmem:v2+s7+$0x4010 ss:$0x1], $0xffff;
	v11 =	vadd.f32 v12, v11;
	v5 =	vmul.f32 v6, v5;
	v6, _, _ =	vpop (xrf2);
	s6 =	sadd.s32 $0x1, s6  }
0x12c: {  	v12 =	vld.idx.msk [tilespmem:v1+s7+$0x4020 ss:$0x1], $0xffff;
	v14 =	vmov s6;
	v6 =	vbroadcast v6, $0xF  }
0x12d: {  	v4 =	vmul.f32 v7, v4;
	v15 =	vld.idx.msk [tilespmem:v2+s7+$0x4020 ss:$0x1], $0xffff;
	v5 =	vadd.f32 v5, v11;
	vm0 =	veq.s32 v14, v0  }
0x12e: {  	v7 =	vld.idx.msk [tilespmem:v1+s7+$0x4030 ss:$0x1], $0xffff;
	v3 =	vsel vm0, v6, v3  }
0x12f: {  	v6 =	vld.idx.msk [tilespmem:v2+s7+$0x4030 ss:$0x1], $0xffff;
	v4 =	vadd.f32 v4, v5  }
0x130: {  	v11 =	vld.idx.msk [tilespmem:v1+s7+$0x4040 ss:$0x1], $0xffff  }
0x131: {  	v5 =	vmul.f32 v9, v8;
	v8 =	vmul.f32 v13, v10;
	v9 =	vld.idx.msk [tilespmem:v2+s7+$0x4040 ss:$0x1], $0xffff;
	(xrf2) =	vadd.scan.msk.f32 $0xffff, v4  }
0x132: {  	v10 =	vld.idx.msk [tilespmem:v1+s7+$0x4050 ss:$0x1], $0xffff  }
0x133: {  	v4 =	vadd.f32 v8, v5;
	v8 =	vmul.f32 v15, v12;
	v12 =	vld.idx.msk [tilespmem:v2+s7+$0x4050 ss:$0x1], $0xffff  }
0x134: {  	v5 =	vld.idx.msk [tilespmem:v1+s7+$0x4060 ss:$0x1], $0xffff  }
0x135: {  	v8 =	vadd.f32 v8, v4;
	v7 =	vmul.f32 v6, v7;
	v6 =	vld.idx.msk [tilespmem:v2+s7+$0x4060 ss:$0x1], $0xffff  }
.Ltmp4:
0x136: {  	v4 =	vld.idx.msk [tilespmem:v1+s7+$0x4070 ss:$0x1], $0xffff;
	(pc) =	sbr.rel @p0 .LBB2_11-.Ltmp4, $4  }
0x137: {  	v13 =	vadd.f32 v7, v8;
	v11 =	vmul.f32 v9, v11;
	v7 =	vld.idx.msk [tilespmem:v2+s7+$0x4070 ss:$0x1], $0xffff;
	s7 =	sshra.s32 s9, $0x2  }
0x138: {  	v8 =	vld.idx.msk [tilespmem:v1+s7+$0x4000 ss:$0x1], $0xffff  }
0x139: {  	v11 =	vadd.f32 v11, v13;
	v12 =	vmul.f32 v12, v10;
	v9 =	vld.idx.msk [tilespmem:v2+s7+$0x4000 ss:$0x1], $0xffff  }
0x13a: {  	s9 =	sadd.s32 $0x200, s9;
	v10 =	vld.idx.msk [tilespmem:v1+s7+$0x4010 ss:$0x1], $0xffff  }
0x13b: {  	_ =	sdelay $0x3  }
0x13c: {  	v13 =	vld.idx.msk [tilespmem:v2+s7+$0x4010 ss:$0x1], $0xffff  }
0x13d: {  	v14 =	vld.idx.msk [tilespmem:v1+s7+$0x4020 ss:$0x1], $0xffff  }
0x13e: {  	v15 =	vld.idx.msk [tilespmem:v2+s7+$0x4020 ss:$0x1], $0xffff  }
0x13f: {  	v16 =	vld.idx.msk [tilespmem:v1+s7+$0x4030 ss:$0x1], $0xffff  }
0x140: {  	v17 =	vld.idx.msk [tilespmem:v2+s7+$0x4030 ss:$0x1], $0xffff  }
0x141: {  	v52 =	vld.idx.msk [tilespmem:v1+s7+$0x4040 ss:$0x1], $0xffff;
	v8 =	vmul.f32 v9, v8;
	v10 =	vmul.f32 v13, v10  }
0x142: {  	v53 =	vld.idx.msk [tilespmem:v2+s7+$0x4040 ss:$0x1], $0xffff  }
0x143: {  	v54 =	vld.idx.msk [tilespmem:v1+s7+$0x4050 ss:$0x1], $0xffff;
	v14 =	vmul.f32 v15, v14;
	v8 =	vadd.f32 v10, v8  }
0x144: {  	v55 =	vld.idx.msk [tilespmem:v2+s7+$0x4050 ss:$0x1], $0xffff  }
0x145: {  	v56 =	vld.idx.msk [tilespmem:v1+s7+$0x4060 ss:$0x1], $0xffff;
	v16 =	vmul.f32 v17, v16;
	v8 =	vadd.f32 v14, v8  }
0x146: {  	v57 =	vld.idx.msk [tilespmem:v2+s7+$0x4060 ss:$0x1], $0xffff  }
0x147: {  	v1 =	vld.idx.msk [tilespmem:v1+s7+$0x4070 ss:$0x1], $0xffff;
	v9 =	vmul.f32 v53, v52;
	v8 =	vadd.f32 v16, v8  }
0x148: {  	v2 =	vld.idx.msk [tilespmem:v2+s7+$0x4070 ss:$0x1], $0xffff  }
0x149: {  	v58 =	vmul.f32 v55, v54;
	v8 =	vadd.f32 v9, v8  }
0x14a: {  	v59 =	vadd.f32 v12, v11;
	v5 =	vmul.f32 v6, v5  }
0x14b: {  	v61 =	vmul.f32 v57, v56;
	v60 =	vadd.f32 v58, v8  }
0x14c: {  	v4 =	vmul.f32 v7, v4;
	v5 =	vadd.f32 v5, v59  }
0x14d: {  	v1 =	vmul.f32 v2, v1;
	v6 =	vadd.f32 v61, v60  }
0x14e: {  	v2 =	vadd.f32 v4, v5  }
0x14f: {  	v1 =	vadd.f32 v1, v6  }
0x150: {  	(xrf2) =	vadd.scan.msk.f32 $0xffff, v2  }
0x151: {  	(xrf2) =	vadd.scan.msk.f32 $0xffff, v1;
	_ =	sdelay $0x6  }
0x152: {  	s6 =	sadd.s32 $0x1, s6;
	v1, _, _ =	vpop (xrf2)  }
0x153: {  	s11 =	sshll.u32 s5, $0x4;
	s5 =	sadd.s32 $0x1, s5;
	v2 =	vmov s6;
	v1 =	vbroadcast v1, $0xF  }
0x154: {  	p0 =	sne.s32 s5, $0x4;
	s6 =	sadd.s32 $0x1, s6;
	vm0 =	veq.s32 v2, v0;
	v62, _, _ =	vpop (xrf2)  }
.Ltmp5:
0x155: {  	v2 =	vmov s6;
	s6 =	sadd.s32 $0x1, s6;
	v1 =	vsel vm0, v1, v3;
	v3 =	vbroadcast v62, $0xF;
	v63, _, _ =	vpop (xrf2);
	(pc) =	sbr.rel @p0 .LBB2_10-.Ltmp5, $4  }
0x156: {  	vm14 =	veq.s32 v2, v0;
	v2 =	vmov s6;
	v4 =	vbroadcast v63, $0xF  }
0x157: {  	vm15 =	veq.s32 v2, v0;
	v1 =	vsel vm14, v3, v1  }
0x158: {  	s6 =	sand.u32 $0x3FFFFFF0, s11;
	v1 =	vsel vm15, v4, v1  }
0x159: {  	s0 =	sadd.s32 $0x800, s0;
	s26 =	sadd.s32 $0x800, s26;
	[tilespmem:s6+$0x10480] =	vst v1  }
0x15a: {  	s0 =	simm.s32 $0x4400;
	s5 =	simm.s32 $0x180  }
0x15b: {  	[tilespmem:s0], [sflag:$0x3] =	stream.indirect.gather [hbm4b:s1+s19], $0x80, s5, s19, $0xb8;
	[tilespmem:$0x10600] =	vst v63  }
0x15c: {  	s9 =	simm.s32 $0xC400;
	s10 =	simm.s32 $0x380  }
0x15d: {  	[tilespmem:s9], [sflag:$0x7] =	stream.indirect.gather [hbm4b:s2+s19], $0x80, s10, s19, $0xb8;
	[tilespmem:$0x10600] =	vst v63  }
0x15e: {  	s30 =	simm.s32 $0x0;
	s11 =	rddreg [dreg:$0xb];
	s26 =	simm.s32 $0x10480  }
0x15f: {  	[hbm4b:s11+s30] =	stream.linear.scatter [tilespmem:s26], [sflag:$0xA], $0x40, $0x38;
	[tilespmem:$0x10600] =	vst v63  }
0x160: {  	_ =	swait.ge [sflag:s23], $0x2000  }
0x161: {  	[sflag:s23] =	ssyncset.done $0x0  }
0x162: {  	[sflag:s23] =	ssyncadd.s32 $0xFFFFE000  }
0x163: {  	_ =	swait.ge [sflag:s24], $0x2000  }
0x164: {  	s0 =	simm.s32 $0x400;
	[sflag:s24] =	ssyncset.done $0x0  }
0x165: {  	s5 =	simm.s32 $0x0;
	s26 =	simm.s32 $0x8400;
	[sflag:s24] =	ssyncadd.s32 $0xFFFFE000  }
.LBB2_14:
0x166: {  	v1 =	vmov s0  }
0x167: {  	v2 =	vmov s26;
	_ =	sdelay $0x2  }
0x168: {  	s6 =	simm.s32 $0x0  }
0x169: {  	v3 =	vld.idx.msk [tilespmem:v1+s6+$0x6000 ss:$0x1], $0xffff  }
0x16a: {  	v4 =	vld.idx.msk [tilespmem:v2+s6+$0x6000 ss:$0x1], $0xffff  }
0x16b: {  	v5 =	vld.idx.msk [tilespmem:v1+s6+$0x6010 ss:$0x1], $0xffff  }
0x16c: {  	v6 =	vld.idx.msk [tilespmem:v2+s6+$0x6010 ss:$0x1], $0xffff  }
0x16d: {  	v7 =	vld.idx.msk [tilespmem:v1+s6+$0x6020 ss:$0x1], $0xffff  }
0x16e: {  	v8 =	vld.idx.msk [tilespmem:v2+s6+$0x6020 ss:$0x1], $0xffff  }
0x16f: {  	v9 =	vld.idx.msk [tilespmem:v1+s6+$0x6030 ss:$0x1], $0xffff  }
0x170: {  	v10 =	vld.idx.msk [tilespmem:v2+s6+$0x6030 ss:$0x1], $0xffff  }
0x171: {  	v11 =	vld.idx.msk [tilespmem:v1+s6+$0x6040 ss:$0x1], $0xffff  }
0x172: {  	v12 =	vld.idx.msk [tilespmem:v2+s6+$0x6040 ss:$0x1], $0xffff  }
0x173: {  	v13 =	vld.idx.msk [tilespmem:v1+s6+$0x6050 ss:$0x1], $0xffff  }
0x174: {  	v14 =	vld.idx.msk [tilespmem:v2+s6+$0x6050 ss:$0x1], $0xffff  }
0x175: {  	v15 =	vld.idx.msk [tilespmem:v1+s6+$0x6060 ss:$0x1], $0xffff  }
0x176: {  	v16 =	vld.idx.msk [tilespmem:v2+s6+$0x6060 ss:$0x1], $0xffff  }
0x177: {  	v17 =	vld.idx.msk [tilespmem:v1+s6+$0x6070 ss:$0x1], $0xffff  }
0x178: {  	s7 =	simm.s32 $0x80;
	v18 =	vld.idx.msk [tilespmem:v2+s6+$0x6070 ss:$0x1], $0xffff  }
0x179: {  	v19 =	vld.idx.msk [tilespmem:v1+s7+$0x6000 ss:$0x1], $0xffff;
	v3 =	vmul.f32 v4, v3;
	v4 =	vmul.f32 v6, v5  }
0x17a: {  	v20 =	vld.idx.msk [tilespmem:v2+s7+$0x6000 ss:$0x1], $0xffff  }
0x17b: {  	v21 =	vld.idx.msk [tilespmem:v1+s7+$0x6010 ss:$0x1], $0xffff;
	v3 =	vadd.f32 v4, v3;
	v4 =	vmul.f32 v8, v7  }
0x17c: {  	s11 =	simm.s32 $0x100;
	v22 =	vld.idx.msk [tilespmem:v2+s7+$0x6010 ss:$0x1], $0xffff  }
0x17d: {  	v60 =	vld.idx.msk [tilespmem:v1+s11+$0x6000 ss:$0x1], $0xffff;
	v3 =	vadd.f32 v4, v3;
	v4 =	vmul.f32 v10, v9  }
0x17e: {  	v61 =	vld.idx.msk [tilespmem:v2+s11+$0x6000 ss:$0x1], $0xffff  }
0x17f: {  	v62 =	vld.idx.msk [tilespmem:v2+s11+$0x6010 ss:$0x1], $0xffff;
	v3 =	vadd.f32 v4, v3;
	v4 =	vmul.f32 v12, v11  }
0x180: {  	v5 =	vld.idx.msk [tilespmem:v1+s7+$0x6020 ss:$0x1], $0xffff  }
0x181: {  	v6 =	vld.idx.msk [tilespmem:v2+s7+$0x6020 ss:$0x1], $0xffff;
	v3 =	vadd.f32 v4, v3;
	v4 =	vmul.f32 v14, v13  }
0x182: {  	v7 =	vld.idx.msk [tilespmem:v1+s7+$0x6030 ss:$0x1], $0xffff  }
0x183: {  	v8 =	vld.idx.msk [tilespmem:v2+s7+$0x6030 ss:$0x1], $0xffff;
	v3 =	vadd.f32 v4, v3;
	v4 =	vmul.f32 v16, v15  }
0x184: {  	v57 =	vmul.f32 v18, v17;
	v9 =	vld.idx.msk [tilespmem:v1+s7+$0x6040 ss:$0x1], $0xffff  }
0x185: {  	v59 =	vmul.f32 v22, v21;
	v10 =	vld.idx.msk [tilespmem:v2+s7+$0x6040 ss:$0x1], $0xffff;
	v3 =	vadd.f32 v4, v3;
	v4 =	vmul.f32 v20, v19  }
0x186: {  	v5 =	vmul.f32 v6, v5;
	v6 =	vld.idx.msk [tilespmem:v1+s11+$0x6010 ss:$0x1], $0xffff  }
0x187: {  	v11 =	vld.idx.msk [tilespmem:v1+s7+$0x6050 ss:$0x1], $0xffff;
	v3 =	vadd.f32 v57, v3;
	v4 =	vadd.f32 v59, v4  }
0x188: {  	v12 =	vld.idx.msk [tilespmem:v2+s7+$0x6050 ss:$0x1], $0xffff  }
0x189: {  	v13 =	vld.idx.msk [tilespmem:v1+s7+$0x6060 ss:$0x1], $0xffff;
	(xrf2) =	vadd.scan.msk.f32 $0xffff, v3;
	v3 =	vadd.f32 v5, v4;
	v4 =	vmul.f32 v8, v7  }
0x18a: {  	v14 =	vld.idx.msk [tilespmem:v2+s7+$0x6060 ss:$0x1], $0xffff  }
0x18b: {  	v58 =	vld.idx.msk [tilespmem:v2+s7+$0x6070 ss:$0x1], $0xffff;
	v3 =	vadd.f32 v4, v3;
	v4 =	vmul.f32 v10, v9  }
0x18c: {  	v15 =	vld.idx.msk [tilespmem:v1+s7+$0x6070 ss:$0x1], $0xffff  }
0x18d: {  	v3 =	vadd.f32 v4, v3;
	v4 =	vmul.f32 v12, v11  }
0x18e: {  	v6 =	vmul.f32 v62, v6;
	v5 =	vld.idx.msk [tilespmem:v1+s11+$0x6020 ss:$0x1], $0xffff  }
0x18f: {  	v8 =	vld.idx.msk [tilespmem:v1+s11+$0x6030 ss:$0x1], $0xffff;
	v11 =	vmul.f32 v61, v60;
	v3 =	vadd.f32 v4, v3;
	v4 =	vmul.f32 v14, v13  }
0x190: {  	v9 =	vld.idx.msk [tilespmem:v2+s11+$0x6030 ss:$0x1], $0xffff  }
0x191: {  	v7 =	vld.idx.msk [tilespmem:v2+s11+$0x6020 ss:$0x1], $0xffff;
	v6 =	vadd.f32 v6, v11;
	v11 =	vmul.f32 v58, v15;
	v3 =	vadd.f32 v4, v3;
	_ =	sdelay $0x1  }
0x192: {  	v11 =	vadd.f32 v11, v3  }
0x193: {  	v10 =	vld.idx.msk [tilespmem:v1+s11+$0x6040 ss:$0x1], $0xffff  }
0x194: {  	v12 =	vld.idx.msk [tilespmem:v2+s11+$0x6040 ss:$0x1], $0xffff;
	v8 =	vmul.f32 v9, v8;
	v9, _, _ =	vpop (xrf2);
	(xrf2) =	vadd.scan.msk.f32 $0xffff, v11  }
0x195: {  	v7 =	vmul.f32 v7, v5;
	v5 =	vld.idx.msk [tilespmem:v1+s11+$0x6060 ss:$0x1], $0xffff  }
0x196: {  	v13 =	vld.idx.msk [tilespmem:v1+s11+$0x6050 ss:$0x1], $0xffff  }
0x197: {  	v14 =	vld.idx.msk [tilespmem:v2+s11+$0x6050 ss:$0x1], $0xffff  }
0x198: {  	v7 =	vadd.f32 v7, v6;
	v6 =	vld.idx.msk [tilespmem:v2+s11+$0x6060 ss:$0x1], $0xffff  }
0x199: {  	v4 =	vld.idx.msk [tilespmem:v1+s11+$0x6070 ss:$0x1], $0xffff  }
0x19a: {  	s7 =	simm.s32 $0x180;
	v15 =	vmov s30;
	v10 =	vmul.f32 v12, v10;
	v63 =	vadd.f32 v8, v7;
	v7 =	vld.idx.msk [tilespmem:v2+s11+$0x6070 ss:$0x1], $0xffff  }
0x19b: {  	vm0 =	veq.s32 v15, v0;
	v8 =	vld.idx.msk [tilespmem:v1+s7+$0x6000 ss:$0x1], $0xffff;
	v9 =	vbroadcast v9, $0xF  }
0x19c: {  	v3 =	vimm.f32 $0.0e+00;
	v12 =	vmul.f32 v14, v13;
	v11 =	vadd.f32 v10, v63;
	v10 =	vld.idx.msk [tilespmem:v1+s7+$0x6010 ss:$0x1], $0xffff  }
0x19d: {  	s9 =	simm.s32 $0x800;
	s6 =	simm.s32 $0x0;
	v3 =	vsel vm0, v9, v3;
	v9 =	vld.idx.msk [tilespmem:v2+s7+$0x6000 ss:$0x1], $0xffff  }
.LBB2_15:
0x19e: {  	p0 =	sne.s32 s9, $0x1E00;
	v13 =	vld.idx.msk [tilespmem:v2+s7+$0x6010 ss:$0x1], $0xffff;
	v11 =	vadd.f32 v12, v11;
	v5 =	vmul.f32 v6, v5;
	v6, _, _ =	vpop (xrf2);
	s6 =	sadd.s32 $0x1, s6  }
0x19f: {  	v12 =	vld.idx.msk [tilespmem:v1+s7+$0x6020 ss:$0x1], $0xffff;
	v14 =	vmov s6;
	v6 =	vbroadcast v6, $0xF  }
0x1a0: {  	v4 =	vmul.f32 v7, v4;
	v15 =	vld.idx.msk [tilespmem:v2+s7+$0x6020 ss:$0x1], $0xffff;
	v5 =	vadd.f32 v5, v11;
	vm0 =	veq.s32 v14, v0  }
0x1a1: {  	v7 =	vld.idx.msk [tilespmem:v1+s7+$0x6030 ss:$0x1], $0xffff;
	v3 =	vsel vm0, v6, v3  }
0x1a2: {  	v6 =	vld.idx.msk [tilespmem:v2+s7+$0x6030 ss:$0x1], $0xffff;
	v4 =	vadd.f32 v4, v5  }
0x1a3: {  	v11 =	vld.idx.msk [tilespmem:v1+s7+$0x6040 ss:$0x1], $0xffff  }
0x1a4: {  	v5 =	vmul.f32 v9, v8;
	v8 =	vmul.f32 v13, v10;
	v9 =	vld.idx.msk [tilespmem:v2+s7+$0x6040 ss:$0x1], $0xffff;
	(xrf2) =	vadd.scan.msk.f32 $0xffff, v4  }
0x1a5: {  	v10 =	vld.idx.msk [tilespmem:v1+s7+$0x6050 ss:$0x1], $0xffff  }
0x1a6: {  	v4 =	vadd.f32 v8, v5;
	v8 =	vmul.f32 v15, v12;
	v12 =	vld.idx.msk [tilespmem:v2+s7+$0x6050 ss:$0x1], $0xffff  }
0x1a7: {  	v5 =	vld.idx.msk [tilespmem:v1+s7+$0x6060 ss:$0x1], $0xffff  }
0x1a8: {  	v8 =	vadd.f32 v8, v4;
	v7 =	vmul.f32 v6, v7;
	v6 =	vld.idx.msk [tilespmem:v2+s7+$0x6060 ss:$0x1], $0xffff  }
.Ltmp6:
0x1a9: {  	v4 =	vld.idx.msk [tilespmem:v1+s7+$0x6070 ss:$0x1], $0xffff;
	(pc) =	sbr.rel @p0 .LBB2_15-.Ltmp6, $4  }
0x1aa: {  	v13 =	vadd.f32 v7, v8;
	v11 =	vmul.f32 v9, v11;
	v7 =	vld.idx.msk [tilespmem:v2+s7+$0x6070 ss:$0x1], $0xffff;
	s7 =	sshra.s32 s9, $0x2  }
0x1ab: {  	v8 =	vld.idx.msk [tilespmem:v1+s7+$0x6000 ss:$0x1], $0xffff  }
0x1ac: {  	v11 =	vadd.f32 v11, v13;
	v12 =	vmul.f32 v12, v10;
	v9 =	vld.idx.msk [tilespmem:v2+s7+$0x6000 ss:$0x1], $0xffff  }
0x1ad: {  	s9 =	sadd.s32 $0x200, s9;
	v10 =	vld.idx.msk [tilespmem:v1+s7+$0x6010 ss:$0x1], $0xffff  }
0x1ae: {  	_ =	sdelay $0x3  }
0x1af: {  	v13 =	vld.idx.msk [tilespmem:v2+s7+$0x6010 ss:$0x1], $0xffff  }
0x1b0: {  	v14 =	vld.idx.msk [tilespmem:v1+s7+$0x6020 ss:$0x1], $0xffff  }
0x1b1: {  	v15 =	vld.idx.msk [tilespmem:v2+s7+$0x6020 ss:$0x1], $0xffff  }
0x1b2: {  	v16 =	vld.idx.msk [tilespmem:v1+s7+$0x6030 ss:$0x1], $0xffff  }
0x1b3: {  	v17 =	vld.idx.msk [tilespmem:v2+s7+$0x6030 ss:$0x1], $0xffff  }
0x1b4: {  	v52 =	vld.idx.msk [tilespmem:v1+s7+$0x6040 ss:$0x1], $0xffff;
	v8 =	vmul.f32 v9, v8;
	v10 =	vmul.f32 v13, v10  }
0x1b5: {  	v53 =	vld.idx.msk [tilespmem:v2+s7+$0x6040 ss:$0x1], $0xffff  }
0x1b6: {  	v54 =	vld.idx.msk [tilespmem:v1+s7+$0x6050 ss:$0x1], $0xffff;
	v14 =	vmul.f32 v15, v14;
	v8 =	vadd.f32 v10, v8  }
0x1b7: {  	v55 =	vld.idx.msk [tilespmem:v2+s7+$0x6050 ss:$0x1], $0xffff  }
0x1b8: {  	v56 =	vld.idx.msk [tilespmem:v1+s7+$0x6060 ss:$0x1], $0xffff;
	v16 =	vmul.f32 v17, v16;
	v8 =	vadd.f32 v14, v8  }
0x1b9: {  	v57 =	vld.idx.msk [tilespmem:v2+s7+$0x6060 ss:$0x1], $0xffff  }
0x1ba: {  	v1 =	vld.idx.msk [tilespmem:v1+s7+$0x6070 ss:$0x1], $0xffff;
	v9 =	vmul.f32 v53, v52;
	v8 =	vadd.f32 v16, v8  }
0x1bb: {  	v2 =	vld.idx.msk [tilespmem:v2+s7+$0x6070 ss:$0x1], $0xffff  }
0x1bc: {  	v58 =	vmul.f32 v55, v54;
	v8 =	vadd.f32 v9, v8  }
0x1bd: {  	v59 =	vadd.f32 v12, v11;
	v5 =	vmul.f32 v6, v5  }
0x1be: {  	v61 =	vmul.f32 v57, v56;
	v60 =	vadd.f32 v58, v8  }
0x1bf: {  	v4 =	vmul.f32 v7, v4;
	v5 =	vadd.f32 v5, v59  }
0x1c0: {  	v1 =	vmul.f32 v2, v1;
	v6 =	vadd.f32 v61, v60  }
0x1c1: {  	v2 =	vadd.f32 v4, v5  }
0x1c2: {  	v1 =	vadd.f32 v1, v6  }
0x1c3: {  	(xrf2) =	vadd.scan.msk.f32 $0xffff, v2  }
0x1c4: {  	(xrf2) =	vadd.scan.msk.f32 $0xffff, v1;
	_ =	sdelay $0x6  }
0x1c5: {  	s6 =	sadd.s32 $0x1, s6;
	v1, _, _ =	vpop (xrf2)  }
0x1c6: {  	s11 =	sshll.u32 s5, $0x4;
	s5 =	sadd.s32 $0x1, s5;
	v2 =	vmov s6;
	v1 =	vbroadcast v1, $0xF  }
0x1c7: {  	p0 =	sne.s32 s5, $0x4;
	s6 =	sadd.s32 $0x1, s6;
	vm0 =	veq.s32 v2, v0;
	v62, _, _ =	vpop (xrf2)  }
.Ltmp7:
0x1c8: {  	v2 =	vmov s6;
	s6 =	sadd.s32 $0x1, s6;
	v1 =	vsel vm0, v1, v3;
	v3 =	vbroadcast v62, $0xF;
	v63, _, _ =	vpop (xrf2);
	(pc) =	sbr.rel @p0 .LBB2_14-.Ltmp7, $4  }
0x1c9: {  	vm14 =	veq.s32 v2, v0;
	v2 =	vmov s6;
	v4 =	vbroadcast v63, $0xF  }
0x1ca: {  	vm15 =	veq.s32 v2, v0;
	v1 =	vsel vm14, v3, v1  }
0x1cb: {  	s6 =	sand.u32 $0x3FFFFFF0, s11;
	v1 =	vsel vm15, v4, v1  }
0x1cc: {  	s0 =	sadd.s32 $0x800, s0;
	s26 =	sadd.s32 $0x800, s26;
	[tilespmem:s6+$0x104C0] =	vst v1  }
0x1cd: {  	s0 =	simm.s32 $0x6400;
	s5 =	simm.s32 $0x1C0  }
0x1ce: {  	[tilespmem:s0], [sflag:$0x4] =	stream.indirect.gather [hbm4b:s1+s19], $0x80, s5, s19, $0xb8;
	[tilespmem:$0x10600] =	vst v63  }
0x1cf: {  	s10 =	simm.s32 $0xE400;
	s11 =	simm.s32 $0x3C0  }
0x1d0: {  	[tilespmem:s10], [sflag:$0x8] =	stream.indirect.gather [hbm4b:s2+s19], $0x80, s11, s19, $0xb8;
	[tilespmem:$0x10600] =	vst v63  }
0x1d1: {  	s26 =	simm.s32 $0x104C0;
	s0 =	simm.s32 $0x0  }
0x1d2: {  	[hbm4b:s12+s0] =	stream.linear.scatter [tilespmem:s26], [sflag:$0xA], $0x40, $0x38;
	[tilespmem:$0x10600] =	vst v63  }
0x1d3: {  	_ =	swait.ge [sflag:s29], $0x2000  }
0x1d4: {  	[sflag:s29] =	ssyncset.done $0x0  }
0x1d5: {  	[sflag:s29] =	ssyncadd.s32 $0xFFFFE000  }
0x1d6: {  	_ =	swait.ge [sflag:s31], $0x2000  }
0x1d7: {  	s30 =	simm.s32 $0x0;
	[sflag:s31] =	ssyncset.done $0x0  }
0x1d8: {  	s5 =	simm.s32 $0x440;
	s26 =	simm.s32 $0x8440;
	[sflag:s31] =	ssyncadd.s32 $0xFFFFE000  }
.LBB2_18:
0x1d9: {  	v1 =	vld [tilespmem:s5+$0xFFFFFFC0]  }
0x1da: {  	v2 =	vld [tilespmem:s26+$0xFFFFFFC0]  }
0x1db: {  	v3 =	vld [tilespmem:s5+$0xFFFFFFD0]  }
0x1dc: {  	v4 =	vld [tilespmem:s26+$0xFFFFFFD0]  }
0x1dd: {  	v5 =	vld [tilespmem:s5+$0xFFFFFFE0]  }
0x1de: {  	v6 =	vld [tilespmem:s26+$0xFFFFFFE0]  }
0x1df: {  	v7 =	vld [tilespmem:s5+$0xFFFFFFF0]  }
0x1e0: {  	v8 =	vld [tilespmem:s26+$0xFFFFFFF0]  }
0x1e1: {  	v1 =	vmul.f32 v2, v1;
	v2 =	vmul.f32 v4, v3;
	v3 =	vld [tilespmem:s5+$0x0]  }
0x1e2: {  	v4 =	vld [tilespmem:s26+$0x0]  }
0x1e3: {  	v1 =	vadd.f32 v2, v1;
	v2 =	vmul.f32 v6, v5;
	v5 =	vld [tilespmem:s5+$0x10]  }
0x1e4: {  	v6 =	vld [tilespmem:s26+$0x10]  }
0x1e5: {  	v1 =	vadd.f32 v2, v1;
	v2 =	vmul.f32 v8, v7;
	v7 =	vld [tilespmem:s5+$0x20]  }
0x1e6: {  	v8 =	vld [tilespmem:s26+$0x20]  }
0x1e7: {  	v1 =	vadd.f32 v2, v1;
	v2 =	vmul.f32 v4, v3;
	v3 =	vld [tilespmem:s5+$0x30]  }
0x1e8: {  	s6 =	sadd.s32 $0x80, s5;
	v4 =	vld [tilespmem:s26+$0x30]  }
0x1e9: {  	s7 =	sadd.s32 $0x80, s26;
	v9 =	vld [tilespmem:s6+$0xFFFFFFC0];
	v1 =	vadd.f32 v2, v1;
	v2 =	vmul.f32 v6, v5  }
0x1ea: {  	v5 =	vld [tilespmem:s7+$0xFFFFFFC0]  }
0x1eb: {  	v6 =	vld [tilespmem:s6+$0xFFFFFFD0];
	v1 =	vadd.f32 v2, v1;
	v2 =	vmul.f32 v8, v7  }
0x1ec: {  	v7 =	vld [tilespmem:s7+$0xFFFFFFD0]  }
0x1ed: {  	v8 =	vld [tilespmem:s6+$0xFFFFFFE0];
	v1 =	vadd.f32 v2, v1;
	v2 =	vmul.f32 v4, v3  }
0x1ee: {  	v3 =	vld [tilespmem:s7+$0xFFFFFFE0]  }
0x1ef: {  	v4 =	vld [tilespmem:s6+$0xFFFFFFF0];
	v1 =	vadd.f32 v2, v1  }
0x1f0: {  	v2 =	vld [tilespmem:s7+$0xFFFFFFF0]  }
0x1f1: {  	v5 =	vmul.f32 v5, v9;
	v6 =	vmul.f32 v7, v6;
	v7 =	vld [tilespmem:s6+$0x0];
	(xrf2) =	vadd.scan.msk.f32 $0xffff, v1  }
0x1f2: {  	v1 =	vld [tilespmem:s7+$0x0]  }
0x1f3: {  	v5 =	vadd.f32 v6, v5;
	v3 =	vmul.f32 v3, v8;
	v6 =	vld [tilespmem:s6+$0x10]  }
0x1f4: {  	v8 =	vld [tilespmem:s7+$0x10]  }
0x1f5: {  	v10 =	vld [tilespmem:s7+$0x20];
	v3 =	vadd.f32 v3, v5;
	v2 =	vmul.f32 v2, v4  }
0x1f6: {  	v5 =	vld [tilespmem:s6+$0x20]  }
0x1f7: {  	v9 =	vadd.f32 v2, v3;
	v1 =	vmul.f32 v1, v7;
	v2 =	vld [tilespmem:s6+$0x30]  }
0x1f8: {  	s10 =	sadd.s32 $0x80, s7;
	v3 =	vld [tilespmem:s7+$0x30]  }
0x1f9: {  	s9 =	sadd.s32 $0x80, s6;
	v11 =	vld [tilespmem:s10+$0xFFFFFFD0];
	v6 =	vmul.f32 v8, v6;
	v7 =	vadd.f32 v1, v9  }
0x1fa: {  	v4 =	vld [tilespmem:s9+$0xFFFFFFC0]  }
0x1fb: {  	v8 =	vld [tilespmem:s10+$0xFFFFFFC0];
	v10 =	vmul.f32 v10, v5;
	v6 =	vadd.f32 v6, v7;
	v12, _, _ =	vpop (xrf2)  }
0x1fc: {  	s11 =	simm.s32 $0x3;
	s7 =	simm.s32 $0x1;
	s6 =	simm.s32 $0x2;
	v1 =	vimm.f32 $0.0e+00;
	v9 =	vld [tilespmem:s9+$0xFFFFFFD0];
	v7 =	vmov s0;
	v5 =	vbroadcast v12, $0xF  }
.LBB2_19:
0x1fd: {  	p0 =	sne.s32 s11, $0xF;
	v12 =	vld [tilespmem:s9+$0xFFFFFFE0];
	v6 =	vadd.f32 v10, v6;
	v2 =	vmul.f32 v3, v2;
	vm0 =	veq.s32 v7, v0  }
0x1fe: {  	v3 =	vld [tilespmem:s10+$0xFFFFFFE0];
	v1 =	vsel vm0, v5, v1  }
0x1ff: {  	v5 =	vld [tilespmem:s9+$0xFFFFFFF0];
	v2 =	vadd.f32 v2, v6  }
0x200: {  	v6 =	vld [tilespmem:s10+$0xFFFFFFF0]  }
0x201: {  	v4 =	vmul.f32 v8, v4;
	v7 =	vmul.f32 v11, v9;
	v8 =	vld [tilespmem:s9+$0x0];
	(xrf2) =	vadd.scan.msk.f32 $0xffff, v2  }
0x202: {  	v2 =	vld [tilespmem:s10+$0x0]  }
0x203: {  	v4 =	vadd.f32 v7, v4;
	v3 =	vmul.f32 v3, v12;
	v7 =	vld [tilespmem:s9+$0x10]  }
0x204: {  	v9 =	vld [tilespmem:s10+$0x10]  }
0x205: {  	v3 =	vadd.f32 v3, v4;
	v4 =	vmul.f32 v6, v5;
	v5 =	vld [tilespmem:s9+$0x20]  }
0x206: {  	v10 =	vld [tilespmem:s10+$0x20]  }
0x207: {  	v6 =	vadd.f32 v4, v3;
	v8 =	vmul.f32 v2, v8;
	v2 =	vld [tilespmem:s9+$0x30]  }
.Ltmp8:
0x208: {  	s9 =	sadd.s32 $0x80, s9;
	v3 =	vld [tilespmem:s10+$0x30];
	(pc) =	sbr.rel @p0 .LBB2_19-.Ltmp8, $4  }
0x209: {  	s10 =	sadd.s32 $0x80, s10;
	v4 =	vld [tilespmem:s9+$0xFFFFFFC0];
	v6 =	vadd.f32 v8, v6;
	v7 =	vmul.f32 v9, v7  }
0x20a: {  	v8 =	vld [tilespmem:s10+$0xFFFFFFC0]  }
0x20b: {  	v9 =	vld [tilespmem:s9+$0xFFFFFFD0];
	v6 =	vadd.f32 v7, v6;
	v10 =	vmul.f32 v10, v5;
	v5, _, _ =	vpop (xrf2)  }
0x20c: {  	v7 =	vmov s7;
	s7 =	smov.u32 s6;
	s6 =	smov.u32 s11;
	s11 =	sadd.s32 $0x1, s11;
	v11 =	vld [tilespmem:s10+$0xFFFFFFD0];
	v5 =	vbroadcast v5, $0xF  }
0x20d: {  	v12 =	vld [tilespmem:s9+$0xFFFFFFE0]  }
0x20e: {  	v13 =	vld [tilespmem:s10+$0xFFFFFFE0]  }
0x20f: {  	v14 =	vld [tilespmem:s9+$0xFFFFFFF0]  }
0x210: {  	v15 =	vld [tilespmem:s10+$0xFFFFFFF0]  }
0x211: {  	v49 =	vld [tilespmem:s9+$0x0];
	v4 =	vmul.f32 v8, v4;
	v48 =	vmul.f32 v11, v9  }
0x212: {  	v50 =	vld [tilespmem:s10+$0x0]  }
0x213: {  	v52 =	vld [tilespmem:s9+$0x10];
	v51 =	vmul.f32 v13, v12;
	v4 =	vadd.f32 v48, v4  }
0x214: {  	v53 =	vld [tilespmem:s10+$0x10]  }
0x215: {  	v55 =	vld [tilespmem:s9+$0x20];
	v54 =	vmul.f32 v15, v14;
	v4 =	vadd.f32 v51, v4  }
0x216: {  	v56 =	vld [tilespmem:s10+$0x20]  }
0x217: {  	v58 =	vld [tilespmem:s9+$0x30];
	v57 =	vmul.f32 v50, v49;
	v4 =	vadd.f32 v54, v4  }
0x218: {  	v59 =	vld [tilespmem:s10+$0x30]  }
0x219: {  	v60 =	vmul.f32 v53, v52;
	v4 =	vadd.f32 v57, v4;
	_ =	sdelay $0x1  }
0x21a: {  	v61 =	vmul.f32 v56, v55;
	v4 =	vadd.f32 v60, v4  }
0x21b: {  	v6 =	vadd.f32 v10, v6;
	v2 =	vmul.f32 v3, v2  }
0x21c: {  	v62 =	vmul.f32 v59, v58;
	v3 =	vadd.f32 v61, v4  }
0x21d: {  	v2 =	vadd.f32 v2, v6  }
0x21e: {  	v3 =	vadd.f32 v62, v3  }
0x21f: {  	(xrf2) =	vadd.scan.msk.f32 $0xffff, v2  }
0x220: {  	(xrf2) =	vadd.scan.msk.f32 $0xffff, v3;
	_ =	sdelay $0x7  }
0x221: {  	s11 =	sshll.u32 s30, $0x4;
	s30 =	sadd.s32 $0x1, s30  }
0x222: {  	vm0 =	veq.s32 v7, v0;
	p0 =	sne.s32 s30, $0x4;
	v2, _, _ =	vpop (xrf2)  }
.Ltmp9:
0x223: {  	v1 =	vsel vm0, v5, v1;
	v2 =	vbroadcast v2, $0xF;
	v3 =	vmov s7;
	v63, _, _ =	vpop (xrf2);
	(pc) =	sbr.rel @p0 .LBB2_18-.Ltmp9, $4  }
0x224: {  	vm14 =	veq.s32 v3, v0;
	v3 =	vmov s6;
	v4 =	vbroadcast v63, $0xF  }
0x225: {  	v1 =	vsel vm14, v2, v1;
	vm15 =	veq.s32 v3, v0  }
0x226: {  	s6 =	sand.u32 $0x3FFFFFF0, s11;
	v1 =	vsel vm15, v4, v1  }
0x227: {  	s5 =	sadd.s32 $0x800, s5;
	s26 =	sadd.s32 $0x800, s26;
	[tilespmem:s6+$0x10500] =	vst v1  }
0x228: {  	s0 =	simm.s32 $0x0;
	s5 =	simm.s32 $0x10500  }
0x229: {  	[hbm4b:s13+s0] =	stream.linear.scatter [tilespmem:s5], [sflag:$0xA], $0x40, $0x38;
	[tilespmem:$0x10600] =	vst v63  }
0x22a: {  	_ =	swait.ge [sflag:s3], $0x2000  }
0x22b: {  	[sflag:s3] =	ssyncset.done $0x0  }
0x22c: {  	[sflag:s3] =	ssyncadd.s32 $0xFFFFE000  }
0x22d: {  	_ =	swait.ge [sflag:s18], $0x2000  }
0x22e: {  	s26 =	simm.s32 $0xA470;
	[sflag:s18] =	ssyncset.done $0x0  }
0x22f: {  	s30 =	simm.s32 $0x0;
	s5 =	simm.s32 $0x2470;
	[sflag:s18] =	ssyncadd.s32 $0xFFFFE000  }
.LBB2_22:
0x230: {  	v1 =	vld [tilespmem:s5+$0xFFFFFF90]  }
0x231: {  	v2 =	vld [tilespmem:s26+$0xFFFFFF90]  }
0x232: {  	v3 =	vld [tilespmem:s5+$0xFFFFFFA0]  }
0x233: {  	v4 =	vld [tilespmem:s26+$0xFFFFFFA0]  }
0x234: {  	v5 =	vld [tilespmem:s5+$0xFFFFFFB0]  }
0x235: {  	v6 =	vld [tilespmem:s26+$0xFFFFFFB0]  }
0x236: {  	v7 =	vld [tilespmem:s5+$0xFFFFFFC0]  }
0x237: {  	v8 =	vld [tilespmem:s26+$0xFFFFFFC0]  }
0x238: {  	v1 =	vmul.f32 v2, v1;
	v2 =	vmul.f32 v4, v3;
	v3 =	vld [tilespmem:s5+$0xFFFFFFD0]  }
0x239: {  	v4 =	vld [tilespmem:s26+$0xFFFFFFD0]  }
0x23a: {  	v1 =	vadd.f32 v2, v1;
	v2 =	vmul.f32 v6, v5;
	v5 =	vld [tilespmem:s5+$0xFFFFFFE0]  }
0x23b: {  	v6 =	vld [tilespmem:s26+$0xFFFFFFE0]  }
0x23c: {  	v1 =	vadd.f32 v2, v1;
	v2 =	vmul.f32 v8, v7;
	v7 =	vld [tilespmem:s5+$0xFFFFFFF0]  }
0x23d: {  	v8 =	vld [tilespmem:s26+$0xFFFFFFF0]  }
0x23e: {  	v1 =	vadd.f32 v2, v1;
	v2 =	vmul.f32 v4, v3;
	v3 =	vld [tilespmem:s5+$0x0]  }
0x23f: {  	s6 =	sadd.s32 $0x80, s5;
	v4 =	vld [tilespmem:s26+$0x0]  }
0x240: {  	s7 =	sadd.s32 $0x80, s26;
	v9 =	vld [tilespmem:s6+$0xFFFFFF90];
	v1 =	vadd.f32 v2, v1;
	v2 =	vmul.f32 v6, v5  }
0x241: {  	v5 =	vld [tilespmem:s7+$0xFFFFFF90]  }
0x242: {  	v6 =	vld [tilespmem:s6+$0xFFFFFFA0];
	v1 =	vadd.f32 v2, v1;
	v2 =	vmul.f32 v8, v7  }
0x243: {  	v7 =	vld [tilespmem:s7+$0xFFFFFFA0]  }
0x244: {  	v8 =	vld [tilespmem:s6+$0xFFFFFFB0];
	v1 =	vadd.f32 v2, v1;
	v2 =	vmul.f32 v4, v3  }
0x245: {  	v3 =	vld [tilespmem:s7+$0xFFFFFFB0]  }
0x246: {  	v4 =	vld [tilespmem:s6+$0xFFFFFFC0];
	v1 =	vadd.f32 v2, v1  }
0x247: {  	v2 =	vld [tilespmem:s7+$0xFFFFFFC0]  }
0x248: {  	v5 =	vmul.f32 v5, v9;
	v6 =	vmul.f32 v7, v6;
	v7 =	vld [tilespmem:s6+$0xFFFFFFD0];
	(xrf2) =	vadd.scan.msk.f32 $0xffff, v1  }
0x249: {  	v1 =	vld [tilespmem:s7+$0xFFFFFFD0]  }
0x24a: {  	v5 =	vadd.f32 v6, v5;
	v3 =	vmul.f32 v3, v8;
	v6 =	vld [tilespmem:s6+$0xFFFFFFE0]  }
0x24b: {  	v8 =	vld [tilespmem:s7+$0xFFFFFFE0]  }
0x24c: {  	v10 =	vld [tilespmem:s7+$0xFFFFFFF0];
	v3 =	vadd.f32 v3, v5;
	v2 =	vmul.f32 v2, v4  }
0x24d: {  	v5 =	vld [tilespmem:s6+$0xFFFFFFF0]  }
0x24e: {  	v9 =	vadd.f32 v2, v3;
	v1 =	vmul.f32 v1, v7;
	v2 =	vld [tilespmem:s6+$0x0]  }
0x24f: {  	s10 =	sadd.s32 $0x80, s7;
	v3 =	vld [tilespmem:s7+$0x0]  }
0x250: {  	s9 =	sadd.s32 $0x80, s6;
	v11 =	vld [tilespmem:s10+$0xFFFFFFA0];
	v6 =	vmul.f32 v8, v6;
	v7 =	vadd.f32 v1, v9  }
0x251: {  	v4 =	vld [tilespmem:s9+$0xFFFFFF90]  }
0x252: {  	v8 =	vld [tilespmem:s10+$0xFFFFFF90];
	v10 =	vmul.f32 v10, v5;
	v6 =	vadd.f32 v6, v7;
	v12, _, _ =	vpop (xrf2)  }
0x253: {  	s11 =	simm.s32 $0x3;
	s7 =	simm.s32 $0x1;
	s6 =	simm.s32 $0x2;
	v1 =	vimm.f32 $0.0e+00;
	v9 =	vld [tilespmem:s9+$0xFFFFFFA0];
	v7 =	vmov s0;
	v5 =	vbroadcast v12, $0xF  }
.LBB2_23:
0x254: {  	p0 =	sne.s32 s11, $0xF;
	v12 =	vld [tilespmem:s9+$0xFFFFFFB0];
	v6 =	vadd.f32 v10, v6;
	v2 =	vmul.f32 v3, v2;
	vm0 =	veq.s32 v7, v0  }
0x255: {  	v3 =	vld [tilespmem:s10+$0xFFFFFFB0];
	v1 =	vsel vm0, v5, v1  }
0x256: {  	v5 =	vld [tilespmem:s9+$0xFFFFFFC0];
	v2 =	vadd.f32 v2, v6  }
0x257: {  	v6 =	vld [tilespmem:s10+$0xFFFFFFC0]  }
0x258: {  	v4 =	vmul.f32 v8, v4;
	v7 =	vmul.f32 v11, v9;
	v8 =	vld [tilespmem:s9+$0xFFFFFFD0];
	(xrf2) =	vadd.scan.msk.f32 $0xffff, v2  }
0x259: {  	v2 =	vld [tilespmem:s10+$0xFFFFFFD0]  }
0x25a: {  	v4 =	vadd.f32 v7, v4;
	v3 =	vmul.f32 v3, v12;
	v7 =	vld [tilespmem:s9+$0xFFFFFFE0]  }
0x25b: {  	v9 =	vld [tilespmem:s10+$0xFFFFFFE0]  }
0x25c: {  	v3 =	vadd.f32 v3, v4;
	v4 =	vmul.f32 v6, v5;
	v5 =	vld [tilespmem:s9+$0xFFFFFFF0]  }
0x25d: {  	v10 =	vld [tilespmem:s10+$0xFFFFFFF0]  }
0x25e: {  	v6 =	vadd.f32 v4, v3;
	v8 =	vmul.f32 v2, v8;
	v2 =	vld [tilespmem:s9+$0x0]  }
.Ltmp10:
0x25f: {  	s9 =	sadd.s32 $0x80, s9;
	v3 =	vld [tilespmem:s10+$0x0];
	(pc) =	sbr.rel @p0 .LBB2_23-.Ltmp10, $4  }
0x260: {  	s10 =	sadd.s32 $0x80, s10;
	v4 =	vld [tilespmem:s9+$0xFFFFFF90];
	v6 =	vadd.f32 v8, v6;
	v7 =	vmul.f32 v9, v7  }
0x261: {  	v8 =	vld [tilespmem:s10+$0xFFFFFF90]  }
0x262: {  	v9 =	vld [tilespmem:s9+$0xFFFFFFA0];
	v6 =	vadd.f32 v7, v6;
	v10 =	vmul.f32 v10, v5;
	v5, _, _ =	vpop (xrf2)  }
0x263: {  	v7 =	vmov s7;
	s7 =	smov.u32 s6;
	s6 =	smov.u32 s11;
	s11 =	sadd.s32 $0x1, s11;
	v11 =	vld [tilespmem:s10+$0xFFFFFFA0];
	v5 =	vbroadcast v5, $0xF  }
0x264: {  	v12 =	vld [tilespmem:s9+$0xFFFFFFB0]  }
0x265: {  	v13 =	vld [tilespmem:s10+$0xFFFFFFB0]  }
0x266: {  	v14 =	vld [tilespmem:s9+$0xFFFFFFC0]  }
0x267: {  	v15 =	vld [tilespmem:s10+$0xFFFFFFC0]  }
0x268: {  	v49 =	vld [tilespmem:s9+$0xFFFFFFD0];
	v4 =	vmul.f32 v8, v4;
	v48 =	vmul.f32 v11, v9  }
0x269: {  	v50 =	vld [tilespmem:s10+$0xFFFFFFD0]  }
0x26a: {  	v52 =	vld [tilespmem:s9+$0xFFFFFFE0];
	v51 =	vmul.f32 v13, v12;
	v4 =	vadd.f32 v48, v4  }
0x26b: {  	v53 =	vld [tilespmem:s10+$0xFFFFFFE0]  }
0x26c: {  	v55 =	vld [tilespmem:s9+$0xFFFFFFF0];
	v54 =	vmul.f32 v15, v14;
	v4 =	vadd.f32 v51, v4  }
0x26d: {  	v56 =	vld [tilespmem:s10+$0xFFFFFFF0]  }
0x26e: {  	v58 =	vld [tilespmem:s9+$0x0];
	v57 =	vmul.f32 v50, v49;
	v4 =	vadd.f32 v54, v4  }
0x26f: {  	v59 =	vld [tilespmem:s10+$0x0]  }
0x270: {  	v60 =	vmul.f32 v53, v52;
	v4 =	vadd.f32 v57, v4;
	_ =	sdelay $0x1  }
0x271: {  	v61 =	vmul.f32 v56, v55;
	v4 =	vadd.f32 v60, v4  }
0x272: {  	v6 =	vadd.f32 v10, v6;
	v2 =	vmul.f32 v3, v2  }
0x273: {  	v62 =	vmul.f32 v59, v58;
	v3 =	vadd.f32 v61, v4  }
0x274: {  	v2 =	vadd.f32 v2, v6  }
0x275: {  	v3 =	vadd.f32 v62, v3  }
0x276: {  	(xrf2) =	vadd.scan.msk.f32 $0xffff, v2  }
0x277: {  	(xrf2) =	vadd.scan.msk.f32 $0xffff, v3;
	_ =	sdelay $0x7  }
0x278: {  	s11 =	sshll.u32 s30, $0x4;
	s30 =	sadd.s32 $0x1, s30  }
0x279: {  	vm0 =	veq.s32 v7, v0;
	p0 =	sne.s32 s30, $0x4;
	v2, _, _ =	vpop (xrf2)  }
.Ltmp11:
0x27a: {  	v1 =	vsel vm0, v5, v1;
	v2 =	vbroadcast v2, $0xF;
	v3 =	vmov s7;
	v63, _, _ =	vpop (xrf2);
	(pc) =	sbr.rel @p0 .LBB2_22-.Ltmp11, $4  }
0x27b: {  	vm14 =	veq.s32 v3, v0;
	v3 =	vmov s6;
	v4 =	vbroadcast v63, $0xF  }
0x27c: {  	v1 =	vsel vm14, v2, v1;
	vm15 =	veq.s32 v3, v0  }
0x27d: {  	s6 =	sand.u32 $0x3FFFFFF0, s11;
	v1 =	vsel vm15, v4, v1  }
0x27e: {  	s5 =	sadd.s32 $0x800, s5;
	s26 =	sadd.s32 $0x800, s26;
	[tilespmem:s6+$0x10540] =	vst v1  }
0x27f: {  	s30 =	simm.s32 $0x0;
	s0 =	simm.s32 $0x10540  }
0x280: {  	[hbm4b:s14+s30] =	stream.linear.scatter [tilespmem:s0], [sflag:$0xA], $0x40, $0x38;
	[tilespmem:$0x10600] =	vst v63  }
0x281: {  	_ =	swait.ge [sflag:s20], $0x2000  }
0x282: {  	[sflag:s20] =	ssyncset.done $0x0  }
0x283: {  	[sflag:s20] =	ssyncadd.s32 $0xFFFFE000  }
0x284: {  	_ =	swait.ge [sflag:s22], $0x2000  }
0x285: {  	s26 =	simm.s32 $0x8400;
	[sflag:s22] =	ssyncset.done $0x0  }
0x286: {  	s5 =	simm.s32 $0x0;
	s0 =	simm.s32 $0x400;
	[sflag:s22] =	ssyncadd.s32 $0xFFFFE000  }
.LBB2_26:
0x287: {  	v1 =	vmov s0  }
0x288: {  	v2 =	vmov s26;
	_ =	sdelay $0x2  }
0x289: {  	s6 =	simm.s32 $0x0  }
0x28a: {  	v3 =	vld.idx.msk [tilespmem:v1+s6+$0x4000 ss:$0x1], $0xffff  }
0x28b: {  	v4 =	vld.idx.msk [tilespmem:v2+s6+$0x4000 ss:$0x1], $0xffff  }
0x28c: {  	v5 =	vld.idx.msk [tilespmem:v1+s6+$0x4010 ss:$0x1], $0xffff  }
0x28d: {  	v6 =	vld.idx.msk [tilespmem:v2+s6+$0x4010 ss:$0x1], $0xffff  }
0x28e: {  	v7 =	vld.idx.msk [tilespmem:v1+s6+$0x4020 ss:$0x1], $0xffff  }
0x28f: {  	v8 =	vld.idx.msk [tilespmem:v2+s6+$0x4020 ss:$0x1], $0xffff  }
0x290: {  	v9 =	vld.idx.msk [tilespmem:v1+s6+$0x4030 ss:$0x1], $0xffff  }
0x291: {  	v10 =	vld.idx.msk [tilespmem:v2+s6+$0x4030 ss:$0x1], $0xffff  }
0x292: {  	v11 =	vld.idx.msk [tilespmem:v1+s6+$0x4040 ss:$0x1], $0xffff  }
0x293: {  	v12 =	vld.idx.msk [tilespmem:v2+s6+$0x4040 ss:$0x1], $0xffff  }
0x294: {  	v13 =	vld.idx.msk [tilespmem:v1+s6+$0x4050 ss:$0x1], $0xffff  }
0x295: {  	v14 =	vld.idx.msk [tilespmem:v2+s6+$0x4050 ss:$0x1], $0xffff  }
0x296: {  	v15 =	vld.idx.msk [tilespmem:v1+s6+$0x4060 ss:$0x1], $0xffff  }
0x297: {  	v16 =	vld.idx.msk [tilespmem:v2+s6+$0x4060 ss:$0x1], $0xffff  }
0x298: {  	v17 =	vld.idx.msk [tilespmem:v1+s6+$0x4070 ss:$0x1], $0xffff  }
0x299: {  	s7 =	simm.s32 $0x80;
	v18 =	vld.idx.msk [tilespmem:v2+s6+$0x4070 ss:$0x1], $0xffff  }
0x29a: {  	v19 =	vld.idx.msk [tilespmem:v1+s7+$0x4000 ss:$0x1], $0xffff;
	v3 =	vmul.f32 v4, v3;
	v4 =	vmul.f32 v6, v5  }
0x29b: {  	v20 =	vld.idx.msk [tilespmem:v2+s7+$0x4000 ss:$0x1], $0xffff  }
0x29c: {  	v21 =	vld.idx.msk [tilespmem:v1+s7+$0x4010 ss:$0x1], $0xffff;
	v3 =	vadd.f32 v4, v3;
	v4 =	vmul.f32 v8, v7  }
0x29d: {  	s11 =	simm.s32 $0x100;
	v22 =	vld.idx.msk [tilespmem:v2+s7+$0x4010 ss:$0x1], $0xffff  }
0x29e: {  	v60 =	vld.idx.msk [tilespmem:v1+s11+$0x4000 ss:$0x1], $0xffff;
	v3 =	vadd.f32 v4, v3;
	v4 =	vmul.f32 v10, v9  }
0x29f: {  	v61 =	vld.idx.msk [tilespmem:v2+s11+$0x4000 ss:$0x1], $0xffff  }
0x2a0: {  	v62 =	vld.idx.msk [tilespmem:v2+s11+$0x4010 ss:$0x1], $0xffff;
	v3 =	vadd.f32 v4, v3;
	v4 =	vmul.f32 v12, v11  }
0x2a1: {  	v5 =	vld.idx.msk [tilespmem:v1+s7+$0x4020 ss:$0x1], $0xffff  }
0x2a2: {  	v6 =	vld.idx.msk [tilespmem:v2+s7+$0x4020 ss:$0x1], $0xffff;
	v3 =	vadd.f32 v4, v3;
	v4 =	vmul.f32 v14, v13  }
0x2a3: {  	v7 =	vld.idx.msk [tilespmem:v1+s7+$0x4030 ss:$0x1], $0xffff  }
0x2a4: {  	v8 =	vld.idx.msk [tilespmem:v2+s7+$0x4030 ss:$0x1], $0xffff;
	v3 =	vadd.f32 v4, v3;
	v4 =	vmul.f32 v16, v15  }
0x2a5: {  	v57 =	vmul.f32 v18, v17;
	v9 =	vld.idx.msk [tilespmem:v1+s7+$0x4040 ss:$0x1], $0xffff  }
0x2a6: {  	v59 =	vmul.f32 v22, v21;
	v10 =	vld.idx.msk [tilespmem:v2+s7+$0x4040 ss:$0x1], $0xffff;
	v3 =	vadd.f32 v4, v3;
	v4 =	vmul.f32 v20, v19  }
0x2a7: {  	v5 =	vmul.f32 v6, v5;
	v6 =	vld.idx.msk [tilespmem:v1+s11+$0x4010 ss:$0x1], $0xffff  }
0x2a8: {  	v11 =	vld.idx.msk [tilespmem:v1+s7+$0x4050 ss:$0x1], $0xffff;
	v3 =	vadd.f32 v57, v3;
	v4 =	vadd.f32 v59, v4  }
0x2a9: {  	v12 =	vld.idx.msk [tilespmem:v2+s7+$0x4050 ss:$0x1], $0xffff  }
0x2aa: {  	v13 =	vld.idx.msk [tilespmem:v1+s7+$0x4060 ss:$0x1], $0xffff;
	(xrf2) =	vadd.scan.msk.f32 $0xffff, v3;
	v3 =	vadd.f32 v5, v4;
	v4 =	vmul.f32 v8, v7  }
0x2ab: {  	v14 =	vld.idx.msk [tilespmem:v2+s7+$0x4060 ss:$0x1], $0xffff  }
0x2ac: {  	v58 =	vld.idx.msk [tilespmem:v2+s7+$0x4070 ss:$0x1], $0xffff;
	v3 =	vadd.f32 v4, v3;
	v4 =	vmul.f32 v10, v9  }
0x2ad: {  	v15 =	vld.idx.msk [tilespmem:v1+s7+$0x4070 ss:$0x1], $0xffff  }
0x2ae: {  	v3 =	vadd.f32 v4, v3;
	v4 =	vmul.f32 v12, v11  }
0x2af: {  	v6 =	vmul.f32 v62, v6;
	v5 =	vld.idx.msk [tilespmem:v1+s11+$0x4020 ss:$0x1], $0xffff  }
0x2b0: {  	v8 =	vld.idx.msk [tilespmem:v1+s11+$0x4030 ss:$0x1], $0xffff;
	v11 =	vmul.f32 v61, v60;
	v3 =	vadd.f32 v4, v3;
	v4 =	vmul.f32 v14, v13  }
0x2b1: {  	v9 =	vld.idx.msk [tilespmem:v2+s11+$0x4030 ss:$0x1], $0xffff  }
0x2b2: {  	v7 =	vld.idx.msk [tilespmem:v2+s11+$0x4020 ss:$0x1], $0xffff;
	v6 =	vadd.f32 v6, v11;
	v11 =	vmul.f32 v58, v15;
	v3 =	vadd.f32 v4, v3;
	_ =	sdelay $0x1  }
0x2b3: {  	v11 =	vadd.f32 v11, v3  }
0x2b4: {  	v10 =	vld.idx.msk [tilespmem:v1+s11+$0x4040 ss:$0x1], $0xffff  }
0x2b5: {  	v12 =	vld.idx.msk [tilespmem:v2+s11+$0x4040 ss:$0x1], $0xffff;
	v8 =	vmul.f32 v9, v8;
	v9, _, _ =	vpop (xrf2);
	(xrf2) =	vadd.scan.msk.f32 $0xffff, v11  }
0x2b6: {  	v7 =	vmul.f32 v7, v5;
	v5 =	vld.idx.msk [tilespmem:v1+s11+$0x4060 ss:$0x1], $0xffff  }
0x2b7: {  	v13 =	vld.idx.msk [tilespmem:v1+s11+$0x4050 ss:$0x1], $0xffff  }
0x2b8: {  	v14 =	vld.idx.msk [tilespmem:v2+s11+$0x4050 ss:$0x1], $0xffff  }
0x2b9: {  	v7 =	vadd.f32 v7, v6;
	v6 =	vld.idx.msk [tilespmem:v2+s11+$0x4060 ss:$0x1], $0xffff  }
0x2ba: {  	v4 =	vld.idx.msk [tilespmem:v1+s11+$0x4070 ss:$0x1], $0xffff  }
0x2bb: {  	s7 =	simm.s32 $0x180;
	v15 =	vmov s30;
	v10 =	vmul.f32 v12, v10;
	v63 =	vadd.f32 v8, v7;
	v7 =	vld.idx.msk [tilespmem:v2+s11+$0x4070 ss:$0x1], $0xffff  }
0x2bc: {  	vm0 =	veq.s32 v15, v0;
	v8 =	vld.idx.msk [tilespmem:v1+s7+$0x4000 ss:$0x1], $0xffff;
	v9 =	vbroadcast v9, $0xF  }
0x2bd: {  	v3 =	vimm.f32 $0.0e+00;
	v12 =	vmul.f32 v14, v13;
	v11 =	vadd.f32 v10, v63;
	v10 =	vld.idx.msk [tilespmem:v1+s7+$0x4010 ss:$0x1], $0xffff  }
0x2be: {  	s9 =	simm.s32 $0x800;
	s6 =	simm.s32 $0x0;
	v3 =	vsel vm0, v9, v3;
	v9 =	vld.idx.msk [tilespmem:v2+s7+$0x4000 ss:$0x1], $0xffff  }
.LBB2_27:
0x2bf: {  	p0 =	sne.s32 s9, $0x1E00;
	v13 =	vld.idx.msk [tilespmem:v2+s7+$0x4010 ss:$0x1], $0xffff;
	v11 =	vadd.f32 v12, v11;
	v5 =	vmul.f32 v6, v5;
	v6, _, _ =	vpop (xrf2);
	s6 =	sadd.s32 $0x1, s6  }
0x2c0: {  	v12 =	vld.idx.msk [tilespmem:v1+s7+$0x4020 ss:$0x1], $0xffff;
	v14 =	vmov s6;
	v6 =	vbroadcast v6, $0xF  }
0x2c1: {  	v4 =	vmul.f32 v7, v4;
	v15 =	vld.idx.msk [tilespmem:v2+s7+$0x4020 ss:$0x1], $0xffff;
	v5 =	vadd.f32 v5, v11;
	vm0 =	veq.s32 v14, v0  }
0x2c2: {  	v7 =	vld.idx.msk [tilespmem:v1+s7+$0x4030 ss:$0x1], $0xffff;
	v3 =	vsel vm0, v6, v3  }
0x2c3: {  	v6 =	vld.idx.msk [tilespmem:v2+s7+$0x4030 ss:$0x1], $0xffff;
	v4 =	vadd.f32 v4, v5  }
0x2c4: {  	v11 =	vld.idx.msk [tilespmem:v1+s7+$0x4040 ss:$0x1], $0xffff  }
0x2c5: {  	v5 =	vmul.f32 v9, v8;
	v8 =	vmul.f32 v13, v10;
	v9 =	vld.idx.msk [tilespmem:v2+s7+$0x4040 ss:$0x1], $0xffff;
	(xrf2) =	vadd.scan.msk.f32 $0xffff, v4  }
0x2c6: {  	v10 =	vld.idx.msk [tilespmem:v1+s7+$0x4050 ss:$0x1], $0xffff  }
0x2c7: {  	v4 =	vadd.f32 v8, v5;
	v8 =	vmul.f32 v15, v12;
	v12 =	vld.idx.msk [tilespmem:v2+s7+$0x4050 ss:$0x1], $0xffff  }
0x2c8: {  	v5 =	vld.idx.msk [tilespmem:v1+s7+$0x4060 ss:$0x1], $0xffff  }
0x2c9: {  	v8 =	vadd.f32 v8, v4;
	v7 =	vmul.f32 v6, v7;
	v6 =	vld.idx.msk [tilespmem:v2+s7+$0x4060 ss:$0x1], $0xffff  }
.Ltmp12:
0x2ca: {  	v4 =	vld.idx.msk [tilespmem:v1+s7+$0x4070 ss:$0x1], $0xffff;
	(pc) =	sbr.rel @p0 .LBB2_27-.Ltmp12, $4  }
0x2cb: {  	v13 =	vadd.f32 v7, v8;
	v11 =	vmul.f32 v9, v11;
	v7 =	vld.idx.msk [tilespmem:v2+s7+$0x4070 ss:$0x1], $0xffff;
	s7 =	sshra.s32 s9, $0x2  }
0x2cc: {  	v8 =	vld.idx.msk [tilespmem:v1+s7+$0x4000 ss:$0x1], $0xffff  }
0x2cd: {  	v11 =	vadd.f32 v11, v13;
	v12 =	vmul.f32 v12, v10;
	v9 =	vld.idx.msk [tilespmem:v2+s7+$0x4000 ss:$0x1], $0xffff  }
0x2ce: {  	s9 =	sadd.s32 $0x200, s9;
	v10 =	vld.idx.msk [tilespmem:v1+s7+$0x4010 ss:$0x1], $0xffff  }
0x2cf: {  	_ =	sdelay $0x3  }
0x2d0: {  	v13 =	vld.idx.msk [tilespmem:v2+s7+$0x4010 ss:$0x1], $0xffff  }
0x2d1: {  	v14 =	vld.idx.msk [tilespmem:v1+s7+$0x4020 ss:$0x1], $0xffff  }
0x2d2: {  	v15 =	vld.idx.msk [tilespmem:v2+s7+$0x4020 ss:$0x1], $0xffff  }
0x2d3: {  	v16 =	vld.idx.msk [tilespmem:v1+s7+$0x4030 ss:$0x1], $0xffff  }
0x2d4: {  	v17 =	vld.idx.msk [tilespmem:v2+s7+$0x4030 ss:$0x1], $0xffff  }
0x2d5: {  	v52 =	vld.idx.msk [tilespmem:v1+s7+$0x4040 ss:$0x1], $0xffff;
	v8 =	vmul.f32 v9, v8;
	v10 =	vmul.f32 v13, v10  }
0x2d6: {  	v53 =	vld.idx.msk [tilespmem:v2+s7+$0x4040 ss:$0x1], $0xffff  }
0x2d7: {  	v54 =	vld.idx.msk [tilespmem:v1+s7+$0x4050 ss:$0x1], $0xffff;
	v14 =	vmul.f32 v15, v14;
	v8 =	vadd.f32 v10, v8  }
0x2d8: {  	v55 =	vld.idx.msk [tilespmem:v2+s7+$0x4050 ss:$0x1], $0xffff  }
0x2d9: {  	v56 =	vld.idx.msk [tilespmem:v1+s7+$0x4060 ss:$0x1], $0xffff;
	v16 =	vmul.f32 v17, v16;
	v8 =	vadd.f32 v14, v8  }
0x2da: {  	v57 =	vld.idx.msk [tilespmem:v2+s7+$0x4060 ss:$0x1], $0xffff  }
0x2db: {  	v1 =	vld.idx.msk [tilespmem:v1+s7+$0x4070 ss:$0x1], $0xffff;
	v9 =	vmul.f32 v53, v52;
	v8 =	vadd.f32 v16, v8  }
0x2dc: {  	v2 =	vld.idx.msk [tilespmem:v2+s7+$0x4070 ss:$0x1], $0xffff  }
0x2dd: {  	v58 =	vmul.f32 v55, v54;
	v8 =	vadd.f32 v9, v8  }
0x2de: {  	v59 =	vadd.f32 v12, v11;
	v5 =	vmul.f32 v6, v5  }
0x2df: {  	v61 =	vmul.f32 v57, v56;
	v60 =	vadd.f32 v58, v8  }
0x2e0: {  	v4 =	vmul.f32 v7, v4;
	v5 =	vadd.f32 v5, v59  }
0x2e1: {  	v1 =	vmul.f32 v2, v1;
	v6 =	vadd.f32 v61, v60  }
0x2e2: {  	v2 =	vadd.f32 v4, v5  }
0x2e3: {  	v1 =	vadd.f32 v1, v6  }
0x2e4: {  	(xrf2) =	vadd.scan.msk.f32 $0xffff, v2  }
0x2e5: {  	(xrf2) =	vadd.scan.msk.f32 $0xffff, v1;
	_ =	sdelay $0x6  }
0x2e6: {  	s6 =	sadd.s32 $0x1, s6;
	v1, _, _ =	vpop (xrf2)  }
0x2e7: {  	s11 =	sshll.u32 s5, $0x4;
	s5 =	sadd.s32 $0x1, s5;
	v2 =	vmov s6;
	v1 =	vbroadcast v1, $0xF  }
0x2e8: {  	p0 =	sne.s32 s5, $0x4;
	s6 =	sadd.s32 $0x1, s6;
	vm0 =	veq.s32 v2, v0;
	v62, _, _ =	vpop (xrf2)  }
.Ltmp13:
0x2e9: {  	v2 =	vmov s6;
	s6 =	sadd.s32 $0x1, s6;
	v1 =	vsel vm0, v1, v3;
	v3 =	vbroadcast v62, $0xF;
	v63, _, _ =	vpop (xrf2);
	(pc) =	sbr.rel @p0 .LBB2_26-.Ltmp13, $4  }
0x2ea: {  	vm14 =	veq.s32 v2, v0;
	v2 =	vmov s6;
	v4 =	vbroadcast v63, $0xF  }
0x2eb: {  	vm15 =	veq.s32 v2, v0;
	v1 =	vsel vm14, v3, v1  }
0x2ec: {  	s6 =	sand.u32 $0x3FFFFFF0, s11;
	v1 =	vsel vm15, v4, v1  }
0x2ed: {  	s0 =	sadd.s32 $0x800, s0;
	s26 =	sadd.s32 $0x800, s26;
	[tilespmem:s6+$0x10580] =	vst v1  }
0x2ee: {  	s30 =	simm.s32 $0x0;
	s0 =	simm.s32 $0x10580  }
0x2ef: {  	[hbm4b:s15+s30] =	stream.linear.scatter [tilespmem:s0], [sflag:$0xA], $0x40, $0x38;
	[tilespmem:$0x10600] =	vst v63  }
0x2f0: {  	_ =	swait.ge [sflag:s23], $0x2000  }
0x2f1: {  	[sflag:s23] =	ssyncset.done $0x0  }
0x2f2: {  	[sflag:s23] =	ssyncadd.s32 $0xFFFFE000  }
0x2f3: {  	_ =	swait.ge [sflag:s24], $0x2000  }
0x2f4: {  	s26 =	simm.s32 $0x8400;
	[sflag:s24] =	ssyncset.done $0x0  }
0x2f5: {  	s5 =	simm.s32 $0x0;
	s0 =	simm.s32 $0x400;
	[sflag:s24] =	ssyncadd.s32 $0xFFFFE000  }
.LBB2_30:
0x2f6: {  	v1 =	vmov s0  }
0x2f7: {  	v2 =	vmov s26;
	_ =	sdelay $0x2  }
0x2f8: {  	s6 =	simm.s32 $0x0  }
0x2f9: {  	v3 =	vld.idx.msk [tilespmem:v1+s6+$0x6000 ss:$0x1], $0xffff  }
0x2fa: {  	v4 =	vld.idx.msk [tilespmem:v2+s6+$0x6000 ss:$0x1], $0xffff  }
0x2fb: {  	v5 =	vld.idx.msk [tilespmem:v1+s6+$0x6010 ss:$0x1], $0xffff  }
0x2fc: {  	v6 =	vld.idx.msk [tilespmem:v2+s6+$0x6010 ss:$0x1], $0xffff  }
0x2fd: {  	v7 =	vld.idx.msk [tilespmem:v1+s6+$0x6020 ss:$0x1], $0xffff  }
0x2fe: {  	v8 =	vld.idx.msk [tilespmem:v2+s6+$0x6020 ss:$0x1], $0xffff  }
0x2ff: {  	v9 =	vld.idx.msk [tilespmem:v1+s6+$0x6030 ss:$0x1], $0xffff  }
0x300: {  	v10 =	vld.idx.msk [tilespmem:v2+s6+$0x6030 ss:$0x1], $0xffff  }
0x301: {  	v11 =	vld.idx.msk [tilespmem:v1+s6+$0x6040 ss:$0x1], $0xffff  }
0x302: {  	v12 =	vld.idx.msk [tilespmem:v2+s6+$0x6040 ss:$0x1], $0xffff  }
0x303: {  	v13 =	vld.idx.msk [tilespmem:v1+s6+$0x6050 ss:$0x1], $0xffff  }
0x304: {  	v14 =	vld.idx.msk [tilespmem:v2+s6+$0x6050 ss:$0x1], $0xffff  }
0x305: {  	v15 =	vld.idx.msk [tilespmem:v1+s6+$0x6060 ss:$0x1], $0xffff  }
0x306: {  	v16 =	vld.idx.msk [tilespmem:v2+s6+$0x6060 ss:$0x1], $0xffff  }
0x307: {  	v17 =	vld.idx.msk [tilespmem:v1+s6+$0x6070 ss:$0x1], $0xffff  }
0x308: {  	s7 =	simm.s32 $0x80;
	v18 =	vld.idx.msk [tilespmem:v2+s6+$0x6070 ss:$0x1], $0xffff  }
0x309: {  	v19 =	vld.idx.msk [tilespmem:v1+s7+$0x6000 ss:$0x1], $0xffff;
	v3 =	vmul.f32 v4, v3;
	v4 =	vmul.f32 v6, v5  }
0x30a: {  	v20 =	vld.idx.msk [tilespmem:v2+s7+$0x6000 ss:$0x1], $0xffff  }
0x30b: {  	v21 =	vld.idx.msk [tilespmem:v1+s7+$0x6010 ss:$0x1], $0xffff;
	v3 =	vadd.f32 v4, v3;
	v4 =	vmul.f32 v8, v7  }
0x30c: {  	s11 =	simm.s32 $0x100;
	v22 =	vld.idx.msk [tilespmem:v2+s7+$0x6010 ss:$0x1], $0xffff  }
0x30d: {  	v60 =	vld.idx.msk [tilespmem:v1+s11+$0x6000 ss:$0x1], $0xffff;
	v3 =	vadd.f32 v4, v3;
	v4 =	vmul.f32 v10, v9  }
0x30e: {  	v61 =	vld.idx.msk [tilespmem:v2+s11+$0x6000 ss:$0x1], $0xffff  }
0x30f: {  	v62 =	vld.idx.msk [tilespmem:v2+s11+$0x6010 ss:$0x1], $0xffff;
	v3 =	vadd.f32 v4, v3;
	v4 =	vmul.f32 v12, v11  }
0x310: {  	v5 =	vld.idx.msk [tilespmem:v1+s7+$0x6020 ss:$0x1], $0xffff  }
0x311: {  	v6 =	vld.idx.msk [tilespmem:v2+s7+$0x6020 ss:$0x1], $0xffff;
	v3 =	vadd.f32 v4, v3;
	v4 =	vmul.f32 v14, v13  }
0x312: {  	v7 =	vld.idx.msk [tilespmem:v1+s7+$0x6030 ss:$0x1], $0xffff  }
0x313: {  	v8 =	vld.idx.msk [tilespmem:v2+s7+$0x6030 ss:$0x1], $0xffff;
	v3 =	vadd.f32 v4, v3;
	v4 =	vmul.f32 v16, v15  }
0x314: {  	v57 =	vmul.f32 v18, v17;
	v9 =	vld.idx.msk [tilespmem:v1+s7+$0x6040 ss:$0x1], $0xffff  }
0x315: {  	v59 =	vmul.f32 v22, v21;
	v10 =	vld.idx.msk [tilespmem:v2+s7+$0x6040 ss:$0x1], $0xffff;
	v3 =	vadd.f32 v4, v3;
	v4 =	vmul.f32 v20, v19  }
0x316: {  	v5 =	vmul.f32 v6, v5;
	v6 =	vld.idx.msk [tilespmem:v1+s11+$0x6010 ss:$0x1], $0xffff  }
0x317: {  	v11 =	vld.idx.msk [tilespmem:v1+s7+$0x6050 ss:$0x1], $0xffff;
	v3 =	vadd.f32 v57, v3;
	v4 =	vadd.f32 v59, v4  }
0x318: {  	v12 =	vld.idx.msk [tilespmem:v2+s7+$0x6050 ss:$0x1], $0xffff  }
0x319: {  	v13 =	vld.idx.msk [tilespmem:v1+s7+$0x6060 ss:$0x1], $0xffff;
	(xrf2) =	vadd.scan.msk.f32 $0xffff, v3;
	v3 =	vadd.f32 v5, v4;
	v4 =	vmul.f32 v8, v7  }
0x31a: {  	v14 =	vld.idx.msk [tilespmem:v2+s7+$0x6060 ss:$0x1], $0xffff  }
0x31b: {  	v58 =	vld.idx.msk [tilespmem:v2+s7+$0x6070 ss:$0x1], $0xffff;
	v3 =	vadd.f32 v4, v3;
	v4 =	vmul.f32 v10, v9  }
0x31c: {  	v15 =	vld.idx.msk [tilespmem:v1+s7+$0x6070 ss:$0x1], $0xffff  }
0x31d: {  	v3 =	vadd.f32 v4, v3;
	v4 =	vmul.f32 v12, v11  }
0x31e: {  	v6 =	vmul.f32 v62, v6;
	v5 =	vld.idx.msk [tilespmem:v1+s11+$0x6020 ss:$0x1], $0xffff  }
0x31f: {  	v8 =	vld.idx.msk [tilespmem:v1+s11+$0x6030 ss:$0x1], $0xffff;
	v11 =	vmul.f32 v61, v60;
	v3 =	vadd.f32 v4, v3;
	v4 =	vmul.f32 v14, v13  }
0x320: {  	v9 =	vld.idx.msk [tilespmem:v2+s11+$0x6030 ss:$0x1], $0xffff  }
0x321: {  	v7 =	vld.idx.msk [tilespmem:v2+s11+$0x6020 ss:$0x1], $0xffff;
	v6 =	vadd.f32 v6, v11;
	v11 =	vmul.f32 v58, v15;
	v3 =	vadd.f32 v4, v3;
	_ =	sdelay $0x1  }
0x322: {  	v11 =	vadd.f32 v11, v3  }
0x323: {  	v10 =	vld.idx.msk [tilespmem:v1+s11+$0x6040 ss:$0x1], $0xffff  }
0x324: {  	v12 =	vld.idx.msk [tilespmem:v2+s11+$0x6040 ss:$0x1], $0xffff;
	v8 =	vmul.f32 v9, v8;
	v9, _, _ =	vpop (xrf2);
	(xrf2) =	vadd.scan.msk.f32 $0xffff, v11  }
0x325: {  	v7 =	vmul.f32 v7, v5;
	v5 =	vld.idx.msk [tilespmem:v1+s11+$0x6060 ss:$0x1], $0xffff  }
0x326: {  	v13 =	vld.idx.msk [tilespmem:v1+s11+$0x6050 ss:$0x1], $0xffff  }
0x327: {  	v14 =	vld.idx.msk [tilespmem:v2+s11+$0x6050 ss:$0x1], $0xffff  }
0x328: {  	v7 =	vadd.f32 v7, v6;
	v6 =	vld.idx.msk [tilespmem:v2+s11+$0x6060 ss:$0x1], $0xffff  }
0x329: {  	v4 =	vld.idx.msk [tilespmem:v1+s11+$0x6070 ss:$0x1], $0xffff  }
0x32a: {  	s7 =	simm.s32 $0x180;
	v15 =	vmov s30;
	v10 =	vmul.f32 v12, v10;
	v63 =	vadd.f32 v8, v7;
	v7 =	vld.idx.msk [tilespmem:v2+s11+$0x6070 ss:$0x1], $0xffff  }
0x32b: {  	vm0 =	veq.s32 v15, v0;
	v8 =	vld.idx.msk [tilespmem:v1+s7+$0x6000 ss:$0x1], $0xffff;
	v9 =	vbroadcast v9, $0xF  }
0x32c: {  	v3 =	vimm.f32 $0.0e+00;
	v12 =	vmul.f32 v14, v13;
	v11 =	vadd.f32 v10, v63;
	v10 =	vld.idx.msk [tilespmem:v1+s7+$0x6010 ss:$0x1], $0xffff  }
0x32d: {  	s9 =	simm.s32 $0x800;
	s6 =	simm.s32 $0x0;
	v3 =	vsel vm0, v9, v3;
	v9 =	vld.idx.msk [tilespmem:v2+s7+$0x6000 ss:$0x1], $0xffff  }
.LBB2_31:
0x32e: {  	p0 =	sne.s32 s9, $0x1E00;
	v13 =	vld.idx.msk [tilespmem:v2+s7+$0x6010 ss:$0x1], $0xffff;
	v11 =	vadd.f32 v12, v11;
	v5 =	vmul.f32 v6, v5;
	v6, _, _ =	vpop (xrf2);
	s6 =	sadd.s32 $0x1, s6  }
0x32f: {  	v12 =	vld.idx.msk [tilespmem:v1+s7+$0x6020 ss:$0x1], $0xffff;
	v14 =	vmov s6;
	v6 =	vbroadcast v6, $0xF  }
0x330: {  	v4 =	vmul.f32 v7, v4;
	v15 =	vld.idx.msk [tilespmem:v2+s7+$0x6020 ss:$0x1], $0xffff;
	v5 =	vadd.f32 v5, v11;
	vm0 =	veq.s32 v14, v0  }
0x331: {  	v7 =	vld.idx.msk [tilespmem:v1+s7+$0x6030 ss:$0x1], $0xffff;
	v3 =	vsel vm0, v6, v3  }
0x332: {  	v6 =	vld.idx.msk [tilespmem:v2+s7+$0x6030 ss:$0x1], $0xffff;
	v4 =	vadd.f32 v4, v5  }
0x333: {  	v11 =	vld.idx.msk [tilespmem:v1+s7+$0x6040 ss:$0x1], $0xffff  }
0x334: {  	v5 =	vmul.f32 v9, v8;
	v8 =	vmul.f32 v13, v10;
	v9 =	vld.idx.msk [tilespmem:v2+s7+$0x6040 ss:$0x1], $0xffff;
	(xrf2) =	vadd.scan.msk.f32 $0xffff, v4  }
0x335: {  	v10 =	vld.idx.msk [tilespmem:v1+s7+$0x6050 ss:$0x1], $0xffff  }
0x336: {  	v4 =	vadd.f32 v8, v5;
	v8 =	vmul.f32 v15, v12;
	v12 =	vld.idx.msk [tilespmem:v2+s7+$0x6050 ss:$0x1], $0xffff  }
0x337: {  	v5 =	vld.idx.msk [tilespmem:v1+s7+$0x6060 ss:$0x1], $0xffff  }
0x338: {  	v8 =	vadd.f32 v8, v4;
	v7 =	vmul.f32 v6, v7;
	v6 =	vld.idx.msk [tilespmem:v2+s7+$0x6060 ss:$0x1], $0xffff  }
.Ltmp14:
0x339: {  	v4 =	vld.idx.msk [tilespmem:v1+s7+$0x6070 ss:$0x1], $0xffff;
	(pc) =	sbr.rel @p0 .LBB2_31-.Ltmp14, $4  }
0x33a: {  	v13 =	vadd.f32 v7, v8;
	v11 =	vmul.f32 v9, v11;
	v7 =	vld.idx.msk [tilespmem:v2+s7+$0x6070 ss:$0x1], $0xffff;
	s7 =	sshra.s32 s9, $0x2  }
0x33b: {  	v8 =	vld.idx.msk [tilespmem:v1+s7+$0x6000 ss:$0x1], $0xffff  }
0x33c: {  	v11 =	vadd.f32 v11, v13;
	v12 =	vmul.f32 v12, v10;
	v9 =	vld.idx.msk [tilespmem:v2+s7+$0x6000 ss:$0x1], $0xffff  }
0x33d: {  	s9 =	sadd.s32 $0x200, s9;
	v10 =	vld.idx.msk [tilespmem:v1+s7+$0x6010 ss:$0x1], $0xffff  }
0x33e: {  	_ =	sdelay $0x3  }
0x33f: {  	v13 =	vld.idx.msk [tilespmem:v2+s7+$0x6010 ss:$0x1], $0xffff  }
0x340: {  	v14 =	vld.idx.msk [tilespmem:v1+s7+$0x6020 ss:$0x1], $0xffff  }
0x341: {  	v15 =	vld.idx.msk [tilespmem:v2+s7+$0x6020 ss:$0x1], $0xffff  }
0x342: {  	v16 =	vld.idx.msk [tilespmem:v1+s7+$0x6030 ss:$0x1], $0xffff  }
0x343: {  	v17 =	vld.idx.msk [tilespmem:v2+s7+$0x6030 ss:$0x1], $0xffff  }
0x344: {  	v52 =	vld.idx.msk [tilespmem:v1+s7+$0x6040 ss:$0x1], $0xffff;
	v8 =	vmul.f32 v9, v8;
	v10 =	vmul.f32 v13, v10  }
0x345: {  	v53 =	vld.idx.msk [tilespmem:v2+s7+$0x6040 ss:$0x1], $0xffff  }
0x346: {  	v54 =	vld.idx.msk [tilespmem:v1+s7+$0x6050 ss:$0x1], $0xffff;
	v14 =	vmul.f32 v15, v14;
	v8 =	vadd.f32 v10, v8  }
0x347: {  	v55 =	vld.idx.msk [tilespmem:v2+s7+$0x6050 ss:$0x1], $0xffff  }
0x348: {  	v56 =	vld.idx.msk [tilespmem:v1+s7+$0x6060 ss:$0x1], $0xffff;
	v16 =	vmul.f32 v17, v16;
	v8 =	vadd.f32 v14, v8  }
0x349: {  	v57 =	vld.idx.msk [tilespmem:v2+s7+$0x6060 ss:$0x1], $0xffff  }
0x34a: {  	v1 =	vld.idx.msk [tilespmem:v1+s7+$0x6070 ss:$0x1], $0xffff;
	v9 =	vmul.f32 v53, v52;
	v8 =	vadd.f32 v16, v8  }
0x34b: {  	v2 =	vld.idx.msk [tilespmem:v2+s7+$0x6070 ss:$0x1], $0xffff  }
0x34c: {  	v58 =	vmul.f32 v55, v54;
	v8 =	vadd.f32 v9, v8  }
0x34d: {  	v59 =	vadd.f32 v12, v11;
	v5 =	vmul.f32 v6, v5  }
0x34e: {  	v61 =	vmul.f32 v57, v56;
	v60 =	vadd.f32 v58, v8  }
0x34f: {  	v4 =	vmul.f32 v7, v4;
	v5 =	vadd.f32 v5, v59  }
0x350: {  	v1 =	vmul.f32 v2, v1;
	v6 =	vadd.f32 v61, v60  }
0x351: {  	v2 =	vadd.f32 v4, v5  }
0x352: {  	v1 =	vadd.f32 v1, v6  }
0x353: {  	(xrf2) =	vadd.scan.msk.f32 $0xffff, v2  }
0x354: {  	(xrf2) =	vadd.scan.msk.f32 $0xffff, v1;
	_ =	sdelay $0x6  }
0x355: {  	s6 =	sadd.s32 $0x1, s6;
	v1, _, _ =	vpop (xrf2)  }
0x356: {  	s11 =	sshll.u32 s5, $0x4;
	s5 =	sadd.s32 $0x1, s5;
	v2 =	vmov s6;
	v1 =	vbroadcast v1, $0xF  }
0x357: {  	p0 =	sne.s32 s5, $0x4;
	s6 =	sadd.s32 $0x1, s6;
	vm0 =	veq.s32 v2, v0;
	v62, _, _ =	vpop (xrf2)  }
.Ltmp15:
0x358: {  	v2 =	vmov s6;
	s6 =	sadd.s32 $0x1, s6;
	v1 =	vsel vm0, v1, v3;
	v3 =	vbroadcast v62, $0xF;
	v63, _, _ =	vpop (xrf2);
	(pc) =	sbr.rel @p0 .LBB2_30-.Ltmp15, $4  }
0x359: {  	vm14 =	veq.s32 v2, v0;
	v2 =	vmov s6;
	v4 =	vbroadcast v63, $0xF  }
0x35a: {  	vm15 =	veq.s32 v2, v0;
	v1 =	vsel vm14, v3, v1  }
0x35b: {  	s6 =	sand.u32 $0x3FFFFFF0, s11;
	v1 =	vsel vm15, v4, v1  }
0x35c: {  	s0 =	sadd.s32 $0x800, s0;
	s26 =	sadd.s32 $0x800, s26;
	[tilespmem:s6+$0x105C0] =	vst v1  }
0x35d: {  	s0 =	simm.s32 $0x105C0  }
0x35e: {  	[hbm4b:s16+s4] =	stream.linear.scatter [tilespmem:s0], [sflag:$0xA], $0x40, $0x38;
	[tilespmem:$0x10600] =	vst v63  }
0x35f: {  	_ =	swait.ge [sflag:s25], $0x40  }
0x360: {  	[sflag:s25] =	ssyncset.done $0x0  }
0x361: {  	[sflag:s25] =	ssyncadd.s32 $0xFFFFFFC0  }
0x362: {  	_ =	swait.ge [sflag:s25], $0x40  }
0x363: {  	[sflag:s25] =	ssyncset.done $0x0  }
0x364: {  	[sflag:s25] =	ssyncadd.s32 $0xFFFFFFC0  }
0x365: {  	_ =	swait.ge [sflag:s25], $0x40  }
0x366: {  	[sflag:s25] =	ssyncset.done $0x0  }
0x367: {  	[sflag:s25] =	ssyncadd.s32 $0xFFFFFFC0  }
0x368: {  	_ =	swait.ge [sflag:s25], $0x40  }
0x369: {  	[sflag:s25] =	ssyncset.done $0x0  }
0x36a: {  	[sflag:s25] =	ssyncadd.s32 $0xFFFFFFC0  }
0x36b: {  	_ =	swait.ge [sflag:s25], $0x40  }
0x36c: {  	[sflag:s25] =	ssyncset.done $0x0  }
0x36d: {  	[sflag:s25] =	ssyncadd.s32 $0xFFFFFFC0  }
0x36e: {  	_ =	swait.ge [sflag:s25], $0x40  }
0x36f: {  	[sflag:s25] =	ssyncset.done $0x0  }
0x370: {  	s28 =	sadd.s32 $0x1, s28;
	[sflag:s25] =	ssyncadd.s32 $0xFFFFFFC0  }
0x371: {  	p0 =	sne.s32 s28, s17;
	_ =	swait.ge [sflag:s25], $0x40  }
.Ltmp16:
0x372: {  	[sflag:s25] =	ssyncset.done $0x0;
	(pc) =	sbr.rel @p0 .LBB2_1-.Ltmp16, $4  }
0x373: {  	[sflag:s25] =	ssyncadd.s32 $0xFFFFFFC0  }
0x374: {  	_ =	swait.ge [sflag:s25], $0x40  }
0x375: {  	[sflag:s25] =	ssyncset.done $0x0  }
0x376: {  	[sflag:s25] =	ssyncadd.s32 $0xFFFFFFC0  }
0x377: {  	_ =	sfence.sel $0x180000  }
0x378: {  	[bflag:$0x0] =	sbarrier.arrive $0xFFFF  }
0x379: {  	_ =	strace $0x90000047  }
0x37a: {  	s0 =	stileid.u32;
	[bflag:$0x2] =	sbarrier.arrive $0xFFFF  }
0x37b: {  	p0 =	sne.s32 s0, $0x0;
	s0 =	rddreg [dreg:$0x5]  }
0x37c: {  	s0 =	sadd.s32 @!p0 $0x100000, s0  }
0x37d: {  	[sflag:s0] =	ssyncadd.tile.s32 @!p0 $0x1;
	_ =	shalt  }
.Lfunc_end2:
_tile_overlayer_lowered:
.L_overlay_start_2:
0x37e: {  	(tag) =	ssettag $0x2  }
0x37f: {  	s0 =	rddreg [dreg:$0x0];
	s2 =	stileid.u32  }
0x380: {  	s1 =	rddreg [dreg:$0x1];
	p0 =	sne.s32 s2, $0x0  }
0x381: {  	s3 =	rddreg [dreg:$0x2];
	[bflag:$0x3] =	sbarrier.arrive $0xFFFF;
	s2 =	simm.s32 @!p0 $0x1C0B  }
0x382: {  	[timem:s3], [sflag:s2] =	dma.local @!p0 [hbm:s0], s1  }
0x383: {  	s0 =	simm.s32 @!p0 $0xB  }
0x384: {  	_ =	swait.ge @!p0 [sflag:s0], s1  }
0x385: {  	s1 =	ssub.s32 @!p0 $0x0, s1;
	[sflag:s0] =	ssyncset.done @!p0 $0x0  }
0x386: {  	[sflag:s0] =	ssyncadd.s32 @!p0 s1  }
0x387: {  	[bflag:$0x3] =	sbarrier.arrive $0xFFFF  }
0x388: {  	_ =	shalt  }

</sc_bundles>
